<compile_context>
chip_gen: v7x
topology: tpu7x:2x2x1
jax: 0.10.2.dev20260603
libtpu: 0.0.44.dev20260713+nightly
codegen_flags: <defaults>
</compile_context>

<pallas_src>
import functools

import jax
import jax.numpy as jnp
from jax import lax
from jax.experimental import pallas as pl
from jax.experimental.pallas import tpu as pltpu
from jax.experimental.pallas import tpu_sc as plsc

NC = 2
NS = 16
L = 16
NW = NC * NS
CH = 2
NBUF = 4


def _embed(B, D, labels2, means, stds, noise):
    BPW = B // NW
    NCHUNK = BPW // CH

    mesh = plsc.VectorSubcoreMesh(core_axis_name="c", subcore_axis_name="s")

    @functools.partial(
        pl.kernel,
        mesh=mesh,
        out_type=jax.ShapeDtypeStruct((B, D), jnp.float32),
        scratch_types=(
            [pltpu.VMEM((NCHUNK, CH), jnp.int32),
             pltpu.VMEM((NBUF, CH, D), jnp.float32),
             pltpu.VMEM((NBUF, CH, D), jnp.float32),
             pltpu.VMEM((NBUF, CH, D), jnp.float32)]
            + [pltpu.SemaphoreType.DMA] * (4 * NBUF)
        ),
    )
    def k(labels_hbm, means_hbm, stds_hbm, noise_hbm, out_hbm,
          idx_v, mbuf, sbuf, nbuf, *sems):
        sem_m = sems[0:NBUF]
        sem_s = sems[NBUF:2 * NBUF]
        sem_n = sems[2 * NBUF:3 * NBUF]
        sem_o = sems[3 * NBUF:4 * NBUF]

        wid = lax.axis_index("s") * NC + lax.axis_index("c")
        base = wid * BPW

        pltpu.sync_copy(labels_hbm.at[pl.ds(wid * NCHUNK, NCHUNK)], idx_v)

        def start_inputs(c, b):
            pltpu.async_copy(means_hbm.at[idx_v.at[c]], mbuf.at[b], sem_m[b])
            pltpu.async_copy(stds_hbm.at[idx_v.at[c]], sbuf.at[b], sem_s[b])
            pltpu.async_copy(noise_hbm.at[pl.ds(base + c * CH, CH)],
                             nbuf.at[b], sem_n[b])

        def slot(c, b, first, prefetch):
            pltpu.make_async_copy(
                means_hbm.at[idx_v.at[c]], mbuf.at[b], sem_m[b]).wait()
            pltpu.make_async_copy(
                stds_hbm.at[idx_v.at[c]], sbuf.at[b], sem_s[b]).wait()
            pltpu.make_async_copy(
                noise_hbm.at[pl.ds(base + c * CH, CH)], nbuf.at[b],
                sem_n[b]).wait()
            for r in range(CH):
                @plsc.parallel_loop(0, D, step=L, unroll=8)
                def _(j, r=r, b=b):
                    sl = pl.ds(j, L)
                    mbuf[b, r, sl] = (mbuf[b, r, sl]
                                      + sbuf[b, r, sl] * nbuf[b, r, sl])
            pltpu.async_copy(
                mbuf.at[b], out_hbm.at[pl.ds(base + c * CH, CH)], sem_o[b])
            if prefetch:
                cn = c + (NBUF - 1)
                p = (b + NBUF - 1) % NBUF
                if not first:
                    pltpu.make_async_copy(
                        mbuf.at[p],
                        out_hbm.at[pl.ds(base + (c - 1) * CH, CH)],
                        sem_o[p]).wait()
                start_inputs(cn, p)

        for b in range(NBUF - 1):
            start_inputs(b, b)

        slot(0, 0, first=True, prefetch=True)

        @pl.loop(0, (NCHUNK - NBUF) // NBUF)
        def _(g):
            c0 = 1 + g * NBUF
            for i in range(NBUF):
                slot(c0 + i, (1 + i) % NBUF, first=False, prefetch=True)

        for i in range(NBUF - 1):
            c = NCHUNK - (NBUF - 1) + i
            slot(c, c % NBUF, first=False, prefetch=False)

        for i in range(NBUF):
            c = NCHUNK - NBUF + i
            b = c % NBUF
            pltpu.make_async_copy(
                mbuf.at[b], out_hbm.at[pl.ds(base + c * CH, CH)],
                sem_o[b]).wait()

    return k(labels2, means, stds, noise)


def kernel(labels, class_means, class_stds, noise):
    num_classes = class_means.shape[0]
    B = labels.shape[0]
    D = class_means.size // num_classes
    out = _embed(
        B, D,
        labels.astype(jnp.int32).reshape(B // CH, CH),
        class_means.reshape(num_classes, D),
        class_stds.reshape(num_classes, D),
        noise.reshape(B, D),
    )
    return out.reshape(noise.shape)

# --- scband reference (transcript-rebuilt; emitter-appended) ---
"""Pipeline reference for scband-base-embedding-44882408243233 (READ-ONLY COPY).

The authoritative reference and input builder live on the scoring server;
editing this copy changes nothing except your own understanding.
"""

import jax, jax.numpy as jnp
import numpy as np


def setup_inputs(seed: int = 0) -> dict:
    key = jax.random.key(seed)
    k1, k2, k3, k4 = jax.random.split(key, 4)
    num_classes, C, H, W, B = 1000, 4, 32, 32, 4096
    labels = jax.random.randint(k1, (B,), 0, num_classes)
    class_means = jax.random.normal(k2, (num_classes, C, H, W), dtype=jnp.float32)
    class_stds = jax.random.uniform(k3, (num_classes, C, H, W), dtype=jnp.float32)
    noise = jax.random.normal(k4, (B, C, H, W), dtype=jnp.float32)
    return {"labels": labels, "class_means": class_means, "class_stds": class_stds, "noise": noise}


def reference(labels, class_means, class_stds, noise):
    # Faithful translation of BaseEmbedding.sample(labels, sample=True):
    #   batch_means = class_means[labels]
    #   batch_stds  = class_stds[labels]
    #   return batch_means + batch_stds * noise
    batch_means = jnp.take(class_means, labels, axis=0)
    batch_stds = jnp.take(class_stds, labels, axis=0)
    return batch_means + batch_stds * noise

if __name__ == "__main__":
    import jax
    _d = setup_inputs()
    print(jax.jit(kernel)(*tuple(_d.values())))

</pallas_src>

<mosaic_0001>
#map = affine_map<(d0, d1) -> (0, 0)>
module attributes {stable_mosaic.version = 14 : i64} {
  func.func @k(%arg0: i32, %arg1: i32, %arg2: memref<2048x2xi32, #tpu.memory_space<hbm>>, %arg3: memref<1000x4096xf32, #tpu.memory_space<hbm>>, %arg4: memref<1000x4096xf32, #tpu.memory_space<hbm>>, %arg5: memref<4096x4096xf32, #tpu.memory_space<hbm>>, %arg6: memref<4096x4096xf32, #tpu.memory_space<hbm>>, %arg7: memref<64x2xi32, #tpu.memory_space<vmem>>, %arg8: memref<4x2x4096xf32, #tpu.memory_space<vmem>>, %arg9: memref<4x2x4096xf32, #tpu.memory_space<vmem>>, %arg10: memref<4x2x4096xf32, #tpu.memory_space<vmem>>, %arg11: memref<!tpu.dma_semaphore, #tpu.memory_space<semaphore_mem>>, %arg12: memref<!tpu.dma_semaphore, #tpu.memory_space<semaphore_mem>>, %arg13: memref<!tpu.dma_semaphore, #tpu.memory_space<semaphore_mem>>, %arg14: memref<!tpu.dma_semaphore, #tpu.memory_space<semaphore_mem>>, %arg15: memref<!tpu.dma_semaphore, #tpu.memory_space<semaphore_mem>>, %arg16: memref<!tpu.dma_semaphore, #tpu.memory_space<semaphore_mem>>, %arg17: memref<!tpu.dma_semaphore, #tpu.memory_space<semaphore_mem>>, %arg18: memref<!tpu.dma_semaphore, #tpu.memory_space<semaphore_mem>>, %arg19: memref<!tpu.dma_semaphore, #tpu.memory_space<semaphore_mem>>, %arg20: memref<!tpu.dma_semaphore, #tpu.memory_space<semaphore_mem>>, %arg21: memref<!tpu.dma_semaphore, #tpu.memory_space<semaphore_mem>>, %arg22: memref<!tpu.dma_semaphore, #tpu.memory_space<semaphore_mem>>, %arg23: memref<!tpu.dma_semaphore, #tpu.memory_space<semaphore_mem>>, %arg24: memref<!tpu.dma_semaphore, #tpu.memory_space<semaphore_mem>>, %arg25: memref<!tpu.dma_semaphore, #tpu.memory_space<semaphore_mem>>, %arg26: memref<!tpu.dma_semaphore, #tpu.memory_space<semaphore_mem>>) attributes {dimension_semantics = [#tpu.dimension_semantics<core_parallel>, #tpu.dimension_semantics<subcore_parallel>], iteration_bounds = array<i64: 2, 16>, scalar_prefetch = 0 : i64, scratch_operands = 20 : i64, tpu.core_type = #tpu.core_type<sc_vector_subcore>, window_params = [{transform_indices = #map}, {transform_indices = #map}, {transform_indices = #map}, {transform_indices = #map}, {transform_indices = #map}]} {
    %mul3A = arith.constant 2 : i32
    %mul3A_0 = arith.muli %arg1, %mul3A : i32
    %add3A = arith.addi %mul3A_0, %arg0 : i32
    %mul3A_1 = arith.constant 128 : i32
    %mul3A_2 = arith.muli %add3A, %mul3A_1 : i32
    %mul3A_3 = arith.constant 64 : i32
    %mul3A_4 = arith.muli %add3A, %mul3A_3 : i32
    "tpu.region"() ({
      %run_scoped3A = tpu.sem_alloc : memref<!tpu.dma_semaphore, #tpu.memory_space<semaphore_mem>>
      %dma_start3A_462 = arith.constant 0 : i32
      %dma_start3A_463 = tpu.memref_slice %arg2[%mul3A_4, %dma_start3A_462] : memref<2048x2xi32, #tpu.memory_space<hbm>> -> memref<64x2xi32, #tpu.memory_space<hbm>>
      %dma_start3A_464 = arith.constant 0 : i32
      %dma_start3A_465 = tpu.memref_slice %arg2[%mul3A_4, %dma_start3A_464] : memref<2048x2xi32, #tpu.memory_space<hbm>> -> memref<64x2xi32, #tpu.memory_space<hbm>>
      tpu.enqueue_dma source(%dma_start3A_465 : memref<64x2xi32, #tpu.memory_space<hbm>>) target(%arg7 : memref<64x2xi32, #tpu.memory_space<vmem>>) target_semaphore(%run_scoped3A : memref<!tpu.dma_semaphore, #tpu.memory_space<semaphore_mem>>)
      %dma_wait3A_466 = arith.constant 0 : i32
      %dma_wait3A_467 = tpu.memref_slice %arg2[%mul3A_4, %dma_wait3A_466] : memref<2048x2xi32, #tpu.memory_space<hbm>> -> memref<64x2xi32, #tpu.memory_space<hbm>>
      %dma_wait3A_468 = arith.constant 0 : i32
      %dma_wait3A_469 = tpu.memref_slice %arg2[%mul3A_4, %dma_wait3A_468] : memref<2048x2xi32, #tpu.memory_space<hbm>> -> memref<64x2xi32, #tpu.memory_space<hbm>>
      tpu.wait_dma2 semaphore(%run_scoped3A : memref<!tpu.dma_semaphore, #tpu.memory_space<semaphore_mem>>) src(%dma_wait3A_469 : memref<64x2xi32, #tpu.memory_space<hbm>>) dst(%arg7 : memref<64x2xi32, #tpu.memory_space<vmem>>)
      tpu.yield
    }) : () -> ()
    %dma_start3A = arith.constant 0 : i32
    %dma_start3A_5 = arith.constant 0 : i32
    %dma_start3A_6 = arith.constant 0 : i32
    %dma_start3A_7 = arith.constant 0 : i32
    %dma_start3A_8 = tpu.memref_slice %arg8[%dma_start3A_5, %dma_start3A_6, %dma_start3A_7] : memref<4x2x4096xf32, #tpu.memory_space<vmem>> -> memref<1x2x4096xf32, #tpu.memory_space<vmem>>
    %dma_start3A_9 = tpu.memref_squeeze %dma_start3A_8 : memref<1x2x4096xf32, #tpu.memory_space<vmem>> -> memref<2x4096xf32, #tpu.memory_space<vmem>>
    %dma_start3A_10 = arith.constant 0 : i32
    %dma_start3A_11 = tpu.memref_slice %arg7[%dma_start3A, %dma_start3A_10] : memref<64x2xi32, #tpu.memory_space<vmem>> -> memref<1x2xi32, #tpu.memory_space<vmem>>
    %dma_start3A_12 = tpu.memref_squeeze %dma_start3A_11 : memref<1x2xi32, #tpu.memory_space<vmem>> -> memref<2xi32, #tpu.memory_space<vmem>>
    %dma_start3A_13 = arith.constant 0 : i32
    %dma_start3A_14 = arith.constant 0 : i32
    %dma_start3A_15 = tpu.memref_slice %arg3[%dma_start3A_13, %dma_start3A_14] : memref<1000x4096xf32, #tpu.memory_space<hbm>> -> memref<1000x4096xf32, #tpu.memory_space<hbm>>
    tpu.enqueue_indirect_dma source(%dma_start3A_15 : memref<1000x4096xf32, #tpu.memory_space<hbm>>) target(%dma_start3A_9 : memref<2x4096xf32, #tpu.memory_space<vmem>>) offsets(%dma_start3A_12 : memref<2xi32, #tpu.memory_space<vmem>>) semaphore(%arg11 : memref<!tpu.dma_semaphore, #tpu.memory_space<semaphore_mem>>)
    %dma_start3A_16 = arith.constant 0 : i32
    %dma_start3A_17 = arith.constant 0 : i32
    %dma_start3A_18 = arith.constant 0 : i32
    %dma_start3A_19 = arith.constant 0 : i32
    %dma_start3A_20 = tpu.memref_slice %arg9[%dma_start3A_17, %dma_start3A_18, %dma_start3A_19] : memref<4x2x4096xf32, #tpu.memory_space<vmem>> -> memref<1x2x4096xf32, #tpu.memory_space<vmem>>
    %dma_start3A_21 = tpu.memref_squeeze %dma_start3A_20 : memref<1x2x4096xf32, #tpu.memory_space<vmem>> -> memref<2x4096xf32, #tpu.memory_space<vmem>>
    %dma_start3A_22 = arith.constant 0 : i32
    %dma_start3A_23 = tpu.memref_slice %arg7[%dma_start3A_16, %dma_start3A_22] : memref<64x2xi32, #tpu.memory_space<vmem>> -> memref<1x2xi32, #tpu.memory_space<vmem>>
    %dma_start3A_24 = tpu.memref_squeeze %dma_start3A_23 : memref<1x2xi32, #tpu.memory_space<vmem>> -> memref<2xi32, #tpu.memory_space<vmem>>
    %dma_start3A_25 = arith.constant 0 : i32
    %dma_start3A_26 = arith.constant 0 : i32
    %dma_start3A_27 = tpu.memref_slice %arg4[%dma_start3A_25, %dma_start3A_26] : memref<1000x4096xf32, #tpu.memory_space<hbm>> -> memref<1000x4096xf32, #tpu.memory_space<hbm>>
    tpu.enqueue_indirect_dma source(%dma_start3A_27 : memref<1000x4096xf32, #tpu.memory_space<hbm>>) target(%dma_start3A_21 : memref<2x4096xf32, #tpu.memory_space<vmem>>) offsets(%dma_start3A_24 : memref<2xi32, #tpu.memory_space<vmem>>) semaphore(%arg15 : memref<!tpu.dma_semaphore, #tpu.memory_space<semaphore_mem>>)
    %add3A_28 = arith.constant 0 : i32
    %add3A_29 = arith.addi %mul3A_2, %add3A_28 : i32
    %dma_start3A_30 = arith.constant 0 : i32
    %dma_start3A_31 = arith.constant 0 : i32
    %dma_start3A_32 = arith.constant 0 : i32
    %dma_start3A_33 = tpu.memref_slice %arg10[%dma_start3A_30, %dma_start3A_31, %dma_start3A_32] : memref<4x2x4096xf32, #tpu.memory_space<vmem>> -> memref<1x2x4096xf32, #tpu.memory_space<vmem>>
    %dma_start3A_34 = tpu.memref_squeeze %dma_start3A_33 : memref<1x2x4096xf32, #tpu.memory_space<vmem>> -> memref<2x4096xf32, #tpu.memory_space<vmem>>
    %dma_start3A_35 = arith.constant 0 : i32
    %dma_start3A_36 = tpu.memref_slice %arg5[%add3A_29, %dma_start3A_35] : memref<4096x4096xf32, #tpu.memory_space<hbm>> -> memref<2x4096xf32, #tpu.memory_space<hbm>>
    %dma_start3A_37 = arith.constant 0 : i32
    %dma_start3A_38 = arith.constant 0 : i32
    %dma_start3A_39 = tpu.memref_slice %arg10[%dma_start3A_30, %dma_start3A_37, %dma_start3A_38] : memref<4x2x4096xf32, #tpu.memory_space<vmem>> -> memref<1x2x4096xf32, #tpu.memory_space<vmem>>
    %dma_start3A_40 = tpu.memref_squeeze %dma_start3A_39 : memref<1x2x4096xf32, #tpu.memory_space<vmem>> -> memref<2x4096xf32, #tpu.memory_space<vmem>>
    %dma_start3A_41 = arith.constant 0 : i32
    %dma_start3A_42 = tpu.memref_slice %arg5[%add3A_29, %dma_start3A_41] : memref<4096x4096xf32, #tpu.memory_space<hbm>> -> memref<2x4096xf32, #tpu.memory_space<hbm>>
    tpu.enqueue_dma source(%dma_start3A_42 : memref<2x4096xf32, #tpu.memory_space<hbm>>) target(%dma_start3A_40 : memref<2x4096xf32, #tpu.memory_space<vmem>>) target_semaphore(%arg19 : memref<!tpu.dma_semaphore, #tpu.memory_space<semaphore_mem>>)
    %dma_start3A_43 = arith.constant 1 : i32
    %dma_start3A_44 = arith.constant 1 : i32
    %dma_start3A_45 = arith.constant 0 : i32
    %dma_start3A_46 = arith.constant 0 : i32
    %dma_start3A_47 = tpu.memref_slice %arg8[%dma_start3A_44, %dma_start3A_45, %dma_start3A_46] : memref<4x2x4096xf32, #tpu.memory_space<vmem>> -> memref<1x2x4096xf32, #tpu.memory_space<vmem>>
    %dma_start3A_48 = tpu.memref_squeeze %dma_start3A_47 : memref<1x2x4096xf32, #tpu.memory_space<vmem>> -> memref<2x4096xf32, #tpu.memory_space<vmem>>
    %dma_start3A_49 = arith.constant 0 : i32
    %dma_start3A_50 = tpu.memref_slice %arg7[%dma_start3A_43, %dma_start3A_49] : memref<64x2xi32, #tpu.memory_space<vmem>> -> memref<1x2xi32, #tpu.memory_space<vmem>>
    %dma_start3A_51 = tpu.memref_squeeze %dma_start3A_50 : memref<1x2xi32, #tpu.memory_space<vmem>> -> memref<2xi32, #tpu.memory_space<vmem>>
    %dma_start3A_52 = arith.constant 0 : i32
    %dma_start3A_53 = arith.constant 0 : i32
    %dma_start3A_54 = tpu.memref_slice %arg3[%dma_start3A_52, %dma_start3A_53] : memref<1000x4096xf32, #tpu.memory_space<hbm>> -> memref<1000x4096xf32, #tpu.memory_space<hbm>>
    tpu.enqueue_indirect_dma source(%dma_start3A_54 : memref<1000x4096xf32, #tpu.memory_space<hbm>>) target(%dma_start3A_48 : memref<2x4096xf32, #tpu.memory_space<vmem>>) offsets(%dma_start3A_51 : memref<2xi32, #tpu.memory_space<vmem>>) semaphore(%arg12 : memref<!tpu.dma_semaphore, #tpu.memory_space<semaphore_mem>>)
    %dma_start3A_55 = arith.constant 1 : i32
    %dma_start3A_56 = arith.constant 1 : i32
    %dma_start3A_57 = arith.constant 0 : i32
    %dma_start3A_58 = arith.constant 0 : i32
    %dma_start3A_59 = tpu.memref_slice %arg9[%dma_start3A_56, %dma_start3A_57, %dma_start3A_58] : memref<4x2x4096xf32, #tpu.memory_space<vmem>> -> memref<1x2x4096xf32, #tpu.memory_space<vmem>>
    %dma_start3A_60 = tpu.memref_squeeze %dma_start3A_59 : memref<1x2x4096xf32, #tpu.memory_space<vmem>> -> memref<2x4096xf32, #tpu.memory_space<vmem>>
    %dma_start3A_61 = arith.constant 0 : i32
    %dma_start3A_62 = tpu.memref_slice %arg7[%dma_start3A_55, %dma_start3A_61] : memref<64x2xi32, #tpu.memory_space<vmem>> -> memref<1x2xi32, #tpu.memory_space<vmem>>
    %dma_start3A_63 = tpu.memref_squeeze %dma_start3A_62 : memref<1x2xi32, #tpu.memory_space<vmem>> -> memref<2xi32, #tpu.memory_space<vmem>>
    %dma_start3A_64 = arith.constant 0 : i32
    %dma_start3A_65 = arith.constant 0 : i32
    %dma_start3A_66 = tpu.memref_slice %arg4[%dma_start3A_64, %dma_start3A_65] : memref<1000x4096xf32, #tpu.memory_space<hbm>> -> memref<1000x4096xf32, #tpu.memory_space<hbm>>
    tpu.enqueue_indirect_dma source(%dma_start3A_66 : memref<1000x4096xf32, #tpu.memory_space<hbm>>) target(%dma_start3A_60 : memref<2x4096xf32, #tpu.memory_space<vmem>>) offsets(%dma_start3A_63 : memref<2xi32, #tpu.memory_space<vmem>>) semaphore(%arg16 : memref<!tpu.dma_semaphore, #tpu.memory_space<semaphore_mem>>)
    %add3A_67 = arith.constant 2 : i32
    %add3A_68 = arith.addi %mul3A_2, %add3A_67 : i32
    %dma_start3A_69 = arith.constant 1 : i32
    %dma_start3A_70 = arith.constant 0 : i32
    %dma_start3A_71 = arith.constant 0 : i32
    %dma_start3A_72 = tpu.memref_slice %arg10[%dma_start3A_69, %dma_start3A_70, %dma_start3A_71] : memref<4x2x4096xf32, #tpu.memory_space<vmem>> -> memref<1x2x4096xf32, #tpu.memory_space<vmem>>
    %dma_start3A_73 = tpu.memref_squeeze %dma_start3A_72 : memref<1x2x4096xf32, #tpu.memory_space<vmem>> -> memref<2x4096xf32, #tpu.memory_space<vmem>>
    %dma_start3A_74 = arith.constant 0 : i32
    %dma_start3A_75 = tpu.memref_slice %arg5[%add3A_68, %dma_start3A_74] : memref<4096x4096xf32, #tpu.memory_space<hbm>> -> memref<2x4096xf32, #tpu.memory_space<hbm>>
    %dma_start3A_76 = arith.constant 0 : i32
    %dma_start3A_77 = arith.constant 0 : i32
    %dma_start3A_78 = tpu.memref_slice %arg10[%dma_start3A_69, %dma_start3A_76, %dma_start3A_77] : memref<4x2x4096xf32, #tpu.memory_space<vmem>> -> memref<1x2x4096xf32, #tpu.memory_space<vmem>>
    %dma_start3A_79 = tpu.memref_squeeze %dma_start3A_78 : memref<1x2x4096xf32, #tpu.memory_space<vmem>> -> memref<2x4096xf32, #tpu.memory_space<vmem>>
    %dma_start3A_80 = arith.constant 0 : i32
    %dma_start3A_81 = tpu.memref_slice %arg5[%add3A_68, %dma_start3A_80] : memref<4096x4096xf32, #tpu.memory_space<hbm>> -> memref<2x4096xf32, #tpu.memory_space<hbm>>
    tpu.enqueue_dma source(%dma_start3A_81 : memref<2x4096xf32, #tpu.memory_space<hbm>>) target(%dma_start3A_79 : memref<2x4096xf32, #tpu.memory_space<vmem>>) target_semaphore(%arg20 : memref<!tpu.dma_semaphore, #tpu.memory_space<semaphore_mem>>)
    %dma_start3A_82 = arith.constant 2 : i32
    %dma_start3A_83 = arith.constant 2 : i32
    %dma_start3A_84 = arith.constant 0 : i32
    %dma_start3A_85 = arith.constant 0 : i32
    %dma_start3A_86 = tpu.memref_slice %arg8[%dma_start3A_83, %dma_start3A_84, %dma_start3A_85] : memref<4x2x4096xf32, #tpu.memory_space<vmem>> -> memref<1x2x4096xf32, #tpu.memory_space<vmem>>
    %dma_start3A_87 = tpu.memref_squeeze %dma_start3A_86 : memref<1x2x4096xf32, #tpu.memory_space<vmem>> -> memref<2x4096xf32, #tpu.memory_space<vmem>>
    %dma_start3A_88 = arith.constant 0 : i32
    %dma_start3A_89 = tpu.memref_slice %arg7[%dma_start3A_82, %dma_start3A_88] : memref<64x2xi32, #tpu.memory_space<vmem>> -> memref<1x2xi32, #tpu.memory_space<vmem>>
    %dma_start3A_90 = tpu.memref_squeeze %dma_start3A_89 : memref<1x2xi32, #tpu.memory_space<vmem>> -> memref<2xi32, #tpu.memory_space<vmem>>
    %dma_start3A_91 = arith.constant 0 : i32
    %dma_start3A_92 = arith.constant 0 : i32
    %dma_start3A_93 = tpu.memref_slice %arg3[%dma_start3A_91, %dma_start3A_92] : memref<1000x4096xf32, #tpu.memory_space<hbm>> -> memref<1000x4096xf32, #tpu.memory_space<hbm>>
    tpu.enqueue_indirect_dma source(%dma_start3A_93 : memref<1000x4096xf32, #tpu.memory_space<hbm>>) target(%dma_start3A_87 : memref<2x4096xf32, #tpu.memory_space<vmem>>) offsets(%dma_start3A_90 : memref<2xi32, #tpu.memory_space<vmem>>) semaphore(%arg13 : memref<!tpu.dma_semaphore, #tpu.memory_space<semaphore_mem>>)
    %dma_start3A_94 = arith.constant 2 : i32
    %dma_start3A_95 = arith.constant 2 : i32
    %dma_start3A_96 = arith.constant 0 : i32
    %dma_start3A_97 = arith.constant 0 : i32
    %dma_start3A_98 = tpu.memref_slice %arg9[%dma_start3A_95, %dma_start3A_96, %dma_start3A_97] : memref<4x2x4096xf32, #tpu.memory_space<vmem>> -> memref<1x2x4096xf32, #tpu.memory_space<vmem>>
    %dma_start3A_99 = tpu.memref_squeeze %dma_start3A_98 : memref<1x2x4096xf32, #tpu.memory_space<vmem>> -> memref<2x4096xf32, #tpu.memory_space<vmem>>
    %dma_start3A_100 = arith.constant 0 : i32
    %dma_start3A_101 = tpu.memref_slice %arg7[%dma_start3A_94, %dma_start3A_100] : memref<64x2xi32, #tpu.memory_space<vmem>> -> memref<1x2xi32, #tpu.memory_space<vmem>>
    %dma_start3A_102 = tpu.memref_squeeze %dma_start3A_101 : memref<1x2xi32, #tpu.memory_space<vmem>> -> memref<2xi32, #tpu.memory_space<vmem>>
    %dma_start3A_103 = arith.constant 0 : i32
    %dma_start3A_104 = arith.constant 0 : i32
    %dma_start3A_105 = tpu.memref_slice %arg4[%dma_start3A_103, %dma_start3A_104] : memref<1000x4096xf32, #tpu.memory_space<hbm>> -> memref<1000x4096xf32, #tpu.memory_space<hbm>>
    tpu.enqueue_indirect_dma source(%dma_start3A_105 : memref<1000x4096xf32, #tpu.memory_space<hbm>>) target(%dma_start3A_99 : memref<2x4096xf32, #tpu.memory_space<vmem>>) offsets(%dma_start3A_102 : memref<2xi32, #tpu.memory_space<vmem>>) semaphore(%arg17 : memref<!tpu.dma_semaphore, #tpu.memory_space<semaphore_mem>>)
    %add3A_106 = arith.constant 4 : i32
    %add3A_107 = arith.addi %mul3A_2, %add3A_106 : i32
    %dma_start3A_108 = arith.constant 2 : i32
    %dma_start3A_109 = arith.constant 0 : i32
    %dma_start3A_110 = arith.constant 0 : i32
    %dma_start3A_111 = tpu.memref_slice %arg10[%dma_start3A_108, %dma_start3A_109, %dma_start3A_110] : memref<4x2x4096xf32, #tpu.memory_space<vmem>> -> memref<1x2x4096xf32, #tpu.memory_space<vmem>>
    %dma_start3A_112 = tpu.memref_squeeze %dma_start3A_111 : memref<1x2x4096xf32, #tpu.memory_space<vmem>> -> memref<2x4096xf32, #tpu.memory_space<vmem>>
    %dma_start3A_113 = arith.constant 0 : i32
    %dma_start3A_114 = tpu.memref_slice %arg5[%add3A_107, %dma_start3A_113] : memref<4096x4096xf32, #tpu.memory_space<hbm>> -> memref<2x4096xf32, #tpu.memory_space<hbm>>
    %dma_start3A_115 = arith.constant 0 : i32
    %dma_start3A_116 = arith.constant 0 : i32
    %dma_start3A_117 = tpu.memref_slice %arg10[%dma_start3A_108, %dma_start3A_115, %dma_start3A_116] : memref<4x2x4096xf32, #tpu.memory_space<vmem>> -> memref<1x2x4096xf32, #tpu.memory_space<vmem>>
    %dma_start3A_118 = tpu.memref_squeeze %dma_start3A_117 : memref<1x2x4096xf32, #tpu.memory_space<vmem>> -> memref<2x4096xf32, #tpu.memory_space<vmem>>
    %dma_start3A_119 = arith.constant 0 : i32
    %dma_start3A_120 = tpu.memref_slice %arg5[%add3A_107, %dma_start3A_119] : memref<4096x4096xf32, #tpu.memory_space<hbm>> -> memref<2x4096xf32, #tpu.memory_space<hbm>>
    tpu.enqueue_dma source(%dma_start3A_120 : memref<2x4096xf32, #tpu.memory_space<hbm>>) target(%dma_start3A_118 : memref<2x4096xf32, #tpu.memory_space<vmem>>) target_semaphore(%arg21 : memref<!tpu.dma_semaphore, #tpu.memory_space<semaphore_mem>>)
    %dma_wait3A = arith.constant 0 : i32
    %dma_wait3A_121 = arith.constant 0 : i32
    %dma_wait3A_122 = arith.constant 0 : i32
    %dma_wait3A_123 = arith.constant 0 : i32
    %dma_wait3A_124 = tpu.memref_slice %arg8[%dma_wait3A_121, %dma_wait3A_122, %dma_wait3A_123] : memref<4x2x4096xf32, #tpu.memory_space<vmem>> -> memref<1x2x4096xf32, #tpu.memory_space<vmem>>
    %dma_wait3A_125 = tpu.memref_squeeze %dma_wait3A_124 : memref<1x2x4096xf32, #tpu.memory_space<vmem>> -> memref<2x4096xf32, #tpu.memory_space<vmem>>
    %dma_wait3A_126 = arith.constant 0 : i32
    %dma_wait3A_127 = tpu.memref_slice %arg7[%dma_wait3A, %dma_wait3A_126] : memref<64x2xi32, #tpu.memory_space<vmem>> -> memref<1x2xi32, #tpu.memory_space<vmem>>
    %dma_wait3A_128 = tpu.memref_squeeze %dma_wait3A_127 : memref<1x2xi32, #tpu.memory_space<vmem>> -> memref<2xi32, #tpu.memory_space<vmem>>
    %dma_wait3A_129 = arith.constant 0 : i32
    %dma_wait3A_130 = arith.constant 0 : i32
    %dma_wait3A_131 = tpu.memref_slice %arg3[%dma_wait3A_129, %dma_wait3A_130] : memref<1000x4096xf32, #tpu.memory_space<hbm>> -> memref<1000x4096xf32, #tpu.memory_space<hbm>>
    tpu.wait_indirect_dma semaphore(%arg11 : memref<!tpu.dma_semaphore, #tpu.memory_space<semaphore_mem>>) src(%dma_wait3A_131 : memref<1000x4096xf32, #tpu.memory_space<hbm>>) dst(%dma_wait3A_125 : memref<2x4096xf32, #tpu.memory_space<vmem>>)
    %dma_wait3A_132 = arith.constant 0 : i32
    %dma_wait3A_133 = arith.constant 0 : i32
    %dma_wait3A_134 = arith.constant 0 : i32
    %dma_wait3A_135 = arith.constant 0 : i32
    %dma_wait3A_136 = tpu.memref_slice %arg9[%dma_wait3A_133, %dma_wait3A_134, %dma_wait3A_135] : memref<4x2x4096xf32, #tpu.memory_space<vmem>> -> memref<1x2x4096xf32, #tpu.memory_space<vmem>>
    %dma_wait3A_137 = tpu.memref_squeeze %dma_wait3A_136 : memref<1x2x4096xf32, #tpu.memory_space<vmem>> -> memref<2x4096xf32, #tpu.memory_space<vmem>>
    %dma_wait3A_138 = arith.constant 0 : i32
    %dma_wait3A_139 = tpu.memref_slice %arg7[%dma_wait3A_132, %dma_wait3A_138] : memref<64x2xi32, #tpu.memory_space<vmem>> -> memref<1x2xi32, #tpu.memory_space<vmem>>
    %dma_wait3A_140 = tpu.memref_squeeze %dma_wait3A_139 : memref<1x2xi32, #tpu.memory_space<vmem>> -> memref<2xi32, #tpu.memory_space<vmem>>
    %dma_wait3A_141 = arith.constant 0 : i32
    %dma_wait3A_142 = arith.constant 0 : i32
    %dma_wait3A_143 = tpu.memref_slice %arg4[%dma_wait3A_141, %dma_wait3A_142] : memref<1000x4096xf32, #tpu.memory_space<hbm>> -> memref<1000x4096xf32, #tpu.memory_space<hbm>>
    tpu.wait_indirect_dma semaphore(%arg15 : memref<!tpu.dma_semaphore, #tpu.memory_space<semaphore_mem>>) src(%dma_wait3A_143 : memref<1000x4096xf32, #tpu.memory_space<hbm>>) dst(%dma_wait3A_137 : memref<2x4096xf32, #tpu.memory_space<vmem>>)
    %add3A_144 = arith.constant 0 : i32
    %add3A_145 = arith.addi %mul3A_2, %add3A_144 : i32
    %dma_wait3A_146 = arith.constant 0 : i32
    %dma_wait3A_147 = arith.constant 0 : i32
    %dma_wait3A_148 = arith.constant 0 : i32
    %dma_wait3A_149 = tpu.memref_slice %arg10[%dma_wait3A_146, %dma_wait3A_147, %dma_wait3A_148] : memref<4x2x4096xf32, #tpu.memory_space<vmem>> -> memref<1x2x4096xf32, #tpu.memory_space<vmem>>
    %dma_wait3A_150 = tpu.memref_squeeze %dma_wait3A_149 : memref<1x2x4096xf32, #tpu.memory_space<vmem>> -> memref<2x4096xf32, #tpu.memory_space<vmem>>
    %dma_wait3A_151 = arith.constant 0 : i32
    %dma_wait3A_152 = tpu.memref_slice %arg5[%add3A_145, %dma_wait3A_151] : memref<4096x4096xf32, #tpu.memory_space<hbm>> -> memref<2x4096xf32, #tpu.memory_space<hbm>>
    %dma_wait3A_153 = arith.constant 0 : i32
    %dma_wait3A_154 = arith.constant 0 : i32
    %dma_wait3A_155 = tpu.memref_slice %arg10[%dma_wait3A_146, %dma_wait3A_153, %dma_wait3A_154] : memref<4x2x4096xf32, #tpu.memory_space<vmem>> -> memref<1x2x4096xf32, #tpu.memory_space<vmem>>
    %dma_wait3A_156 = tpu.memref_squeeze %dma_wait3A_155 : memref<1x2x4096xf32, #tpu.memory_space<vmem>> -> memref<2x4096xf32, #tpu.memory_space<vmem>>
    %dma_wait3A_157 = arith.constant 0 : i32
    %dma_wait3A_158 = tpu.memref_slice %arg5[%add3A_145, %dma_wait3A_157] : memref<4096x4096xf32, #tpu.memory_space<hbm>> -> memref<2x4096xf32, #tpu.memory_space<hbm>>
    tpu.wait_dma2 semaphore(%arg19 : memref<!tpu.dma_semaphore, #tpu.memory_space<semaphore_mem>>) src(%dma_wait3A_158 : memref<2x4096xf32, #tpu.memory_space<hbm>>) dst(%dma_wait3A_156 : memref<2x4096xf32, #tpu.memory_space<vmem>>)
    %parallel_loop3A = arith.constant 0 : i32
    %parallel_loop3A_159 = arith.constant 4096 : i32
    %parallel_loop3A_160 = arith.constant 16 : i32
    scf.for %parallel_loop3A_462 = %parallel_loop3A to %parallel_loop3A_159 step %parallel_loop3A_160  : i32 {
      %parallel_loop3A_463 = arith.constant 0 : i32
      %parallel_loop3A_464 = arith.constant 0 : i32
      %parallel_loop3A_465 = arith.index_cast %parallel_loop3A_463 : i32 to index
      %parallel_loop3A_466 = arith.index_cast %parallel_loop3A_464 : i32 to index
      %parallel_loop3A_467 = arith.index_cast %parallel_loop3A_462 : i32 to index
      %parallel_loop3A_468 = tpu.vector_load %arg8[%parallel_loop3A_465, %parallel_loop3A_466, %parallel_loop3A_467] {strides = array<i32>} : memref<4x2x4096xf32, #tpu.memory_space<vmem>>, vector<1x1x16xf32>,
      %parallel_loop3A_469 = vector.shape_cast %parallel_loop3A_468 : vector<1x1x16xf32> to vector<16xf32>
      %parallel_loop3A_470 = arith.constant 0 : i32
      %parallel_loop3A_471 = arith.constant 0 : i32
      %parallel_loop3A_472 = arith.index_cast %parallel_loop3A_470 : i32 to index
      %parallel_loop3A_473 = arith.index_cast %parallel_loop3A_471 : i32 to index
      %parallel_loop3A_474 = arith.index_cast %parallel_loop3A_462 : i32 to index
      %parallel_loop3A_475 = tpu.vector_load %arg9[%parallel_loop3A_472, %parallel_loop3A_473, %parallel_loop3A_474] {strides = array<i32>} : memref<4x2x4096xf32, #tpu.memory_space<vmem>>, vector<1x1x16xf32>,
      %parallel_loop3A_476 = vector.shape_cast %parallel_loop3A_475 : vector<1x1x16xf32> to vector<16xf32>
      %parallel_loop3A_477 = arith.constant 0 : i32
      %parallel_loop3A_478 = arith.constant 0 : i32
      %parallel_loop3A_479 = arith.index_cast %parallel_loop3A_477 : i32 to index
      %parallel_loop3A_480 = arith.index_cast %parallel_loop3A_478 : i32 to index
      %parallel_loop3A_481 = arith.index_cast %parallel_loop3A_462 : i32 to index
      %parallel_loop3A_482 = tpu.vector_load %arg10[%parallel_loop3A_479, %parallel_loop3A_480, %parallel_loop3A_481] {strides = array<i32>} : memref<4x2x4096xf32, #tpu.memory_space<vmem>>, vector<1x1x16xf32>,
      %parallel_loop3A_483 = vector.shape_cast %parallel_loop3A_482 : vector<1x1x16xf32> to vector<16xf32>
      %parallel_loop3A_484 = arith.mulf %parallel_loop3A_476, %parallel_loop3A_483 : vector<16xf32>
      %parallel_loop3A_485 = arith.addf %parallel_loop3A_469, %parallel_loop3A_484 : vector<16xf32>
      %parallel_loop3A_486 = arith.constant 0 : i32
      %parallel_loop3A_487 = arith.constant 0 : i32
      %parallel_loop3A_488 = arith.index_cast %parallel_loop3A_486 : i32 to index
      %parallel_loop3A_489 = arith.index_cast %parallel_loop3A_487 : i32 to index
      %parallel_loop3A_490 = arith.index_cast %parallel_loop3A_462 : i32 to index
      %parallel_loop3A_491 = tpu.vector_load %arg8[%parallel_loop3A_488, %parallel_loop3A_489, %parallel_loop3A_490] {strides = array<i32>} : memref<4x2x4096xf32, #tpu.memory_space<vmem>>, vector<1x1x16xf32>,
      %parallel_loop3A_492 = vector.shape_cast %parallel_loop3A_491 : vector<1x1x16xf32> to vector<16xf32>
      %parallel_loop3A_493 = vector.shape_cast %parallel_loop3A_485 : vector<16xf32> to vector<1x1x16xf32>
      tpu.vector_store %arg8[%parallel_loop3A_488, %parallel_loop3A_489, %parallel_loop3A_490], %parallel_loop3A_493 {strides = array<i32>} : memref<4x2x4096xf32, #tpu.memory_space<vmem>>, vector<1x1x16xf32>,
    } {sc.loop_unroll_factor = 8 : i64, sc.parallel_access}
    %parallel_loop3A_161 = arith.constant 0 : i32
    %parallel_loop3A_162 = arith.constant 4096 : i32
    %parallel_loop3A_163 = arith.constant 16 : i32
    scf.for %parallel_loop3A_462 = %parallel_loop3A_161 to %parallel_loop3A_162 step %parallel_loop3A_163  : i32 {
      %parallel_loop3A_463 = arith.constant 0 : i32
      %parallel_loop3A_464 = arith.constant 1 : i32
      %parallel_loop3A_465 = arith.index_cast %parallel_loop3A_463 : i32 to index
      %parallel_loop3A_466 = arith.index_cast %parallel_loop3A_464 : i32 to index
      %parallel_loop3A_467 = arith.index_cast %parallel_loop3A_462 : i32 to index
      %parallel_loop3A_468 = tpu.vector_load %arg8[%parallel_loop3A_465, %parallel_loop3A_466, %parallel_loop3A_467] {strides = array<i32>} : memref<4x2x4096xf32, #tpu.memory_space<vmem>>, vector<1x1x16xf32>,
      %parallel_loop3A_469 = vector.shape_cast %parallel_loop3A_468 : vector<1x1x16xf32> to vector<16xf32>
      %parallel_loop3A_470 = arith.constant 0 : i32
      %parallel_loop3A_471 = arith.constant 1 : i32
      %parallel_loop3A_472 = arith.index_cast %parallel_loop3A_470 : i32 to index
      %parallel_loop3A_473 = arith.index_cast %parallel_loop3A_471 : i32 to index
      %parallel_loop3A_474 = arith.index_cast %parallel_loop3A_462 : i32 to index
      %parallel_loop3A_475 = tpu.vector_load %arg9[%parallel_loop3A_472, %parallel_loop3A_473, %parallel_loop3A_474] {strides = array<i32>} : memref<4x2x4096xf32, #tpu.memory_space<vmem>>, vector<1x1x16xf32>,
      %parallel_loop3A_476 = vector.shape_cast %parallel_loop3A_475 : vector<1x1x16xf32> to vector<16xf32>
      %parallel_loop3A_477 = arith.constant 0 : i32
      %parallel_loop3A_478 = arith.constant 1 : i32
      %parallel_loop3A_479 = arith.index_cast %parallel_loop3A_477 : i32 to index
      %parallel_loop3A_480 = arith.index_cast %parallel_loop3A_478 : i32 to index
      %parallel_loop3A_481 = arith.index_cast %parallel_loop3A_462 : i32 to index
      %parallel_loop3A_482 = tpu.vector_load %arg10[%parallel_loop3A_479, %parallel_loop3A_480, %parallel_loop3A_481] {strides = array<i32>} : memref<4x2x4096xf32, #tpu.memory_space<vmem>>, vector<1x1x16xf32>,
      %parallel_loop3A_483 = vector.shape_cast %parallel_loop3A_482 : vector<1x1x16xf32> to vector<16xf32>
      %parallel_loop3A_484 = arith.mulf %parallel_loop3A_476, %parallel_loop3A_483 : vector<16xf32>
      %parallel_loop3A_485 = arith.addf %parallel_loop3A_469, %parallel_loop3A_484 : vector<16xf32>
      %parallel_loop3A_486 = arith.constant 0 : i32
      %parallel_loop3A_487 = arith.constant 1 : i32
      %parallel_loop3A_488 = arith.index_cast %parallel_loop3A_486 : i32 to index
      %parallel_loop3A_489 = arith.index_cast %parallel_loop3A_487 : i32 to index
      %parallel_loop3A_490 = arith.index_cast %parallel_loop3A_462 : i32 to index
      %parallel_loop3A_491 = tpu.vector_load %arg8[%parallel_loop3A_488, %parallel_loop3A_489, %parallel_loop3A_490] {strides = array<i32>} : memref<4x2x4096xf32, #tpu.memory_space<vmem>>, vector<1x1x16xf32>,
      %parallel_loop3A_492 = vector.shape_cast %parallel_loop3A_491 : vector<1x1x16xf32> to vector<16xf32>
      %parallel_loop3A_493 = vector.shape_cast %parallel_loop3A_485 : vector<16xf32> to vector<1x1x16xf32>
      tpu.vector_store %arg8[%parallel_loop3A_488, %parallel_loop3A_489, %parallel_loop3A_490], %parallel_loop3A_493 {strides = array<i32>} : memref<4x2x4096xf32, #tpu.memory_space<vmem>>, vector<1x1x16xf32>,
    } {sc.loop_unroll_factor = 8 : i64, sc.parallel_access}
    %add3A_164 = arith.constant 0 : i32
    %add3A_165 = arith.addi %mul3A_2, %add3A_164 : i32
    %dma_start3A_166 = arith.constant 0 : i32
    %dma_start3A_167 = arith.constant 0 : i32
    %dma_start3A_168 = arith.constant 0 : i32
    %dma_start3A_169 = tpu.memref_slice %arg8[%dma_start3A_166, %dma_start3A_167, %dma_start3A_168] : memref<4x2x4096xf32, #tpu.memory_space<vmem>> -> memref<1x2x4096xf32, #tpu.memory_space<vmem>>
    %dma_start3A_170 = tpu.memref_squeeze %dma_start3A_169 : memref<1x2x4096xf32, #tpu.memory_space<vmem>> -> memref<2x4096xf32, #tpu.memory_space<vmem>>
    %dma_start3A_171 = arith.constant 0 : i32
    %dma_start3A_172 = tpu.memref_slice %arg6[%add3A_165, %dma_start3A_171] : memref<4096x4096xf32, #tpu.memory_space<hbm>> -> memref<2x4096xf32, #tpu.memory_space<hbm>>
    %dma_start3A_173 = arith.constant 0 : i32
    %dma_start3A_174 = tpu.memref_slice %arg6[%add3A_165, %dma_start3A_173] : memref<4096x4096xf32, #tpu.memory_space<hbm>> -> memref<2x4096xf32, #tpu.memory_space<hbm>>
    %dma_start3A_175 = arith.constant 0 : i32
    %dma_start3A_176 = arith.constant 0 : i32
    %dma_start3A_177 = tpu.memref_slice %arg8[%dma_start3A_166, %dma_start3A_175, %dma_start3A_176] : memref<4x2x4096xf32, #tpu.memory_space<vmem>> -> memref<1x2x4096xf32, #tpu.memory_space<vmem>>
    %dma_start3A_178 = tpu.memref_squeeze %dma_start3A_177 : memref<1x2x4096xf32, #tpu.memory_space<vmem>> -> memref<2x4096xf32, #tpu.memory_space<vmem>>
    tpu.enqueue_dma source(%dma_start3A_178 : memref<2x4096xf32, #tpu.memory_space<vmem>>) target(%dma_start3A_174 : memref<2x4096xf32, #tpu.memory_space<hbm>>) target_semaphore(%arg23 : memref<!tpu.dma_semaphore, #tpu.memory_space<semaphore_mem>>)
    %dma_start3A_179 = arith.constant 3 : i32
    %dma_start3A_180 = arith.constant 3 : i32
    %dma_start3A_181 = arith.constant 0 : i32
    %dma_start3A_182 = arith.constant 0 : i32
    %dma_start3A_183 = tpu.memref_slice %arg8[%dma_start3A_180, %dma_start3A_181, %dma_start3A_182] : memref<4x2x4096xf32, #tpu.memory_space<vmem>> -> memref<1x2x4096xf32, #tpu.memory_space<vmem>>
    %dma_start3A_184 = tpu.memref_squeeze %dma_start3A_183 : memref<1x2x4096xf32, #tpu.memory_space<vmem>> -> memref<2x4096xf32, #tpu.memory_space<vmem>>
    %dma_start3A_185 = arith.constant 0 : i32
    %dma_start3A_186 = tpu.memref_slice %arg7[%dma_start3A_179, %dma_start3A_185] : memref<64x2xi32, #tpu.memory_space<vmem>> -> memref<1x2xi32, #tpu.memory_space<vmem>>
    %dma_start3A_187 = tpu.memref_squeeze %dma_start3A_186 : memref<1x2xi32, #tpu.memory_space<vmem>> -> memref<2xi32, #tpu.memory_space<vmem>>
    %dma_start3A_188 = arith.constant 0 : i32
    %dma_start3A_189 = arith.constant 0 : i32
    %dma_start3A_190 = tpu.memref_slice %arg3[%dma_start3A_188, %dma_start3A_189] : memref<1000x4096xf32, #tpu.memory_space<hbm>> -> memref<1000x4096xf32, #tpu.memory_space<hbm>>
    tpu.enqueue_indirect_dma source(%dma_start3A_190 : memref<1000x4096xf32, #tpu.memory_space<hbm>>) target(%dma_start3A_184 : memref<2x4096xf32, #tpu.memory_space<vmem>>) offsets(%dma_start3A_187 : memref<2xi32, #tpu.memory_space<vmem>>) semaphore(%arg14 : memref<!tpu.dma_semaphore, #tpu.memory_space<semaphore_mem>>)
    %dma_start3A_191 = arith.constant 3 : i32
    %dma_start3A_192 = arith.constant 3 : i32
    %dma_start3A_193 = arith.constant 0 : i32
    %dma_start3A_194 = arith.constant 0 : i32
    %dma_start3A_195 = tpu.memref_slice %arg9[%dma_start3A_192, %dma_start3A_193, %dma_start3A_194] : memref<4x2x4096xf32, #tpu.memory_space<vmem>> -> memref<1x2x4096xf32, #tpu.memory_space<vmem>>
    %dma_start3A_196 = tpu.memref_squeeze %dma_start3A_195 : memref<1x2x4096xf32, #tpu.memory_space<vmem>> -> memref<2x4096xf32, #tpu.memory_space<vmem>>
    %dma_start3A_197 = arith.constant 0 : i32
    %dma_start3A_198 = tpu.memref_slice %arg7[%dma_start3A_191, %dma_start3A_197] : memref<64x2xi32, #tpu.memory_space<vmem>> -> memref<1x2xi32, #tpu.memory_space<vmem>>
    %dma_start3A_199 = tpu.memref_squeeze %dma_start3A_198 : memref<1x2xi32, #tpu.memory_space<vmem>> -> memref<2xi32, #tpu.memory_space<vmem>>
    %dma_start3A_200 = arith.constant 0 : i32
    %dma_start3A_201 = arith.constant 0 : i32
    %dma_start3A_202 = tpu.memref_slice %arg4[%dma_start3A_200, %dma_start3A_201] : memref<1000x4096xf32, #tpu.memory_space<hbm>> -> memref<1000x4096xf32, #tpu.memory_space<hbm>>
    tpu.enqueue_indirect_dma source(%dma_start3A_202 : memref<1000x4096xf32, #tpu.memory_space<hbm>>) target(%dma_start3A_196 : memref<2x4096xf32, #tpu.memory_space<vmem>>) offsets(%dma_start3A_199 : memref<2xi32, #tpu.memory_space<vmem>>) semaphore(%arg18 : memref<!tpu.dma_semaphore, #tpu.memory_space<semaphore_mem>>)
    %add3A_203 = arith.constant 6 : i32
    %add3A_204 = arith.addi %mul3A_2, %add3A_203 : i32
    %dma_start3A_205 = arith.constant 3 : i32
    %dma_start3A_206 = arith.constant 0 : i32
    %dma_start3A_207 = arith.constant 0 : i32
    %dma_start3A_208 = tpu.memref_slice %arg10[%dma_start3A_205, %dma_start3A_206, %dma_start3A_207] : memref<4x2x4096xf32, #tpu.memory_space<vmem>> -> memref<1x2x4096xf32, #tpu.memory_space<vmem>>
    %dma_start3A_209 = tpu.memref_squeeze %dma_start3A_208 : memref<1x2x4096xf32, #tpu.memory_space<vmem>> -> memref<2x4096xf32, #tpu.memory_space<vmem>>
    %dma_start3A_210 = arith.constant 0 : i32
    %dma_start3A_211 = tpu.memref_slice %arg5[%add3A_204, %dma_start3A_210] : memref<4096x4096xf32, #tpu.memory_space<hbm>> -> memref<2x4096xf32, #tpu.memory_space<hbm>>
    %dma_start3A_212 = arith.constant 0 : i32
    %dma_start3A_213 = arith.constant 0 : i32
    %dma_start3A_214 = tpu.memref_slice %arg10[%dma_start3A_205, %dma_start3A_212, %dma_start3A_213] : memref<4x2x4096xf32, #tpu.memory_space<vmem>> -> memref<1x2x4096xf32, #tpu.memory_space<vmem>>
    %dma_start3A_215 = tpu.memref_squeeze %dma_start3A_214 : memref<1x2x4096xf32, #tpu.memory_space<vmem>> -> memref<2x4096xf32, #tpu.memory_space<vmem>>
    %dma_start3A_216 = arith.constant 0 : i32
    %dma_start3A_217 = tpu.memref_slice %arg5[%add3A_204, %dma_start3A_216] : memref<4096x4096xf32, #tpu.memory_space<hbm>> -> memref<2x4096xf32, #tpu.memory_space<hbm>>
    tpu.enqueue_dma source(%dma_start3A_217 : memref<2x4096xf32, #tpu.memory_space<hbm>>) target(%dma_start3A_215 : memref<2x4096xf32, #tpu.memory_space<vmem>>) target_semaphore(%arg22 : memref<!tpu.dma_semaphore, #tpu.memory_space<semaphore_mem>>)
    %scan3A = arith.constant 0 : i32
    %scan3A_218 = arith.constant 15 : i32
    %scan3A_219 = arith.addi %scan3A, %scan3A_218 : i32
    %scan3A_220 = arith.constant 1 : i32
    scf.for %scan3A_462 = %scan3A to %scan3A_219 step %scan3A_220  : i32 {
      %mul3A_463 = arith.constant 1 : i32
      %mul3A_464 = arith.muli %scan3A_462, %mul3A_463 : i32
      %add3A_465 = arith.constant 0 : i32
      %add3A_466 = arith.addi %add3A_465, %mul3A_464 : i32
      %mul3A_467 = arith.constant 4 : i32
      %mul3A_468 = arith.muli %add3A_466, %mul3A_467 : i32
      %add3A_469 = arith.constant 1 : i32
      %add3A_470 = arith.addi %add3A_469, %mul3A_468 : i32
      %add3A_471 = arith.constant 0 : i32
      %add3A_472 = arith.addi %add3A_470, %add3A_471 : i32
      %dma_wait3A_473 = arith.constant 1 : i32
      %dma_wait3A_474 = arith.constant 0 : i32
      %dma_wait3A_475 = arith.constant 0 : i32
      %dma_wait3A_476 = tpu.memref_slice %arg8[%dma_wait3A_473, %dma_wait3A_474, %dma_wait3A_475] : memref<4x2x4096xf32, #tpu.memory_space<vmem>> -> memref<1x2x4096xf32, #tpu.memory_space<vmem>>
      %dma_wait3A_477 = tpu.memref_squeeze %dma_wait3A_476 : memref<1x2x4096xf32, #tpu.memory_space<vmem>> -> memref<2x4096xf32, #tpu.memory_space<vmem>>
      %dma_wait3A_478 = arith.constant 0 : i32
      %dma_wait3A_479 = tpu.memref_slice %arg7[%add3A_472, %dma_wait3A_478] : memref<64x2xi32, #tpu.memory_space<vmem>> -> memref<1x2xi32, #tpu.memory_space<vmem>>
      %dma_wait3A_480 = tpu.memref_squeeze %dma_wait3A_479 : memref<1x2xi32, #tpu.memory_space<vmem>> -> memref<2xi32, #tpu.memory_space<vmem>>
      %dma_wait3A_481 = arith.constant 0 : i32
      %dma_wait3A_482 = arith.constant 0 : i32
      %dma_wait3A_483 = tpu.memref_slice %arg3[%dma_wait3A_481, %dma_wait3A_482] : memref<1000x4096xf32, #tpu.memory_space<hbm>> -> memref<1000x4096xf32, #tpu.memory_space<hbm>>
      tpu.wait_indirect_dma semaphore(%arg12 : memref<!tpu.dma_semaphore, #tpu.memory_space<semaphore_mem>>) src(%dma_wait3A_483 : memref<1000x4096xf32, #tpu.memory_space<hbm>>) dst(%dma_wait3A_477 : memref<2x4096xf32, #tpu.memory_space<vmem>>)
      %dma_wait3A_484 = arith.constant 1 : i32
      %dma_wait3A_485 = arith.constant 0 : i32
      %dma_wait3A_486 = arith.constant 0 : i32
      %dma_wait3A_487 = tpu.memref_slice %arg9[%dma_wait3A_484, %dma_wait3A_485, %dma_wait3A_486] : memref<4x2x4096xf32, #tpu.memory_space<vmem>> -> memref<1x2x4096xf32, #tpu.memory_space<vmem>>
      %dma_wait3A_488 = tpu.memref_squeeze %dma_wait3A_487 : memref<1x2x4096xf32, #tpu.memory_space<vmem>> -> memref<2x4096xf32, #tpu.memory_space<vmem>>
      %dma_wait3A_489 = arith.constant 0 : i32
      %dma_wait3A_490 = tpu.memref_slice %arg7[%add3A_472, %dma_wait3A_489] : memref<64x2xi32, #tpu.memory_space<vmem>> -> memref<1x2xi32, #tpu.memory_space<vmem>>
      %dma_wait3A_491 = tpu.memref_squeeze %dma_wait3A_490 : memref<1x2xi32, #tpu.memory_space<vmem>> -> memref<2xi32, #tpu.memory_space<vmem>>
      %dma_wait3A_492 = arith.constant 0 : i32
      %dma_wait3A_493 = arith.constant 0 : i32
      %dma_wait3A_494 = tpu.memref_slice %arg4[%dma_wait3A_492, %dma_wait3A_493] : memref<1000x4096xf32, #tpu.memory_space<hbm>> -> memref<1000x4096xf32, #tpu.memory_space<hbm>>
      tpu.wait_indirect_dma semaphore(%arg16 : memref<!tpu.dma_semaphore, #tpu.memory_space<semaphore_mem>>) src(%dma_wait3A_494 : memref<1000x4096xf32, #tpu.memory_space<hbm>>) dst(%dma_wait3A_488 : memref<2x4096xf32, #tpu.memory_space<vmem>>)
      %mul3A_495 = arith.constant 2 : i32
      %mul3A_496 = arith.muli %add3A_472, %mul3A_495 : i32
      %add3A_497 = arith.addi %mul3A_2, %mul3A_496 : i32
      %dma_wait3A_498 = arith.constant 1 : i32
      %dma_wait3A_499 = arith.constant 0 : i32
      %dma_wait3A_500 = arith.constant 0 : i32
      %dma_wait3A_501 = tpu.memref_slice %arg10[%dma_wait3A_498, %dma_wait3A_499, %dma_wait3A_500] : memref<4x2x4096xf32, #tpu.memory_space<vmem>> -> memref<1x2x4096xf32, #tpu.memory_space<vmem>>
      %dma_wait3A_502 = tpu.memref_squeeze %dma_wait3A_501 : memref<1x2x4096xf32, #tpu.memory_space<vmem>> -> memref<2x4096xf32, #tpu.memory_space<vmem>>
      %dma_wait3A_503 = arith.constant 0 : i32
      %dma_wait3A_504 = tpu.memref_slice %arg5[%add3A_497, %dma_wait3A_503] : memref<4096x4096xf32, #tpu.memory_space<hbm>> -> memref<2x4096xf32, #tpu.memory_space<hbm>>
      %dma_wait3A_505 = arith.constant 0 : i32
      %dma_wait3A_506 = arith.constant 0 : i32
      %dma_wait3A_507 = tpu.memref_slice %arg10[%dma_wait3A_498, %dma_wait3A_505, %dma_wait3A_506] : memref<4x2x4096xf32, #tpu.memory_space<vmem>> -> memref<1x2x4096xf32, #tpu.memory_space<vmem>>
      %dma_wait3A_508 = tpu.memref_squeeze %dma_wait3A_507 : memref<1x2x4096xf32, #tpu.memory_space<vmem>> -> memref<2x4096xf32, #tpu.memory_space<vmem>>
      %dma_wait3A_509 = arith.constant 0 : i32
      %dma_wait3A_510 = tpu.memref_slice %arg5[%add3A_497, %dma_wait3A_509] : memref<4096x4096xf32, #tpu.memory_space<hbm>> -> memref<2x4096xf32, #tpu.memory_space<hbm>>
      tpu.wait_dma2 semaphore(%arg20 : memref<!tpu.dma_semaphore, #tpu.memory_space<semaphore_mem>>) src(%dma_wait3A_510 : memref<2x4096xf32, #tpu.memory_space<hbm>>) dst(%dma_wait3A_508 : memref<2x4096xf32, #tpu.memory_space<vmem>>)
      %parallel_loop3A_511 = arith.constant 0 : i32
      %parallel_loop3A_512 = arith.constant 4096 : i32
      %parallel_loop3A_513 = arith.constant 16 : i32
      scf.for %parallel_loop3A_950 = %parallel_loop3A_511 to %parallel_loop3A_512 step %parallel_loop3A_513  : i32 {
        %parallel_loop3A_951 = arith.constant 1 : i32
        %parallel_loop3A_952 = arith.constant 0 : i32
        %parallel_loop3A_953 = arith.index_cast %parallel_loop3A_951 : i32 to index
        %parallel_loop3A_954 = arith.index_cast %parallel_loop3A_952 : i32 to index
        %parallel_loop3A_955 = arith.index_cast %parallel_loop3A_950 : i32 to index
        %parallel_loop3A_956 = tpu.vector_load %arg8[%parallel_loop3A_953, %parallel_loop3A_954, %parallel_loop3A_955] {strides = array<i32>} : memref<4x2x4096xf32, #tpu.memory_space<vmem>>, vector<1x1x16xf32>,
        %parallel_loop3A_957 = vector.shape_cast %parallel_loop3A_956 : vector<1x1x16xf32> to vector<16xf32>
        %parallel_loop3A_958 = arith.constant 1 : i32
        %parallel_loop3A_959 = arith.constant 0 : i32
        %parallel_loop3A_960 = arith.index_cast %parallel_loop3A_958 : i32 to index
        %parallel_loop3A_961 = arith.index_cast %parallel_loop3A_959 : i32 to index
        %parallel_loop3A_962 = arith.index_cast %parallel_loop3A_950 : i32 to index
        %parallel_loop3A_963 = tpu.vector_load %arg9[%parallel_loop3A_960, %parallel_loop3A_961, %parallel_loop3A_962] {strides = array<i32>} : memref<4x2x4096xf32, #tpu.memory_space<vmem>>, vector<1x1x16xf32>,
        %parallel_loop3A_964 = vector.shape_cast %parallel_loop3A_963 : vector<1x1x16xf32> to vector<16xf32>
        %parallel_loop3A_965 = arith.constant 1 : i32
        %parallel_loop3A_966 = arith.constant 0 : i32
        %parallel_loop3A_967 = arith.index_cast %parallel_loop3A_965 : i32 to index
        %parallel_loop3A_968 = arith.index_cast %parallel_loop3A_966 : i32 to index
        %parallel_loop3A_969 = arith.index_cast %parallel_loop3A_950 : i32 to index
        %parallel_loop3A_970 = tpu.vector_load %arg10[%parallel_loop3A_967, %parallel_loop3A_968, %parallel_loop3A_969] {strides = array<i32>} : memref<4x2x4096xf32, #tpu.memory_space<vmem>>, vector<1x1x16xf32>,
        %parallel_loop3A_971 = vector.shape_cast %parallel_loop3A_970 : vector<1x1x16xf32> to vector<16xf32>
        %parallel_loop3A_972 = arith.mulf %parallel_loop3A_964, %parallel_loop3A_971 : vector<16xf32>
        %parallel_loop3A_973 = arith.addf %parallel_loop3A_957, %parallel_loop3A_972 : vector<16xf32>
        %parallel_loop3A_974 = arith.constant 1 : i32
        %parallel_loop3A_975 = arith.constant 0 : i32
        %parallel_loop3A_976 = arith.index_cast %parallel_loop3A_974 : i32 to index
        %parallel_loop3A_977 = arith.index_cast %parallel_loop3A_975 : i32 to index
        %parallel_loop3A_978 = arith.index_cast %parallel_loop3A_950 : i32 to index
        %parallel_loop3A_979 = tpu.vector_load %arg8[%parallel_loop3A_976, %parallel_loop3A_977, %parallel_loop3A_978] {strides = array<i32>} : memref<4x2x4096xf32, #tpu.memory_space<vmem>>, vector<1x1x16xf32>,
        %parallel_loop3A_980 = vector.shape_cast %parallel_loop3A_979 : vector<1x1x16xf32> to vector<16xf32>
        %parallel_loop3A_981 = vector.shape_cast %parallel_loop3A_973 : vector<16xf32> to vector<1x1x16xf32>
        tpu.vector_store %arg8[%parallel_loop3A_976, %parallel_loop3A_977, %parallel_loop3A_978], %parallel_loop3A_981 {strides = array<i32>} : memref<4x2x4096xf32, #tpu.memory_space<vmem>>, vector<1x1x16xf32>,
      } {sc.loop_unroll_factor = 8 : i64, sc.parallel_access}
      %parallel_loop3A_514 = arith.constant 0 : i32
      %parallel_loop3A_515 = arith.constant 4096 : i32
      %parallel_loop3A_516 = arith.constant 16 : i32
      scf.for %parallel_loop3A_950 = %parallel_loop3A_514 to %parallel_loop3A_515 step %parallel_loop3A_516  : i32 {
        %parallel_loop3A_951 = arith.constant 1 : i32
        %parallel_loop3A_952 = arith.constant 1 : i32
        %parallel_loop3A_953 = arith.index_cast %parallel_loop3A_951 : i32 to index
        %parallel_loop3A_954 = arith.index_cast %parallel_loop3A_952 : i32 to index
        %parallel_loop3A_955 = arith.index_cast %parallel_loop3A_950 : i32 to index
        %parallel_loop3A_956 = tpu.vector_load %arg8[%parallel_loop3A_953, %parallel_loop3A_954, %parallel_loop3A_955] {strides = array<i32>} : memref<4x2x4096xf32, #tpu.memory_space<vmem>>, vector<1x1x16xf32>,
        %parallel_loop3A_957 = vector.shape_cast %parallel_loop3A_956 : vector<1x1x16xf32> to vector<16xf32>
        %parallel_loop3A_958 = arith.constant 1 : i32
        %parallel_loop3A_959 = arith.constant 1 : i32
        %parallel_loop3A_960 = arith.index_cast %parallel_loop3A_958 : i32 to index
        %parallel_loop3A_961 = arith.index_cast %parallel_loop3A_959 : i32 to index
        %parallel_loop3A_962 = arith.index_cast %parallel_loop3A_950 : i32 to index
        %parallel_loop3A_963 = tpu.vector_load %arg9[%parallel_loop3A_960, %parallel_loop3A_961, %parallel_loop3A_962] {strides = array<i32>} : memref<4x2x4096xf32, #tpu.memory_space<vmem>>, vector<1x1x16xf32>,
        %parallel_loop3A_964 = vector.shape_cast %parallel_loop3A_963 : vector<1x1x16xf32> to vector<16xf32>
        %parallel_loop3A_965 = arith.constant 1 : i32
        %parallel_loop3A_966 = arith.constant 1 : i32
        %parallel_loop3A_967 = arith.index_cast %parallel_loop3A_965 : i32 to index
        %parallel_loop3A_968 = arith.index_cast %parallel_loop3A_966 : i32 to index
        %parallel_loop3A_969 = arith.index_cast %parallel_loop3A_950 : i32 to index
        %parallel_loop3A_970 = tpu.vector_load %arg10[%parallel_loop3A_967, %parallel_loop3A_968, %parallel_loop3A_969] {strides = array<i32>} : memref<4x2x4096xf32, #tpu.memory_space<vmem>>, vector<1x1x16xf32>,
        %parallel_loop3A_971 = vector.shape_cast %parallel_loop3A_970 : vector<1x1x16xf32> to vector<16xf32>
        %parallel_loop3A_972 = arith.mulf %parallel_loop3A_964, %parallel_loop3A_971 : vector<16xf32>
        %parallel_loop3A_973 = arith.addf %parallel_loop3A_957, %parallel_loop3A_972 : vector<16xf32>
        %parallel_loop3A_974 = arith.constant 1 : i32
        %parallel_loop3A_975 = arith.constant 1 : i32
        %parallel_loop3A_976 = arith.index_cast %parallel_loop3A_974 : i32 to index
        %parallel_loop3A_977 = arith.index_cast %parallel_loop3A_975 : i32 to index
        %parallel_loop3A_978 = arith.index_cast %parallel_loop3A_950 : i32 to index
        %parallel_loop3A_979 = tpu.vector_load %arg8[%parallel_loop3A_976, %parallel_loop3A_977, %parallel_loop3A_978] {strides = array<i32>} : memref<4x2x4096xf32, #tpu.memory_space<vmem>>, vector<1x1x16xf32>,
        %parallel_loop3A_980 = vector.shape_cast %parallel_loop3A_979 : vector<1x1x16xf32> to vector<16xf32>
        %parallel_loop3A_981 = vector.shape_cast %parallel_loop3A_973 : vector<16xf32> to vector<1x1x16xf32>
        tpu.vector_store %arg8[%parallel_loop3A_976, %parallel_loop3A_977, %parallel_loop3A_978], %parallel_loop3A_981 {strides = array<i32>} : memref<4x2x4096xf32, #tpu.memory_space<vmem>>, vector<1x1x16xf32>,
      } {sc.loop_unroll_factor = 8 : i64, sc.parallel_access}
      %mul3A_517 = arith.constant 2 : i32
      %mul3A_518 = arith.muli %add3A_472, %mul3A_517 : i32
      %add3A_519 = arith.addi %mul3A_2, %mul3A_518 : i32
      %dma_start3A_520 = arith.constant 1 : i32
      %dma_start3A_521 = arith.constant 0 : i32
      %dma_start3A_522 = arith.constant 0 : i32
      %dma_start3A_523 = tpu.memref_slice %arg8[%dma_start3A_520, %dma_start3A_521, %dma_start3A_522] : memref<4x2x4096xf32, #tpu.memory_space<vmem>> -> memref<1x2x4096xf32, #tpu.memory_space<vmem>>
      %dma_start3A_524 = tpu.memref_squeeze %dma_start3A_523 : memref<1x2x4096xf32, #tpu.memory_space<vmem>> -> memref<2x4096xf32, #tpu.memory_space<vmem>>
      %dma_start3A_525 = arith.constant 0 : i32
      %dma_start3A_526 = tpu.memref_slice %arg6[%add3A_519, %dma_start3A_525] : memref<4096x4096xf32, #tpu.memory_space<hbm>> -> memref<2x4096xf32, #tpu.memory_space<hbm>>
      %dma_start3A_527 = arith.constant 0 : i32
      %dma_start3A_528 = tpu.memref_slice %arg6[%add3A_519, %dma_start3A_527] : memref<4096x4096xf32, #tpu.memory_space<hbm>> -> memref<2x4096xf32, #tpu.memory_space<hbm>>
      %dma_start3A_529 = arith.constant 0 : i32
      %dma_start3A_530 = arith.constant 0 : i32
      %dma_start3A_531 = tpu.memref_slice %arg8[%dma_start3A_520, %dma_start3A_529, %dma_start3A_530] : memref<4x2x4096xf32, #tpu.memory_space<vmem>> -> memref<1x2x4096xf32, #tpu.memory_space<vmem>>
      %dma_start3A_532 = tpu.memref_squeeze %dma_start3A_531 : memref<1x2x4096xf32, #tpu.memory_space<vmem>> -> memref<2x4096xf32, #tpu.memory_space<vmem>>
      tpu.enqueue_dma source(%dma_start3A_532 : memref<2x4096xf32, #tpu.memory_space<vmem>>) target(%dma_start3A_528 : memref<2x4096xf32, #tpu.memory_space<hbm>>) target_semaphore(%arg24 : memref<!tpu.dma_semaphore, #tpu.memory_space<semaphore_mem>>)
      %add3A_533 = arith.constant 3 : i32
      %add3A_534 = arith.addi %add3A_472, %add3A_533 : i32
      %sub3A = arith.constant 1 : i32
      %sub3A_535 = arith.subi %add3A_472, %sub3A : i32
      %mul3A_536 = arith.constant 2 : i32
      %mul3A_537 = arith.muli %sub3A_535, %mul3A_536 : i32
      %add3A_538 = arith.addi %mul3A_2, %mul3A_537 : i32
      %dma_wait3A_539 = arith.constant 0 : i32
      %dma_wait3A_540 = arith.constant 0 : i32
      %dma_wait3A_541 = arith.constant 0 : i32
      %dma_wait3A_542 = tpu.memref_slice %arg8[%dma_wait3A_539, %dma_wait3A_540, %dma_wait3A_541] : memref<4x2x4096xf32, #tpu.memory_space<vmem>> -> memref<1x2x4096xf32, #tpu.memory_space<vmem>>
      %dma_wait3A_543 = tpu.memref_squeeze %dma_wait3A_542 : memref<1x2x4096xf32, #tpu.memory_space<vmem>> -> memref<2x4096xf32, #tpu.memory_space<vmem>>
      %dma_wait3A_544 = arith.constant 0 : i32
      %dma_wait3A_545 = tpu.memref_slice %arg6[%add3A_538, %dma_wait3A_544] : memref<4096x4096xf32, #tpu.memory_space<hbm>> -> memref<2x4096xf32, #tpu.memory_space<hbm>>
      %dma_wait3A_546 = arith.constant 0 : i32
      %dma_wait3A_547 = tpu.memref_slice %arg6[%add3A_538, %dma_wait3A_546] : memref<4096x4096xf32, #tpu.memory_space<hbm>> -> memref<2x4096xf32, #tpu.memory_space<hbm>>
      %dma_wait3A_548 = arith.constant 0 : i32
      %dma_wait3A_549 = arith.constant 0 : i32
      %dma_wait3A_550 = tpu.memref_slice %arg8[%dma_wait3A_539, %dma_wait3A_548, %dma_wait3A_549] : memref<4x2x4096xf32, #tpu.memory_space<vmem>> -> memref<1x2x4096xf32, #tpu.memory_space<vmem>>
      %dma_wait3A_551 = tpu.memref_squeeze %dma_wait3A_550 : memref<1x2x4096xf32, #tpu.memory_space<vmem>> -> memref<2x4096xf32, #tpu.memory_space<vmem>>
      tpu.wait_dma2 semaphore(%arg23 : memref<!tpu.dma_semaphore, #tpu.memory_space<semaphore_mem>>) src(%dma_wait3A_551 : memref<2x4096xf32, #tpu.memory_space<vmem>>) dst(%dma_wait3A_547 : memref<2x4096xf32, #tpu.memory_space<hbm>>)
      %dma_start3A_552 = arith.constant 0 : i32
      %dma_start3A_553 = arith.constant 0 : i32
      %dma_start3A_554 = arith.constant 0 : i32
      %dma_start3A_555 = tpu.memref_slice %arg8[%dma_start3A_552, %dma_start3A_553, %dma_start3A_554] : memref<4x2x4096xf32, #tpu.memory_space<vmem>> -> memref<1x2x4096xf32, #tpu.memory_space<vmem>>
      %dma_start3A_556 = tpu.memref_squeeze %dma_start3A_555 : memref<1x2x4096xf32, #tpu.memory_space<vmem>> -> memref<2x4096xf32, #tpu.memory_space<vmem>>
      %dma_start3A_557 = arith.constant 0 : i32
      %dma_start3A_558 = tpu.memref_slice %arg7[%add3A_534, %dma_start3A_557] : memref<64x2xi32, #tpu.memory_space<vmem>> -> memref<1x2xi32, #tpu.memory_space<vmem>>
      %dma_start3A_559 = tpu.memref_squeeze %dma_start3A_558 : memref<1x2xi32, #tpu.memory_space<vmem>> -> memref<2xi32, #tpu.memory_space<vmem>>
      %dma_start3A_560 = arith.constant 0 : i32
      %dma_start3A_561 = arith.constant 0 : i32
      %dma_start3A_562 = tpu.memref_slice %arg3[%dma_start3A_560, %dma_start3A_561] : memref<1000x4096xf32, #tpu.memory_space<hbm>> -> memref<1000x4096xf32, #tpu.memory_space<hbm>>
      tpu.enqueue_indirect_dma source(%dma_start3A_562 : memref<1000x4096xf32, #tpu.memory_space<hbm>>) target(%dma_start3A_556 : memref<2x4096xf32, #tpu.memory_space<vmem>>) offsets(%dma_start3A_559 : memref<2xi32, #tpu.memory_space<vmem>>) semaphore(%arg11 : memref<!tpu.dma_semaphore, #tpu.memory_space<semaphore_mem>>)
      %dma_start3A_563 = arith.constant 0 : i32
      %dma_start3A_564 = arith.constant 0 : i32
      %dma_start3A_565 = arith.constant 0 : i32
      %dma_start3A_566 = tpu.memref_slice %arg9[%dma_start3A_563, %dma_start3A_564, %dma_start3A_565] : memref<4x2x4096xf32, #tpu.memory_space<vmem>> -> memref<1x2x4096xf32, #tpu.memory_space<vmem>>
      %dma_start3A_567 = tpu.memref_squeeze %dma_start3A_566 : memref<1x2x4096xf32, #tpu.memory_space<vmem>> -> memref<2x4096xf32, #tpu.memory_space<vmem>>
      %dma_start3A_568 = arith.constant 0 : i32
      %dma_start3A_569 = tpu.memref_slice %arg7[%add3A_534, %dma_start3A_568] : memref<64x2xi32, #tpu.memory_space<vmem>> -> memref<1x2xi32, #tpu.memory_space<vmem>>
      %dma_start3A_570 = tpu.memref_squeeze %dma_start3A_569 : memref<1x2xi32, #tpu.memory_space<vmem>> -> memref<2xi32, #tpu.memory_space<vmem>>
      %dma_start3A_571 = arith.constant 0 : i32
      %dma_start3A_572 = arith.constant 0 : i32
      %dma_start3A_573 = tpu.memref_slice %arg4[%dma_start3A_571, %dma_start3A_572] : memref<1000x4096xf32, #tpu.memory_space<hbm>> -> memref<1000x4096xf32, #tpu.memory_space<hbm>>
      tpu.enqueue_indirect_dma source(%dma_start3A_573 : memref<1000x4096xf32, #tpu.memory_space<hbm>>) target(%dma_start3A_567 : memref<2x4096xf32, #tpu.memory_space<vmem>>) offsets(%dma_start3A_570 : memref<2xi32, #tpu.memory_space<vmem>>) semaphore(%arg15 : memref<!tpu.dma_semaphore, #tpu.memory_space<semaphore_mem>>)
      %mul3A_574 = arith.constant 2 : i32
      %mul3A_575 = arith.muli %add3A_534, %mul3A_574 : i32
      %add3A_576 = arith.addi %mul3A_2, %mul3A_575 : i32
      %dma_start3A_577 = arith.constant 0 : i32
      %dma_start3A_578 = arith.constant 0 : i32
      %dma_start3A_579 = arith.constant 0 : i32
      %dma_start3A_580 = tpu.memref_slice %arg10[%dma_start3A_577, %dma_start3A_578, %dma_start3A_579] : memref<4x2x4096xf32, #tpu.memory_space<vmem>> -> memref<1x2x4096xf32, #tpu.memory_space<vmem>>
      %dma_start3A_581 = tpu.memref_squeeze %dma_start3A_580 : memref<1x2x4096xf32, #tpu.memory_space<vmem>> -> memref<2x4096xf32, #tpu.memory_space<vmem>>
      %dma_start3A_582 = arith.constant 0 : i32
      %dma_start3A_583 = tpu.memref_slice %arg5[%add3A_576, %dma_start3A_582] : memref<4096x4096xf32, #tpu.memory_space<hbm>> -> memref<2x4096xf32, #tpu.memory_space<hbm>>
      %dma_start3A_584 = arith.constant 0 : i32
      %dma_start3A_585 = arith.constant 0 : i32
      %dma_start3A_586 = tpu.memref_slice %arg10[%dma_start3A_577, %dma_start3A_584, %dma_start3A_585] : memref<4x2x4096xf32, #tpu.memory_space<vmem>> -> memref<1x2x4096xf32, #tpu.memory_space<vmem>>
      %dma_start3A_587 = tpu.memref_squeeze %dma_start3A_586 : memref<1x2x4096xf32, #tpu.memory_space<vmem>> -> memref<2x4096xf32, #tpu.memory_space<vmem>>
      %dma_start3A_588 = arith.constant 0 : i32
      %dma_start3A_589 = tpu.memref_slice %arg5[%add3A_576, %dma_start3A_588] : memref<4096x4096xf32, #tpu.memory_space<hbm>> -> memref<2x4096xf32, #tpu.memory_space<hbm>>
      tpu.enqueue_dma source(%dma_start3A_589 : memref<2x4096xf32, #tpu.memory_space<hbm>>) target(%dma_start3A_587 : memref<2x4096xf32, #tpu.memory_space<vmem>>) target_semaphore(%arg19 : memref<!tpu.dma_semaphore, #tpu.memory_space<semaphore_mem>>)
      %add3A_590 = arith.constant 1 : i32
      %add3A_591 = arith.addi %add3A_470, %add3A_590 : i32
      %dma_wait3A_592 = arith.constant 2 : i32
      %dma_wait3A_593 = arith.constant 0 : i32
      %dma_wait3A_594 = arith.constant 0 : i32
      %dma_wait3A_595 = tpu.memref_slice %arg8[%dma_wait3A_592, %dma_wait3A_593, %dma_wait3A_594] : memref<4x2x4096xf32, #tpu.memory_space<vmem>> -> memref<1x2x4096xf32, #tpu.memory_space<vmem>>
      %dma_wait3A_596 = tpu.memref_squeeze %dma_wait3A_595 : memref<1x2x4096xf32, #tpu.memory_space<vmem>> -> memref<2x4096xf32, #tpu.memory_space<vmem>>
      %dma_wait3A_597 = arith.constant 0 : i32
      %dma_wait3A_598 = tpu.memref_slice %arg7[%add3A_591, %dma_wait3A_597] : memref<64x2xi32, #tpu.memory_space<vmem>> -> memref<1x2xi32, #tpu.memory_space<vmem>>
      %dma_wait3A_599 = tpu.memref_squeeze %dma_wait3A_598 : memref<1x2xi32, #tpu.memory_space<vmem>> -> memref<2xi32, #tpu.memory_space<vmem>>
      %dma_wait3A_600 = arith.constant 0 : i32
      %dma_wait3A_601 = arith.constant 0 : i32
      %dma_wait3A_602 = tpu.memref_slice %arg3[%dma_wait3A_600, %dma_wait3A_601] : memref<1000x4096xf32, #tpu.memory_space<hbm>> -> memref<1000x4096xf32, #tpu.memory_space<hbm>>
      tpu.wait_indirect_dma semaphore(%arg13 : memref<!tpu.dma_semaphore, #tpu.memory_space<semaphore_mem>>) src(%dma_wait3A_602 : memref<1000x4096xf32, #tpu.memory_space<hbm>>) dst(%dma_wait3A_596 : memref<2x4096xf32, #tpu.memory_space<vmem>>)
      %dma_wait3A_603 = arith.constant 2 : i32
      %dma_wait3A_604 = arith.constant 0 : i32
      %dma_wait3A_605 = arith.constant 0 : i32
      %dma_wait3A_606 = tpu.memref_slice %arg9[%dma_wait3A_603, %dma_wait3A_604, %dma_wait3A_605] : memref<4x2x4096xf32, #tpu.memory_space<vmem>> -> memref<1x2x4096xf32, #tpu.memory_space<vmem>>
      %dma_wait3A_607 = tpu.memref_squeeze %dma_wait3A_606 : memref<1x2x4096xf32, #tpu.memory_space<vmem>> -> memref<2x4096xf32, #tpu.memory_space<vmem>>
      %dma_wait3A_608 = arith.constant 0 : i32
      %dma_wait3A_609 = tpu.memref_slice %arg7[%add3A_591, %dma_wait3A_608] : memref<64x2xi32, #tpu.memory_space<vmem>> -> memref<1x2xi32, #tpu.memory_space<vmem>>
      %dma_wait3A_610 = tpu.memref_squeeze %dma_wait3A_609 : memref<1x2xi32, #tpu.memory_space<vmem>> -> memref<2xi32, #tpu.memory_space<vmem>>
      %dma_wait3A_611 = arith.constant 0 : i32
      %dma_wait3A_612 = arith.constant 0 : i32
      %dma_wait3A_613 = tpu.memref_slice %arg4[%dma_wait3A_611, %dma_wait3A_612] : memref<1000x4096xf32, #tpu.memory_space<hbm>> -> memref<1000x4096xf32, #tpu.memory_space<hbm>>
      tpu.wait_indirect_dma semaphore(%arg17 : memref<!tpu.dma_semaphore, #tpu.memory_space<semaphore_mem>>) src(%dma_wait3A_613 : memref<1000x4096xf32, #tpu.memory_space<hbm>>) dst(%dma_wait3A_607 : memref<2x4096xf32, #tpu.memory_space<vmem>>)
      %mul3A_614 = arith.constant 2 : i32
      %mul3A_615 = arith.muli %add3A_591, %mul3A_614 : i32
      %add3A_616 = arith.addi %mul3A_2, %mul3A_615 : i32
      %dma_wait3A_617 = arith.constant 2 : i32
      %dma_wait3A_618 = arith.constant 0 : i32
      %dma_wait3A_619 = arith.constant 0 : i32
      %dma_wait3A_620 = tpu.memref_slice %arg10[%dma_wait3A_617, %dma_wait3A_618, %dma_wait3A_619] : memref<4x2x4096xf32, #tpu.memory_space<vmem>> -> memref<1x2x4096xf32, #tpu.memory_space<vmem>>
      %dma_wait3A_621 = tpu.memref_squeeze %dma_wait3A_620 : memref<1x2x4096xf32, #tpu.memory_space<vmem>> -> memref<2x4096xf32, #tpu.memory_space<vmem>>
      %dma_wait3A_622 = arith.constant 0 : i32
      %dma_wait3A_623 = tpu.memref_slice %arg5[%add3A_616, %dma_wait3A_622] : memref<4096x4096xf32, #tpu.memory_space<hbm>> -> memref<2x4096xf32, #tpu.memory_space<hbm>>
      %dma_wait3A_624 = arith.constant 0 : i32
      %dma_wait3A_625 = arith.constant 0 : i32
      %dma_wait3A_626 = tpu.memref_slice %arg10[%dma_wait3A_617, %dma_wait3A_624, %dma_wait3A_625] : memref<4x2x4096xf32, #tpu.memory_space<vmem>> -> memref<1x2x4096xf32, #tpu.memory_space<vmem>>
      %dma_wait3A_627 = tpu.memref_squeeze %dma_wait3A_626 : memref<1x2x4096xf32, #tpu.memory_space<vmem>> -> memref<2x4096xf32, #tpu.memory_space<vmem>>
      %dma_wait3A_628 = arith.constant 0 : i32
      %dma_wait3A_629 = tpu.memref_slice %arg5[%add3A_616, %dma_wait3A_628] : memref<4096x4096xf32, #tpu.memory_space<hbm>> -> memref<2x4096xf32, #tpu.memory_space<hbm>>
      tpu.wait_dma2 semaphore(%arg21 : memref<!tpu.dma_semaphore, #tpu.memory_space<semaphore_mem>>) src(%dma_wait3A_629 : memref<2x4096xf32, #tpu.memory_space<hbm>>) dst(%dma_wait3A_627 : memref<2x4096xf32, #tpu.memory_space<vmem>>)
      %parallel_loop3A_630 = arith.constant 0 : i32
      %parallel_loop3A_631 = arith.constant 4096 : i32
      %parallel_loop3A_632 = arith.constant 16 : i32
      scf.for %parallel_loop3A_950 = %parallel_loop3A_630 to %parallel_loop3A_631 step %parallel_loop3A_632  : i32 {
        %parallel_loop3A_951 = arith.constant 2 : i32
        %parallel_loop3A_952 = arith.constant 0 : i32
        %parallel_loop3A_953 = arith.index_cast %parallel_loop3A_951 : i32 to index
        %parallel_loop3A_954 = arith.index_cast %parallel_loop3A_952 : i32 to index
        %parallel_loop3A_955 = arith.index_cast %parallel_loop3A_950 : i32 to index
        %parallel_loop3A_956 = tpu.vector_load %arg8[%parallel_loop3A_953, %parallel_loop3A_954, %parallel_loop3A_955] {strides = array<i32>} : memref<4x2x4096xf32, #tpu.memory_space<vmem>>, vector<1x1x16xf32>,
        %parallel_loop3A_957 = vector.shape_cast %parallel_loop3A_956 : vector<1x1x16xf32> to vector<16xf32>
        %parallel_loop3A_958 = arith.constant 2 : i32
        %parallel_loop3A_959 = arith.constant 0 : i32
        %parallel_loop3A_960 = arith.index_cast %parallel_loop3A_958 : i32 to index
        %parallel_loop3A_961 = arith.index_cast %parallel_loop3A_959 : i32 to index
        %parallel_loop3A_962 = arith.index_cast %parallel_loop3A_950 : i32 to index
        %parallel_loop3A_963 = tpu.vector_load %arg9[%parallel_loop3A_960, %parallel_loop3A_961, %parallel_loop3A_962] {strides = array<i32>} : memref<4x2x4096xf32, #tpu.memory_space<vmem>>, vector<1x1x16xf32>,
        %parallel_loop3A_964 = vector.shape_cast %parallel_loop3A_963 : vector<1x1x16xf32> to vector<16xf32>
        %parallel_loop3A_965 = arith.constant 2 : i32
        %parallel_loop3A_966 = arith.constant 0 : i32
        %parallel_loop3A_967 = arith.index_cast %parallel_loop3A_965 : i32 to index
        %parallel_loop3A_968 = arith.index_cast %parallel_loop3A_966 : i32 to index
        %parallel_loop3A_969 = arith.index_cast %parallel_loop3A_950 : i32 to index
        %parallel_loop3A_970 = tpu.vector_load %arg10[%parallel_loop3A_967, %parallel_loop3A_968, %parallel_loop3A_969] {strides = array<i32>} : memref<4x2x4096xf32, #tpu.memory_space<vmem>>, vector<1x1x16xf32>,
        %parallel_loop3A_971 = vector.shape_cast %parallel_loop3A_970 : vector<1x1x16xf32> to vector<16xf32>
        %parallel_loop3A_972 = arith.mulf %parallel_loop3A_964, %parallel_loop3A_971 : vector<16xf32>
        %parallel_loop3A_973 = arith.addf %parallel_loop3A_957, %parallel_loop3A_972 : vector<16xf32>
        %parallel_loop3A_974 = arith.constant 2 : i32
        %parallel_loop3A_975 = arith.constant 0 : i32
        %parallel_loop3A_976 = arith.index_cast %parallel_loop3A_974 : i32 to index
        %parallel_loop3A_977 = arith.index_cast %parallel_loop3A_975 : i32 to index
        %parallel_loop3A_978 = arith.index_cast %parallel_loop3A_950 : i32 to index
        %parallel_loop3A_979 = tpu.vector_load %arg8[%parallel_loop3A_976, %parallel_loop3A_977, %parallel_loop3A_978] {strides = array<i32>} : memref<4x2x4096xf32, #tpu.memory_space<vmem>>, vector<1x1x16xf32>,
        %parallel_loop3A_980 = vector.shape_cast %parallel_loop3A_979 : vector<1x1x16xf32> to vector<16xf32>
        %parallel_loop3A_981 = vector.shape_cast %parallel_loop3A_973 : vector<16xf32> to vector<1x1x16xf32>
        tpu.vector_store %arg8[%parallel_loop3A_976, %parallel_loop3A_977, %parallel_loop3A_978], %parallel_loop3A_981 {strides = array<i32>} : memref<4x2x4096xf32, #tpu.memory_space<vmem>>, vector<1x1x16xf32>,
      } {sc.loop_unroll_factor = 8 : i64, sc.parallel_access}
      %parallel_loop3A_633 = arith.constant 0 : i32
      %parallel_loop3A_634 = arith.constant 4096 : i32
      %parallel_loop3A_635 = arith.constant 16 : i32
      scf.for %parallel_loop3A_950 = %parallel_loop3A_633 to %parallel_loop3A_634 step %parallel_loop3A_635  : i32 {
        %parallel_loop3A_951 = arith.constant 2 : i32
        %parallel_loop3A_952 = arith.constant 1 : i32
        %parallel_loop3A_953 = arith.index_cast %parallel_loop3A_951 : i32 to index
        %parallel_loop3A_954 = arith.index_cast %parallel_loop3A_952 : i32 to index
        %parallel_loop3A_955 = arith.index_cast %parallel_loop3A_950 : i32 to index
        %parallel_loop3A_956 = tpu.vector_load %arg8[%parallel_loop3A_953, %parallel_loop3A_954, %parallel_loop3A_955] {strides = array<i32>} : memref<4x2x4096xf32, #tpu.memory_space<vmem>>, vector<1x1x16xf32>,
        %parallel_loop3A_957 = vector.shape_cast %parallel_loop3A_956 : vector<1x1x16xf32> to vector<16xf32>
        %parallel_loop3A_958 = arith.constant 2 : i32
        %parallel_loop3A_959 = arith.constant 1 : i32
        %parallel_loop3A_960 = arith.index_cast %parallel_loop3A_958 : i32 to index
        %parallel_loop3A_961 = arith.index_cast %parallel_loop3A_959 : i32 to index
        %parallel_loop3A_962 = arith.index_cast %parallel_loop3A_950 : i32 to index
        %parallel_loop3A_963 = tpu.vector_load %arg9[%parallel_loop3A_960, %parallel_loop3A_961, %parallel_loop3A_962] {strides = array<i32>} : memref<4x2x4096xf32, #tpu.memory_space<vmem>>, vector<1x1x16xf32>,
        %parallel_loop3A_964 = vector.shape_cast %parallel_loop3A_963 : vector<1x1x16xf32> to vector<16xf32>
        %parallel_loop3A_965 = arith.constant 2 : i32
        %parallel_loop3A_966 = arith.constant 1 : i32
        %parallel_loop3A_967 = arith.index_cast %parallel_loop3A_965 : i32 to index
        %parallel_loop3A_968 = arith.index_cast %parallel_loop3A_966 : i32 to index
        %parallel_loop3A_969 = arith.index_cast %parallel_loop3A_950 : i32 to index
        %parallel_loop3A_970 = tpu.vector_load %arg10[%parallel_loop3A_967, %parallel_loop3A_968, %parallel_loop3A_969] {strides = array<i32>} : memref<4x2x4096xf32, #tpu.memory_space<vmem>>, vector<1x1x16xf32>,
        %parallel_loop3A_971 = vector.shape_cast %parallel_loop3A_970 : vector<1x1x16xf32> to vector<16xf32>
        %parallel_loop3A_972 = arith.mulf %parallel_loop3A_964, %parallel_loop3A_971 : vector<16xf32>
        %parallel_loop3A_973 = arith.addf %parallel_loop3A_957, %parallel_loop3A_972 : vector<16xf32>
        %parallel_loop3A_974 = arith.constant 2 : i32
        %parallel_loop3A_975 = arith.constant 1 : i32
        %parallel_loop3A_976 = arith.index_cast %parallel_loop3A_974 : i32 to index
        %parallel_loop3A_977 = arith.index_cast %parallel_loop3A_975 : i32 to index
        %parallel_loop3A_978 = arith.index_cast %parallel_loop3A_950 : i32 to index
        %parallel_loop3A_979 = tpu.vector_load %arg8[%parallel_loop3A_976, %parallel_loop3A_977, %parallel_loop3A_978] {strides = array<i32>} : memref<4x2x4096xf32, #tpu.memory_space<vmem>>, vector<1x1x16xf32>,
        %parallel_loop3A_980 = vector.shape_cast %parallel_loop3A_979 : vector<1x1x16xf32> to vector<16xf32>
        %parallel_loop3A_981 = vector.shape_cast %parallel_loop3A_973 : vector<16xf32> to vector<1x1x16xf32>
        tpu.vector_store %arg8[%parallel_loop3A_976, %parallel_loop3A_977, %parallel_loop3A_978], %parallel_loop3A_981 {strides = array<i32>} : memref<4x2x4096xf32, #tpu.memory_space<vmem>>, vector<1x1x16xf32>,
      } {sc.loop_unroll_factor = 8 : i64, sc.parallel_access}
      %mul3A_636 = arith.constant 2 : i32
      %mul3A_637 = arith.muli %add3A_591, %mul3A_636 : i32
      %add3A_638 = arith.addi %mul3A_2, %mul3A_637 : i32
      %dma_start3A_639 = arith.constant 2 : i32
      %dma_start3A_640 = arith.constant 0 : i32
      %dma_start3A_641 = arith.constant 0 : i32
      %dma_start3A_642 = tpu.memref_slice %arg8[%dma_start3A_639, %dma_start3A_640, %dma_start3A_641] : memref<4x2x4096xf32, #tpu.memory_space<vmem>> -> memref<1x2x4096xf32, #tpu.memory_space<vmem>>
      %dma_start3A_643 = tpu.memref_squeeze %dma_start3A_642 : memref<1x2x4096xf32, #tpu.memory_space<vmem>> -> memref<2x4096xf32, #tpu.memory_space<vmem>>
      %dma_start3A_644 = arith.constant 0 : i32
      %dma_start3A_645 = tpu.memref_slice %arg6[%add3A_638, %dma_start3A_644] : memref<4096x4096xf32, #tpu.memory_space<hbm>> -> memref<2x4096xf32, #tpu.memory_space<hbm>>
      %dma_start3A_646 = arith.constant 0 : i32
      %dma_start3A_647 = tpu.memref_slice %arg6[%add3A_638, %dma_start3A_646] : memref<4096x4096xf32, #tpu.memory_space<hbm>> -> memref<2x4096xf32, #tpu.memory_space<hbm>>
      %dma_start3A_648 = arith.constant 0 : i32
      %dma_start3A_649 = arith.constant 0 : i32
      %dma_start3A_650 = tpu.memref_slice %arg8[%dma_start3A_639, %dma_start3A_648, %dma_start3A_649] : memref<4x2x4096xf32, #tpu.memory_space<vmem>> -> memref<1x2x4096xf32, #tpu.memory_space<vmem>>
      %dma_start3A_651 = tpu.memref_squeeze %dma_start3A_650 : memref<1x2x4096xf32, #tpu.memory_space<vmem>> -> memref<2x4096xf32, #tpu.memory_space<vmem>>
      tpu.enqueue_dma source(%dma_start3A_651 : memref<2x4096xf32, #tpu.memory_space<vmem>>) target(%dma_start3A_647 : memref<2x4096xf32, #tpu.memory_space<hbm>>) target_semaphore(%arg25 : memref<!tpu.dma_semaphore, #tpu.memory_space<semaphore_mem>>)
      %add3A_652 = arith.constant 3 : i32
      %add3A_653 = arith.addi %add3A_591, %add3A_652 : i32
      %sub3A_654 = arith.constant 1 : i32
      %sub3A_655 = arith.subi %add3A_591, %sub3A_654 : i32
      %mul3A_656 = arith.constant 2 : i32
      %mul3A_657 = arith.muli %sub3A_655, %mul3A_656 : i32
      %add3A_658 = arith.addi %mul3A_2, %mul3A_657 : i32
      %dma_wait3A_659 = arith.constant 1 : i32
      %dma_wait3A_660 = arith.constant 0 : i32
      %dma_wait3A_661 = arith.constant 0 : i32
      %dma_wait3A_662 = tpu.memref_slice %arg8[%dma_wait3A_659, %dma_wait3A_660, %dma_wait3A_661] : memref<4x2x4096xf32, #tpu.memory_space<vmem>> -> memref<1x2x4096xf32, #tpu.memory_space<vmem>>
      %dma_wait3A_663 = tpu.memref_squeeze %dma_wait3A_662 : memref<1x2x4096xf32, #tpu.memory_space<vmem>> -> memref<2x4096xf32, #tpu.memory_space<vmem>>
      %dma_wait3A_664 = arith.constant 0 : i32
      %dma_wait3A_665 = tpu.memref_slice %arg6[%add3A_658, %dma_wait3A_664] : memref<4096x4096xf32, #tpu.memory_space<hbm>> -> memref<2x4096xf32, #tpu.memory_space<hbm>>
      %dma_wait3A_666 = arith.constant 0 : i32
      %dma_wait3A_667 = tpu.memref_slice %arg6[%add3A_658, %dma_wait3A_666] : memref<4096x4096xf32, #tpu.memory_space<hbm>> -> memref<2x4096xf32, #tpu.memory_space<hbm>>
      %dma_wait3A_668 = arith.constant 0 : i32
      %dma_wait3A_669 = arith.constant 0 : i32
      %dma_wait3A_670 = tpu.memref_slice %arg8[%dma_wait3A_659, %dma_wait3A_668, %dma_wait3A_669] : memref<4x2x4096xf32, #tpu.memory_space<vmem>> -> memref<1x2x4096xf32, #tpu.memory_space<vmem>>
      %dma_wait3A_671 = tpu.memref_squeeze %dma_wait3A_670 : memref<1x2x4096xf32, #tpu.memory_space<vmem>> -> memref<2x4096xf32, #tpu.memory_space<vmem>>
      tpu.wait_dma2 semaphore(%arg24 : memref<!tpu.dma_semaphore, #tpu.memory_space<semaphore_mem>>) src(%dma_wait3A_671 : memref<2x4096xf32, #tpu.memory_space<vmem>>) dst(%dma_wait3A_667 : memref<2x4096xf32, #tpu.memory_space<hbm>>)
      %dma_start3A_672 = arith.constant 1 : i32
      %dma_start3A_673 = arith.constant 0 : i32
      %dma_start3A_674 = arith.constant 0 : i32
      %dma_start3A_675 = tpu.memref_slice %arg8[%dma_start3A_672, %dma_start3A_673, %dma_start3A_674] : memref<4x2x4096xf32, #tpu.memory_space<vmem>> -> memref<1x2x4096xf32, #tpu.memory_space<vmem>>
      %dma_start3A_676 = tpu.memref_squeeze %dma_start3A_675 : memref<1x2x4096xf32, #tpu.memory_space<vmem>> -> memref<2x4096xf32, #tpu.memory_space<vmem>>
      %dma_start3A_677 = arith.constant 0 : i32
      %dma_start3A_678 = tpu.memref_slice %arg7[%add3A_653, %dma_start3A_677] : memref<64x2xi32, #tpu.memory_space<vmem>> -> memref<1x2xi32, #tpu.memory_space<vmem>>
      %dma_start3A_679 = tpu.memref_squeeze %dma_start3A_678 : memref<1x2xi32, #tpu.memory_space<vmem>> -> memref<2xi32, #tpu.memory_space<vmem>>
      %dma_start3A_680 = arith.constant 0 : i32
      %dma_start3A_681 = arith.constant 0 : i32
      %dma_start3A_682 = tpu.memref_slice %arg3[%dma_start3A_680, %dma_start3A_681] : memref<1000x4096xf32, #tpu.memory_space<hbm>> -> memref<1000x4096xf32, #tpu.memory_space<hbm>>
      tpu.enqueue_indirect_dma source(%dma_start3A_682 : memref<1000x4096xf32, #tpu.memory_space<hbm>>) target(%dma_start3A_676 : memref<2x4096xf32, #tpu.memory_space<vmem>>) offsets(%dma_start3A_679 : memref<2xi32, #tpu.memory_space<vmem>>) semaphore(%arg12 : memref<!tpu.dma_semaphore, #tpu.memory_space<semaphore_mem>>)
      %dma_start3A_683 = arith.constant 1 : i32
      %dma_start3A_684 = arith.constant 0 : i32
      %dma_start3A_685 = arith.constant 0 : i32
      %dma_start3A_686 = tpu.memref_slice %arg9[%dma_start3A_683, %dma_start3A_684, %dma_start3A_685] : memref<4x2x4096xf32, #tpu.memory_space<vmem>> -> memref<1x2x4096xf32, #tpu.memory_space<vmem>>
      %dma_start3A_687 = tpu.memref_squeeze %dma_start3A_686 : memref<1x2x4096xf32, #tpu.memory_space<vmem>> -> memref<2x4096xf32, #tpu.memory_space<vmem>>
      %dma_start3A_688 = arith.constant 0 : i32
      %dma_start3A_689 = tpu.memref_slice %arg7[%add3A_653, %dma_start3A_688] : memref<64x2xi32, #tpu.memory_space<vmem>> -> memref<1x2xi32, #tpu.memory_space<vmem>>
      %dma_start3A_690 = tpu.memref_squeeze %dma_start3A_689 : memref<1x2xi32, #tpu.memory_space<vmem>> -> memref<2xi32, #tpu.memory_space<vmem>>
      %dma_start3A_691 = arith.constant 0 : i32
      %dma_start3A_692 = arith.constant 0 : i32
      %dma_start3A_693 = tpu.memref_slice %arg4[%dma_start3A_691, %dma_start3A_692] : memref<1000x4096xf32, #tpu.memory_space<hbm>> -> memref<1000x4096xf32, #tpu.memory_space<hbm>>
      tpu.enqueue_indirect_dma source(%dma_start3A_693 : memref<1000x4096xf32, #tpu.memory_space<hbm>>) target(%dma_start3A_687 : memref<2x4096xf32, #tpu.memory_space<vmem>>) offsets(%dma_start3A_690 : memref<2xi32, #tpu.memory_space<vmem>>) semaphore(%arg16 : memref<!tpu.dma_semaphore, #tpu.memory_space<semaphore_mem>>)
      %mul3A_694 = arith.constant 2 : i32
      %mul3A_695 = arith.muli %add3A_653, %mul3A_694 : i32
      %add3A_696 = arith.addi %mul3A_2, %mul3A_695 : i32
      %dma_start3A_697 = arith.constant 1 : i32
      %dma_start3A_698 = arith.constant 0 : i32
      %dma_start3A_699 = arith.constant 0 : i32
      %dma_start3A_700 = tpu.memref_slice %arg10[%dma_start3A_697, %dma_start3A_698, %dma_start3A_699] : memref<4x2x4096xf32, #tpu.memory_space<vmem>> -> memref<1x2x4096xf32, #tpu.memory_space<vmem>>
      %dma_start3A_701 = tpu.memref_squeeze %dma_start3A_700 : memref<1x2x4096xf32, #tpu.memory_space<vmem>> -> memref<2x4096xf32, #tpu.memory_space<vmem>>
      %dma_start3A_702 = arith.constant 0 : i32
      %dma_start3A_703 = tpu.memref_slice %arg5[%add3A_696, %dma_start3A_702] : memref<4096x4096xf32, #tpu.memory_space<hbm>> -> memref<2x4096xf32, #tpu.memory_space<hbm>>
      %dma_start3A_704 = arith.constant 0 : i32
      %dma_start3A_705 = arith.constant 0 : i32
      %dma_start3A_706 = tpu.memref_slice %arg10[%dma_start3A_697, %dma_start3A_704, %dma_start3A_705] : memref<4x2x4096xf32, #tpu.memory_space<vmem>> -> memref<1x2x4096xf32, #tpu.memory_space<vmem>>
      %dma_start3A_707 = tpu.memref_squeeze %dma_start3A_706 : memref<1x2x4096xf32, #tpu.memory_space<vmem>> -> memref<2x4096xf32, #tpu.memory_space<vmem>>
      %dma_start3A_708 = arith.constant 0 : i32
      %dma_start3A_709 = tpu.memref_slice %arg5[%add3A_696, %dma_start3A_708] : memref<4096x4096xf32, #tpu.memory_space<hbm>> -> memref<2x4096xf32, #tpu.memory_space<hbm>>
      tpu.enqueue_dma source(%dma_start3A_709 : memref<2x4096xf32, #tpu.memory_space<hbm>>) target(%dma_start3A_707 : memref<2x4096xf32, #tpu.memory_space<vmem>>) target_semaphore(%arg20 : memref<!tpu.dma_semaphore, #tpu.memory_space<semaphore_mem>>)
      %add3A_710 = arith.constant 2 : i32
      %add3A_711 = arith.addi %add3A_470, %add3A_710 : i32
      %dma_wait3A_712 = arith.constant 3 : i32
      %dma_wait3A_713 = arith.constant 0 : i32
      %dma_wait3A_714 = arith.constant 0 : i32
      %dma_wait3A_715 = tpu.memref_slice %arg8[%dma_wait3A_712, %dma_wait3A_713, %dma_wait3A_714] : memref<4x2x4096xf32, #tpu.memory_space<vmem>> -> memref<1x2x4096xf32, #tpu.memory_space<vmem>>
      %dma_wait3A_716 = tpu.memref_squeeze %dma_wait3A_715 : memref<1x2x4096xf32, #tpu.memory_space<vmem>> -> memref<2x4096xf32, #tpu.memory_space<vmem>>
      %dma_wait3A_717 = arith.constant 0 : i32
      %dma_wait3A_718 = tpu.memref_slice %arg7[%add3A_711, %dma_wait3A_717] : memref<64x2xi32, #tpu.memory_space<vmem>> -> memref<1x2xi32, #tpu.memory_space<vmem>>
      %dma_wait3A_719 = tpu.memref_squeeze %dma_wait3A_718 : memref<1x2xi32, #tpu.memory_space<vmem>> -> memref<2xi32, #tpu.memory_space<vmem>>
      %dma_wait3A_720 = arith.constant 0 : i32
      %dma_wait3A_721 = arith.constant 0 : i32
      %dma_wait3A_722 = tpu.memref_slice %arg3[%dma_wait3A_720, %dma_wait3A_721] : memref<1000x4096xf32, #tpu.memory_space<hbm>> -> memref<1000x4096xf32, #tpu.memory_space<hbm>>
      tpu.wait_indirect_dma semaphore(%arg14 : memref<!tpu.dma_semaphore, #tpu.memory_space<semaphore_mem>>) src(%dma_wait3A_722 : memref<1000x4096xf32, #tpu.memory_space<hbm>>) dst(%dma_wait3A_716 : memref<2x4096xf32, #tpu.memory_space<vmem>>)
      %dma_wait3A_723 = arith.constant 3 : i32
      %dma_wait3A_724 = arith.constant 0 : i32
      %dma_wait3A_725 = arith.constant 0 : i32
      %dma_wait3A_726 = tpu.memref_slice %arg9[%dma_wait3A_723, %dma_wait3A_724, %dma_wait3A_725] : memref<4x2x4096xf32, #tpu.memory_space<vmem>> -> memref<1x2x4096xf32, #tpu.memory_space<vmem>>
      %dma_wait3A_727 = tpu.memref_squeeze %dma_wait3A_726 : memref<1x2x4096xf32, #tpu.memory_space<vmem>> -> memref<2x4096xf32, #tpu.memory_space<vmem>>
      %dma_wait3A_728 = arith.constant 0 : i32
      %dma_wait3A_729 = tpu.memref_slice %arg7[%add3A_711, %dma_wait3A_728] : memref<64x2xi32, #tpu.memory_space<vmem>> -> memref<1x2xi32, #tpu.memory_space<vmem>>
      %dma_wait3A_730 = tpu.memref_squeeze %dma_wait3A_729 : memref<1x2xi32, #tpu.memory_space<vmem>> -> memref<2xi32, #tpu.memory_space<vmem>>
      %dma_wait3A_731 = arith.constant 0 : i32
      %dma_wait3A_732 = arith.constant 0 : i32
      %dma_wait3A_733 = tpu.memref_slice %arg4[%dma_wait3A_731, %dma_wait3A_732] : memref<1000x4096xf32, #tpu.memory_space<hbm>> -> memref<1000x4096xf32, #tpu.memory_space<hbm>>
      tpu.wait_indirect_dma semaphore(%arg18 : memref<!tpu.dma_semaphore, #tpu.memory_space<semaphore_mem>>) src(%dma_wait3A_733 : memref<1000x4096xf32, #tpu.memory_space<hbm>>) dst(%dma_wait3A_727 : memref<2x4096xf32, #tpu.memory_space<vmem>>)
      %mul3A_734 = arith.constant 2 : i32
      %mul3A_735 = arith.muli %add3A_711, %mul3A_734 : i32
      %add3A_736 = arith.addi %mul3A_2, %mul3A_735 : i32
      %dma_wait3A_737 = arith.constant 3 : i32
      %dma_wait3A_738 = arith.constant 0 : i32
      %dma_wait3A_739 = arith.constant 0 : i32
      %dma_wait3A_740 = tpu.memref_slice %arg10[%dma_wait3A_737, %dma_wait3A_738, %dma_wait3A_739] : memref<4x2x4096xf32, #tpu.memory_space<vmem>> -> memref<1x2x4096xf32, #tpu.memory_space<vmem>>
      %dma_wait3A_741 = tpu.memref_squeeze %dma_wait3A_740 : memref<1x2x4096xf32, #tpu.memory_space<vmem>> -> memref<2x4096xf32, #tpu.memory_space<vmem>>
      %dma_wait3A_742 = arith.constant 0 : i32
      %dma_wait3A_743 = tpu.memref_slice %arg5[%add3A_736, %dma_wait3A_742] : memref<4096x4096xf32, #tpu.memory_space<hbm>> -> memref<2x4096xf32, #tpu.memory_space<hbm>>
      %dma_wait3A_744 = arith.constant 0 : i32
      %dma_wait3A_745 = arith.constant 0 : i32
      %dma_wait3A_746 = tpu.memref_slice %arg10[%dma_wait3A_737, %dma_wait3A_744, %dma_wait3A_745] : memref<4x2x4096xf32, #tpu.memory_space<vmem>> -> memref<1x2x4096xf32, #tpu.memory_space<vmem>>
      %dma_wait3A_747 = tpu.memref_squeeze %dma_wait3A_746 : memref<1x2x4096xf32, #tpu.memory_space<vmem>> -> memref<2x4096xf32, #tpu.memory_space<vmem>>
      %dma_wait3A_748 = arith.constant 0 : i32
      %dma_wait3A_749 = tpu.memref_slice %arg5[%add3A_736, %dma_wait3A_748] : memref<4096x4096xf32, #tpu.memory_space<hbm>> -> memref<2x4096xf32, #tpu.memory_space<hbm>>
      tpu.wait_dma2 semaphore(%arg22 : memref<!tpu.dma_semaphore, #tpu.memory_space<semaphore_mem>>) src(%dma_wait3A_749 : memref<2x4096xf32, #tpu.memory_space<hbm>>) dst(%dma_wait3A_747 : memref<2x4096xf32, #tpu.memory_space<vmem>>)
      %parallel_loop3A_750 = arith.constant 0 : i32
      %parallel_loop3A_751 = arith.constant 4096 : i32
      %parallel_loop3A_752 = arith.constant 16 : i32
      scf.for %parallel_loop3A_950 = %parallel_loop3A_750 to %parallel_loop3A_751 step %parallel_loop3A_752  : i32 {
        %parallel_loop3A_951 = arith.constant 3 : i32
        %parallel_loop3A_952 = arith.constant 0 : i32
        %parallel_loop3A_953 = arith.index_cast %parallel_loop3A_951 : i32 to index
        %parallel_loop3A_954 = arith.index_cast %parallel_loop3A_952 : i32 to index
        %parallel_loop3A_955 = arith.index_cast %parallel_loop3A_950 : i32 to index
        %parallel_loop3A_956 = tpu.vector_load %arg8[%parallel_loop3A_953, %parallel_loop3A_954, %parallel_loop3A_955] {strides = array<i32>} : memref<4x2x4096xf32, #tpu.memory_space<vmem>>, vector<1x1x16xf32>,
        %parallel_loop3A_957 = vector.shape_cast %parallel_loop3A_956 : vector<1x1x16xf32> to vector<16xf32>
        %parallel_loop3A_958 = arith.constant 3 : i32
        %parallel_loop3A_959 = arith.constant 0 : i32
        %parallel_loop3A_960 = arith.index_cast %parallel_loop3A_958 : i32 to index
        %parallel_loop3A_961 = arith.index_cast %parallel_loop3A_959 : i32 to index
        %parallel_loop3A_962 = arith.index_cast %parallel_loop3A_950 : i32 to index
        %parallel_loop3A_963 = tpu.vector_load %arg9[%parallel_loop3A_960, %parallel_loop3A_961, %parallel_loop3A_962] {strides = array<i32>} : memref<4x2x4096xf32, #tpu.memory_space<vmem>>, vector<1x1x16xf32>,
        %parallel_loop3A_964 = vector.shape_cast %parallel_loop3A_963 : vector<1x1x16xf32> to vector<16xf32>
        %parallel_loop3A_965 = arith.constant 3 : i32
        %parallel_loop3A_966 = arith.constant 0 : i32
        %parallel_loop3A_967 = arith.index_cast %parallel_loop3A_965 : i32 to index
        %parallel_loop3A_968 = arith.index_cast %parallel_loop3A_966 : i32 to index
        %parallel_loop3A_969 = arith.index_cast %parallel_loop3A_950 : i32 to index
        %parallel_loop3A_970 = tpu.vector_load %arg10[%parallel_loop3A_967, %parallel_loop3A_968, %parallel_loop3A_969] {strides = array<i32>} : memref<4x2x4096xf32, #tpu.memory_space<vmem>>, vector<1x1x16xf32>,
        %parallel_loop3A_971 = vector.shape_cast %parallel_loop3A_970 : vector<1x1x16xf32> to vector<16xf32>
        %parallel_loop3A_972 = arith.mulf %parallel_loop3A_964, %parallel_loop3A_971 : vector<16xf32>
        %parallel_loop3A_973 = arith.addf %parallel_loop3A_957, %parallel_loop3A_972 : vector<16xf32>
        %parallel_loop3A_974 = arith.constant 3 : i32
        %parallel_loop3A_975 = arith.constant 0 : i32
        %parallel_loop3A_976 = arith.index_cast %parallel_loop3A_974 : i32 to index
        %parallel_loop3A_977 = arith.index_cast %parallel_loop3A_975 : i32 to index
        %parallel_loop3A_978 = arith.index_cast %parallel_loop3A_950 : i32 to index
        %parallel_loop3A_979 = tpu.vector_load %arg8[%parallel_loop3A_976, %parallel_loop3A_977, %parallel_loop3A_978] {strides = array<i32>} : memref<4x2x4096xf32, #tpu.memory_space<vmem>>, vector<1x1x16xf32>,
        %parallel_loop3A_980 = vector.shape_cast %parallel_loop3A_979 : vector<1x1x16xf32> to vector<16xf32>
        %parallel_loop3A_981 = vector.shape_cast %parallel_loop3A_973 : vector<16xf32> to vector<1x1x16xf32>
        tpu.vector_store %arg8[%parallel_loop3A_976, %parallel_loop3A_977, %parallel_loop3A_978], %parallel_loop3A_981 {strides = array<i32>} : memref<4x2x4096xf32, #tpu.memory_space<vmem>>, vector<1x1x16xf32>,
      } {sc.loop_unroll_factor = 8 : i64, sc.parallel_access}
      %parallel_loop3A_753 = arith.constant 0 : i32
      %parallel_loop3A_754 = arith.constant 4096 : i32
      %parallel_loop3A_755 = arith.constant 16 : i32
      scf.for %parallel_loop3A_950 = %parallel_loop3A_753 to %parallel_loop3A_754 step %parallel_loop3A_755  : i32 {
        %parallel_loop3A_951 = arith.constant 3 : i32
        %parallel_loop3A_952 = arith.constant 1 : i32
        %parallel_loop3A_953 = arith.index_cast %parallel_loop3A_951 : i32 to index
        %parallel_loop3A_954 = arith.index_cast %parallel_loop3A_952 : i32 to index
        %parallel_loop3A_955 = arith.index_cast %parallel_loop3A_950 : i32 to index
        %parallel_loop3A_956 = tpu.vector_load %arg8[%parallel_loop3A_953, %parallel_loop3A_954, %parallel_loop3A_955] {strides = array<i32>} : memref<4x2x4096xf32, #tpu.memory_space<vmem>>, vector<1x1x16xf32>,
        %parallel_loop3A_957 = vector.shape_cast %parallel_loop3A_956 : vector<1x1x16xf32> to vector<16xf32>
        %parallel_loop3A_958 = arith.constant 3 : i32
        %parallel_loop3A_959 = arith.constant 1 : i32
        %parallel_loop3A_960 = arith.index_cast %parallel_loop3A_958 : i32 to index
        %parallel_loop3A_961 = arith.index_cast %parallel_loop3A_959 : i32 to index
        %parallel_loop3A_962 = arith.index_cast %parallel_loop3A_950 : i32 to index
        %parallel_loop3A_963 = tpu.vector_load %arg9[%parallel_loop3A_960, %parallel_loop3A_961, %parallel_loop3A_962] {strides = array<i32>} : memref<4x2x4096xf32, #tpu.memory_space<vmem>>, vector<1x1x16xf32>,
        %parallel_loop3A_964 = vector.shape_cast %parallel_loop3A_963 : vector<1x1x16xf32> to vector<16xf32>
        %parallel_loop3A_965 = arith.constant 3 : i32
        %parallel_loop3A_966 = arith.constant 1 : i32
        %parallel_loop3A_967 = arith.index_cast %parallel_loop3A_965 : i32 to index
        %parallel_loop3A_968 = arith.index_cast %parallel_loop3A_966 : i32 to index
        %parallel_loop3A_969 = arith.index_cast %parallel_loop3A_950 : i32 to index
        %parallel_loop3A_970 = tpu.vector_load %arg10[%parallel_loop3A_967, %parallel_loop3A_968, %parallel_loop3A_969] {strides = array<i32>} : memref<4x2x4096xf32, #tpu.memory_space<vmem>>, vector<1x1x16xf32>,
        %parallel_loop3A_971 = vector.shape_cast %parallel_loop3A_970 : vector<1x1x16xf32> to vector<16xf32>
        %parallel_loop3A_972 = arith.mulf %parallel_loop3A_964, %parallel_loop3A_971 : vector<16xf32>
        %parallel_loop3A_973 = arith.addf %parallel_loop3A_957, %parallel_loop3A_972 : vector<16xf32>
        %parallel_loop3A_974 = arith.constant 3 : i32
        %parallel_loop3A_975 = arith.constant 1 : i32
        %parallel_loop3A_976 = arith.index_cast %parallel_loop3A_974 : i32 to index
        %parallel_loop3A_977 = arith.index_cast %parallel_loop3A_975 : i32 to index
        %parallel_loop3A_978 = arith.index_cast %parallel_loop3A_950 : i32 to index
        %parallel_loop3A_979 = tpu.vector_load %arg8[%parallel_loop3A_976, %parallel_loop3A_977, %parallel_loop3A_978] {strides = array<i32>} : memref<4x2x4096xf32, #tpu.memory_space<vmem>>, vector<1x1x16xf32>,
        %parallel_loop3A_980 = vector.shape_cast %parallel_loop3A_979 : vector<1x1x16xf32> to vector<16xf32>
        %parallel_loop3A_981 = vector.shape_cast %parallel_loop3A_973 : vector<16xf32> to vector<1x1x16xf32>
        tpu.vector_store %arg8[%parallel_loop3A_976, %parallel_loop3A_977, %parallel_loop3A_978], %parallel_loop3A_981 {strides = array<i32>} : memref<4x2x4096xf32, #tpu.memory_space<vmem>>, vector<1x1x16xf32>,
      } {sc.loop_unroll_factor = 8 : i64, sc.parallel_access}
      %mul3A_756 = arith.constant 2 : i32
      %mul3A_757 = arith.muli %add3A_711, %mul3A_756 : i32
      %add3A_758 = arith.addi %mul3A_2, %mul3A_757 : i32
      %dma_start3A_759 = arith.constant 3 : i32
      %dma_start3A_760 = arith.constant 0 : i32
      %dma_start3A_761 = arith.constant 0 : i32
      %dma_start3A_762 = tpu.memref_slice %arg8[%dma_start3A_759, %dma_start3A_760, %dma_start3A_761] : memref<4x2x4096xf32, #tpu.memory_space<vmem>> -> memref<1x2x4096xf32, #tpu.memory_space<vmem>>
      %dma_start3A_763 = tpu.memref_squeeze %dma_start3A_762 : memref<1x2x4096xf32, #tpu.memory_space<vmem>> -> memref<2x4096xf32, #tpu.memory_space<vmem>>
      %dma_start3A_764 = arith.constant 0 : i32
      %dma_start3A_765 = tpu.memref_slice %arg6[%add3A_758, %dma_start3A_764] : memref<4096x4096xf32, #tpu.memory_space<hbm>> -> memref<2x4096xf32, #tpu.memory_space<hbm>>
      %dma_start3A_766 = arith.constant 0 : i32
      %dma_start3A_767 = tpu.memref_slice %arg6[%add3A_758, %dma_start3A_766] : memref<4096x4096xf32, #tpu.memory_space<hbm>> -> memref<2x4096xf32, #tpu.memory_space<hbm>>
      %dma_start3A_768 = arith.constant 0 : i32
      %dma_start3A_769 = arith.constant 0 : i32
      %dma_start3A_770 = tpu.memref_slice %arg8[%dma_start3A_759, %dma_start3A_768, %dma_start3A_769] : memref<4x2x4096xf32, #tpu.memory_space<vmem>> -> memref<1x2x4096xf32, #tpu.memory_space<vmem>>
      %dma_start3A_771 = tpu.memref_squeeze %dma_start3A_770 : memref<1x2x4096xf32, #tpu.memory_space<vmem>> -> memref<2x4096xf32, #tpu.memory_space<vmem>>
      tpu.enqueue_dma source(%dma_start3A_771 : memref<2x4096xf32, #tpu.memory_space<vmem>>) target(%dma_start3A_767 : memref<2x4096xf32, #tpu.memory_space<hbm>>) target_semaphore(%arg26 : memref<!tpu.dma_semaphore, #tpu.memory_space<semaphore_mem>>)
      %add3A_772 = arith.constant 3 : i32
      %add3A_773 = arith.addi %add3A_711, %add3A_772 : i32
      %sub3A_774 = arith.constant 1 : i32
      %sub3A_775 = arith.subi %add3A_711, %sub3A_774 : i32
      %mul3A_776 = arith.constant 2 : i32
      %mul3A_777 = arith.muli %sub3A_775, %mul3A_776 : i32
      %add3A_778 = arith.addi %mul3A_2, %mul3A_777 : i32
      %dma_wait3A_779 = arith.constant 2 : i32
      %dma_wait3A_780 = arith.constant 0 : i32
      %dma_wait3A_781 = arith.constant 0 : i32
      %dma_wait3A_782 = tpu.memref_slice %arg8[%dma_wait3A_779, %dma_wait3A_780, %dma_wait3A_781] : memref<4x2x4096xf32, #tpu.memory_space<vmem>> -> memref<1x2x4096xf32, #tpu.memory_space<vmem>>
      %dma_wait3A_783 = tpu.memref_squeeze %dma_wait3A_782 : memref<1x2x4096xf32, #tpu.memory_space<vmem>> -> memref<2x4096xf32, #tpu.memory_space<vmem>>
      %dma_wait3A_784 = arith.constant 0 : i32
      %dma_wait3A_785 = tpu.memref_slice %arg6[%add3A_778, %dma_wait3A_784] : memref<4096x4096xf32, #tpu.memory_space<hbm>> -> memref<2x4096xf32, #tpu.memory_space<hbm>>
      %dma_wait3A_786 = arith.constant 0 : i32
      %dma_wait3A_787 = tpu.memref_slice %arg6[%add3A_778, %dma_wait3A_786] : memref<4096x4096xf32, #tpu.memory_space<hbm>> -> memref<2x4096xf32, #tpu.memory_space<hbm>>
      %dma_wait3A_788 = arith.constant 0 : i32
      %dma_wait3A_789 = arith.constant 0 : i32
      %dma_wait3A_790 = tpu.memref_slice %arg8[%dma_wait3A_779, %dma_wait3A_788, %dma_wait3A_789] : memref<4x2x4096xf32, #tpu.memory_space<vmem>> -> memref<1x2x4096xf32, #tpu.memory_space<vmem>>
      %dma_wait3A_791 = tpu.memref_squeeze %dma_wait3A_790 : memref<1x2x4096xf32, #tpu.memory_space<vmem>> -> memref<2x4096xf32, #tpu.memory_space<vmem>>
      tpu.wait_dma2 semaphore(%arg25 : memref<!tpu.dma_semaphore, #tpu.memory_space<semaphore_mem>>) src(%dma_wait3A_791 : memref<2x4096xf32, #tpu.memory_space<vmem>>) dst(%dma_wait3A_787 : memref<2x4096xf32, #tpu.memory_space<hbm>>)
      %dma_start3A_792 = arith.constant 2 : i32
      %dma_start3A_793 = arith.constant 0 : i32
      %dma_start3A_794 = arith.constant 0 : i32
      %dma_start3A_795 = tpu.memref_slice %arg8[%dma_start3A_792, %dma_start3A_793, %dma_start3A_794] : memref<4x2x4096xf32, #tpu.memory_space<vmem>> -> memref<1x2x4096xf32, #tpu.memory_space<vmem>>
      %dma_start3A_796 = tpu.memref_squeeze %dma_start3A_795 : memref<1x2x4096xf32, #tpu.memory_space<vmem>> -> memref<2x4096xf32, #tpu.memory_space<vmem>>
      %dma_start3A_797 = arith.constant 0 : i32
      %dma_start3A_798 = tpu.memref_slice %arg7[%add3A_773, %dma_start3A_797] : memref<64x2xi32, #tpu.memory_space<vmem>> -> memref<1x2xi32, #tpu.memory_space<vmem>>
      %dma_start3A_799 = tpu.memref_squeeze %dma_start3A_798 : memref<1x2xi32, #tpu.memory_space<vmem>> -> memref<2xi32, #tpu.memory_space<vmem>>
      %dma_start3A_800 = arith.constant 0 : i32
      %dma_start3A_801 = arith.constant 0 : i32
      %dma_start3A_802 = tpu.memref_slice %arg3[%dma_start3A_800, %dma_start3A_801] : memref<1000x4096xf32, #tpu.memory_space<hbm>> -> memref<1000x4096xf32, #tpu.memory_space<hbm>>
      tpu.enqueue_indirect_dma source(%dma_start3A_802 : memref<1000x4096xf32, #tpu.memory_space<hbm>>) target(%dma_start3A_796 : memref<2x4096xf32, #tpu.memory_space<vmem>>) offsets(%dma_start3A_799 : memref<2xi32, #tpu.memory_space<vmem>>) semaphore(%arg13 : memref<!tpu.dma_semaphore, #tpu.memory_space<semaphore_mem>>)
      %dma_start3A_803 = arith.constant 2 : i32
      %dma_start3A_804 = arith.constant 0 : i32
      %dma_start3A_805 = arith.constant 0 : i32
      %dma_start3A_806 = tpu.memref_slice %arg9[%dma_start3A_803, %dma_start3A_804, %dma_start3A_805] : memref<4x2x4096xf32, #tpu.memory_space<vmem>> -> memref<1x2x4096xf32, #tpu.memory_space<vmem>>
      %dma_start3A_807 = tpu.memref_squeeze %dma_start3A_806 : memref<1x2x4096xf32, #tpu.memory_space<vmem>> -> memref<2x4096xf32, #tpu.memory_space<vmem>>
      %dma_start3A_808 = arith.constant 0 : i32
      %dma_start3A_809 = tpu.memref_slice %arg7[%add3A_773, %dma_start3A_808] : memref<64x2xi32, #tpu.memory_space<vmem>> -> memref<1x2xi32, #tpu.memory_space<vmem>>
      %dma_start3A_810 = tpu.memref_squeeze %dma_start3A_809 : memref<1x2xi32, #tpu.memory_space<vmem>> -> memref<2xi32, #tpu.memory_space<vmem>>
      %dma_start3A_811 = arith.constant 0 : i32
      %dma_start3A_812 = arith.constant 0 : i32
      %dma_start3A_813 = tpu.memref_slice %arg4[%dma_start3A_811, %dma_start3A_812] : memref<1000x4096xf32, #tpu.memory_space<hbm>> -> memref<1000x4096xf32, #tpu.memory_space<hbm>>
      tpu.enqueue_indirect_dma source(%dma_start3A_813 : memref<1000x4096xf32, #tpu.memory_space<hbm>>) target(%dma_start3A_807 : memref<2x4096xf32, #tpu.memory_space<vmem>>) offsets(%dma_start3A_810 : memref<2xi32, #tpu.memory_space<vmem>>) semaphore(%arg17 : memref<!tpu.dma_semaphore, #tpu.memory_space<semaphore_mem>>)
      %mul3A_814 = arith.constant 2 : i32
      %mul3A_815 = arith.muli %add3A_773, %mul3A_814 : i32
      %add3A_816 = arith.addi %mul3A_2, %mul3A_815 : i32
      %dma_start3A_817 = arith.constant 2 : i32
      %dma_start3A_818 = arith.constant 0 : i32
      %dma_start3A_819 = arith.constant 0 : i32
      %dma_start3A_820 = tpu.memref_slice %arg10[%dma_start3A_817, %dma_start3A_818, %dma_start3A_819] : memref<4x2x4096xf32, #tpu.memory_space<vmem>> -> memref<1x2x4096xf32, #tpu.memory_space<vmem>>
      %dma_start3A_821 = tpu.memref_squeeze %dma_start3A_820 : memref<1x2x4096xf32, #tpu.memory_space<vmem>> -> memref<2x4096xf32, #tpu.memory_space<vmem>>
      %dma_start3A_822 = arith.constant 0 : i32
      %dma_start3A_823 = tpu.memref_slice %arg5[%add3A_816, %dma_start3A_822] : memref<4096x4096xf32, #tpu.memory_space<hbm>> -> memref<2x4096xf32, #tpu.memory_space<hbm>>
      %dma_start3A_824 = arith.constant 0 : i32
      %dma_start3A_825 = arith.constant 0 : i32
      %dma_start3A_826 = tpu.memref_slice %arg10[%dma_start3A_817, %dma_start3A_824, %dma_start3A_825] : memref<4x2x4096xf32, #tpu.memory_space<vmem>> -> memref<1x2x4096xf32, #tpu.memory_space<vmem>>
      %dma_start3A_827 = tpu.memref_squeeze %dma_start3A_826 : memref<1x2x4096xf32, #tpu.memory_space<vmem>> -> memref<2x4096xf32, #tpu.memory_space<vmem>>
      %dma_start3A_828 = arith.constant 0 : i32
      %dma_start3A_829 = tpu.memref_slice %arg5[%add3A_816, %dma_start3A_828] : memref<4096x4096xf32, #tpu.memory_space<hbm>> -> memref<2x4096xf32, #tpu.memory_space<hbm>>
      tpu.enqueue_dma source(%dma_start3A_829 : memref<2x4096xf32, #tpu.memory_space<hbm>>) target(%dma_start3A_827 : memref<2x4096xf32, #tpu.memory_space<vmem>>) target_semaphore(%arg21 : memref<!tpu.dma_semaphore, #tpu.memory_space<semaphore_mem>>)
      %add3A_830 = arith.constant 3 : i32
      %add3A_831 = arith.addi %add3A_470, %add3A_830 : i32
      %dma_wait3A_832 = arith.constant 0 : i32
      %dma_wait3A_833 = arith.constant 0 : i32
      %dma_wait3A_834 = arith.constant 0 : i32
      %dma_wait3A_835 = tpu.memref_slice %arg8[%dma_wait3A_832, %dma_wait3A_833, %dma_wait3A_834] : memref<4x2x4096xf32, #tpu.memory_space<vmem>> -> memref<1x2x4096xf32, #tpu.memory_space<vmem>>
      %dma_wait3A_836 = tpu.memref_squeeze %dma_wait3A_835 : memref<1x2x4096xf32, #tpu.memory_space<vmem>> -> memref<2x4096xf32, #tpu.memory_space<vmem>>
      %dma_wait3A_837 = arith.constant 0 : i32
      %dma_wait3A_838 = tpu.memref_slice %arg7[%add3A_831, %dma_wait3A_837] : memref<64x2xi32, #tpu.memory_space<vmem>> -> memref<1x2xi32, #tpu.memory_space<vmem>>
      %dma_wait3A_839 = tpu.memref_squeeze %dma_wait3A_838 : memref<1x2xi32, #tpu.memory_space<vmem>> -> memref<2xi32, #tpu.memory_space<vmem>>
      %dma_wait3A_840 = arith.constant 0 : i32
      %dma_wait3A_841 = arith.constant 0 : i32
      %dma_wait3A_842 = tpu.memref_slice %arg3[%dma_wait3A_840, %dma_wait3A_841] : memref<1000x4096xf32, #tpu.memory_space<hbm>> -> memref<1000x4096xf32, #tpu.memory_space<hbm>>
      tpu.wait_indirect_dma semaphore(%arg11 : memref<!tpu.dma_semaphore, #tpu.memory_space<semaphore_mem>>) src(%dma_wait3A_842 : memref<1000x4096xf32, #tpu.memory_space<hbm>>) dst(%dma_wait3A_836 : memref<2x4096xf32, #tpu.memory_space<vmem>>)
      %dma_wait3A_843 = arith.constant 0 : i32
      %dma_wait3A_844 = arith.constant 0 : i32
      %dma_wait3A_845 = arith.constant 0 : i32
      %dma_wait3A_846 = tpu.memref_slice %arg9[%dma_wait3A_843, %dma_wait3A_844, %dma_wait3A_845] : memref<4x2x4096xf32, #tpu.memory_space<vmem>> -> memref<1x2x4096xf32, #tpu.memory_space<vmem>>
      %dma_wait3A_847 = tpu.memref_squeeze %dma_wait3A_846 : memref<1x2x4096xf32, #tpu.memory_space<vmem>> -> memref<2x4096xf32, #tpu.memory_space<vmem>>
      %dma_wait3A_848 = arith.constant 0 : i32
      %dma_wait3A_849 = tpu.memref_slice %arg7[%add3A_831, %dma_wait3A_848] : memref<64x2xi32, #tpu.memory_space<vmem>> -> memref<1x2xi32, #tpu.memory_space<vmem>>
      %dma_wait3A_850 = tpu.memref_squeeze %dma_wait3A_849 : memref<1x2xi32, #tpu.memory_space<vmem>> -> memref<2xi32, #tpu.memory_space<vmem>>
      %dma_wait3A_851 = arith.constant 0 : i32
      %dma_wait3A_852 = arith.constant 0 : i32
      %dma_wait3A_853 = tpu.memref_slice %arg4[%dma_wait3A_851, %dma_wait3A_852] : memref<1000x4096xf32, #tpu.memory_space<hbm>> -> memref<1000x4096xf32, #tpu.memory_space<hbm>>
      tpu.wait_indirect_dma semaphore(%arg15 : memref<!tpu.dma_semaphore, #tpu.memory_space<semaphore_mem>>) src(%dma_wait3A_853 : memref<1000x4096xf32, #tpu.memory_space<hbm>>) dst(%dma_wait3A_847 : memref<2x4096xf32, #tpu.memory_space<vmem>>)
      %mul3A_854 = arith.constant 2 : i32
      %mul3A_855 = arith.muli %add3A_831, %mul3A_854 : i32
      %add3A_856 = arith.addi %mul3A_2, %mul3A_855 : i32
      %dma_wait3A_857 = arith.constant 0 : i32
      %dma_wait3A_858 = arith.constant 0 : i32
      %dma_wait3A_859 = arith.constant 0 : i32
      %dma_wait3A_860 = tpu.memref_slice %arg10[%dma_wait3A_857, %dma_wait3A_858, %dma_wait3A_859] : memref<4x2x4096xf32, #tpu.memory_space<vmem>> -> memref<1x2x4096xf32, #tpu.memory_space<vmem>>
      %dma_wait3A_861 = tpu.memref_squeeze %dma_wait3A_860 : memref<1x2x4096xf32, #tpu.memory_space<vmem>> -> memref<2x4096xf32, #tpu.memory_space<vmem>>
      %dma_wait3A_862 = arith.constant 0 : i32
      %dma_wait3A_863 = tpu.memref_slice %arg5[%add3A_856, %dma_wait3A_862] : memref<4096x4096xf32, #tpu.memory_space<hbm>> -> memref<2x4096xf32, #tpu.memory_space<hbm>>
      %dma_wait3A_864 = arith.constant 0 : i32
      %dma_wait3A_865 = arith.constant 0 : i32
      %dma_wait3A_866 = tpu.memref_slice %arg10[%dma_wait3A_857, %dma_wait3A_864, %dma_wait3A_865] : memref<4x2x4096xf32, #tpu.memory_space<vmem>> -> memref<1x2x4096xf32, #tpu.memory_space<vmem>>
      %dma_wait3A_867 = tpu.memref_squeeze %dma_wait3A_866 : memref<1x2x4096xf32, #tpu.memory_space<vmem>> -> memref<2x4096xf32, #tpu.memory_space<vmem>>
      %dma_wait3A_868 = arith.constant 0 : i32
      %dma_wait3A_869 = tpu.memref_slice %arg5[%add3A_856, %dma_wait3A_868] : memref<4096x4096xf32, #tpu.memory_space<hbm>> -> memref<2x4096xf32, #tpu.memory_space<hbm>>
      tpu.wait_dma2 semaphore(%arg19 : memref<!tpu.dma_semaphore, #tpu.memory_space<semaphore_mem>>) src(%dma_wait3A_869 : memref<2x4096xf32, #tpu.memory_space<hbm>>) dst(%dma_wait3A_867 : memref<2x4096xf32, #tpu.memory_space<vmem>>)
      %parallel_loop3A_870 = arith.constant 0 : i32
      %parallel_loop3A_871 = arith.constant 4096 : i32
      %parallel_loop3A_872 = arith.constant 16 : i32
      scf.for %parallel_loop3A_950 = %parallel_loop3A_870 to %parallel_loop3A_871 step %parallel_loop3A_872  : i32 {
        %parallel_loop3A_951 = arith.constant 0 : i32
        %parallel_loop3A_952 = arith.constant 0 : i32
        %parallel_loop3A_953 = arith.index_cast %parallel_loop3A_951 : i32 to index
        %parallel_loop3A_954 = arith.index_cast %parallel_loop3A_952 : i32 to index
        %parallel_loop3A_955 = arith.index_cast %parallel_loop3A_950 : i32 to index
        %parallel_loop3A_956 = tpu.vector_load %arg8[%parallel_loop3A_953, %parallel_loop3A_954, %parallel_loop3A_955] {strides = array<i32>} : memref<4x2x4096xf32, #tpu.memory_space<vmem>>, vector<1x1x16xf32>,
        %parallel_loop3A_957 = vector.shape_cast %parallel_loop3A_956 : vector<1x1x16xf32> to vector<16xf32>
        %parallel_loop3A_958 = arith.constant 0 : i32
        %parallel_loop3A_959 = arith.constant 0 : i32
        %parallel_loop3A_960 = arith.index_cast %parallel_loop3A_958 : i32 to index
        %parallel_loop3A_961 = arith.index_cast %parallel_loop3A_959 : i32 to index
        %parallel_loop3A_962 = arith.index_cast %parallel_loop3A_950 : i32 to index
        %parallel_loop3A_963 = tpu.vector_load %arg9[%parallel_loop3A_960, %parallel_loop3A_961, %parallel_loop3A_962] {strides = array<i32>} : memref<4x2x4096xf32, #tpu.memory_space<vmem>>, vector<1x1x16xf32>,
        %parallel_loop3A_964 = vector.shape_cast %parallel_loop3A_963 : vector<1x1x16xf32> to vector<16xf32>
        %parallel_loop3A_965 = arith.constant 0 : i32
        %parallel_loop3A_966 = arith.constant 0 : i32
        %parallel_loop3A_967 = arith.index_cast %parallel_loop3A_965 : i32 to index
        %parallel_loop3A_968 = arith.index_cast %parallel_loop3A_966 : i32 to index
        %parallel_loop3A_969 = arith.index_cast %parallel_loop3A_950 : i32 to index
        %parallel_loop3A_970 = tpu.vector_load %arg10[%parallel_loop3A_967, %parallel_loop3A_968, %parallel_loop3A_969] {strides = array<i32>} : memref<4x2x4096xf32, #tpu.memory_space<vmem>>, vector<1x1x16xf32>,
        %parallel_loop3A_971 = vector.shape_cast %parallel_loop3A_970 : vector<1x1x16xf32> to vector<16xf32>
        %parallel_loop3A_972 = arith.mulf %parallel_loop3A_964, %parallel_loop3A_971 : vector<16xf32>
        %parallel_loop3A_973 = arith.addf %parallel_loop3A_957, %parallel_loop3A_972 : vector<16xf32>
        %parallel_loop3A_974 = arith.constant 0 : i32
        %parallel_loop3A_975 = arith.constant 0 : i32
        %parallel_loop3A_976 = arith.index_cast %parallel_loop3A_974 : i32 to index
        %parallel_loop3A_977 = arith.index_cast %parallel_loop3A_975 : i32 to index
        %parallel_loop3A_978 = arith.index_cast %parallel_loop3A_950 : i32 to index
        %parallel_loop3A_979 = tpu.vector_load %arg8[%parallel_loop3A_976, %parallel_loop3A_977, %parallel_loop3A_978] {strides = array<i32>} : memref<4x2x4096xf32, #tpu.memory_space<vmem>>, vector<1x1x16xf32>,
        %parallel_loop3A_980 = vector.shape_cast %parallel_loop3A_979 : vector<1x1x16xf32> to vector<16xf32>
        %parallel_loop3A_981 = vector.shape_cast %parallel_loop3A_973 : vector<16xf32> to vector<1x1x16xf32>
        tpu.vector_store %arg8[%parallel_loop3A_976, %parallel_loop3A_977, %parallel_loop3A_978], %parallel_loop3A_981 {strides = array<i32>} : memref<4x2x4096xf32, #tpu.memory_space<vmem>>, vector<1x1x16xf32>,
      } {sc.loop_unroll_factor = 8 : i64, sc.parallel_access}
      %parallel_loop3A_873 = arith.constant 0 : i32
      %parallel_loop3A_874 = arith.constant 4096 : i32
      %parallel_loop3A_875 = arith.constant 16 : i32
      scf.for %parallel_loop3A_950 = %parallel_loop3A_873 to %parallel_loop3A_874 step %parallel_loop3A_875  : i32 {
        %parallel_loop3A_951 = arith.constant 0 : i32
        %parallel_loop3A_952 = arith.constant 1 : i32
        %parallel_loop3A_953 = arith.index_cast %parallel_loop3A_951 : i32 to index
        %parallel_loop3A_954 = arith.index_cast %parallel_loop3A_952 : i32 to index
        %parallel_loop3A_955 = arith.index_cast %parallel_loop3A_950 : i32 to index
        %parallel_loop3A_956 = tpu.vector_load %arg8[%parallel_loop3A_953, %parallel_loop3A_954, %parallel_loop3A_955] {strides = array<i32>} : memref<4x2x4096xf32, #tpu.memory_space<vmem>>, vector<1x1x16xf32>,
        %parallel_loop3A_957 = vector.shape_cast %parallel_loop3A_956 : vector<1x1x16xf32> to vector<16xf32>
        %parallel_loop3A_958 = arith.constant 0 : i32
        %parallel_loop3A_959 = arith.constant 1 : i32
        %parallel_loop3A_960 = arith.index_cast %parallel_loop3A_958 : i32 to index
        %parallel_loop3A_961 = arith.index_cast %parallel_loop3A_959 : i32 to index
        %parallel_loop3A_962 = arith.index_cast %parallel_loop3A_950 : i32 to index
        %parallel_loop3A_963 = tpu.vector_load %arg9[%parallel_loop3A_960, %parallel_loop3A_961, %parallel_loop3A_962] {strides = array<i32>} : memref<4x2x4096xf32, #tpu.memory_space<vmem>>, vector<1x1x16xf32>,
        %parallel_loop3A_964 = vector.shape_cast %parallel_loop3A_963 : vector<1x1x16xf32> to vector<16xf32>
        %parallel_loop3A_965 = arith.constant 0 : i32
        %parallel_loop3A_966 = arith.constant 1 : i32
        %parallel_loop3A_967 = arith.index_cast %parallel_loop3A_965 : i32 to index
        %parallel_loop3A_968 = arith.index_cast %parallel_loop3A_966 : i32 to index
        %parallel_loop3A_969 = arith.index_cast %parallel_loop3A_950 : i32 to index
        %parallel_loop3A_970 = tpu.vector_load %arg10[%parallel_loop3A_967, %parallel_loop3A_968, %parallel_loop3A_969] {strides = array<i32>} : memref<4x2x4096xf32, #tpu.memory_space<vmem>>, vector<1x1x16xf32>,
        %parallel_loop3A_971 = vector.shape_cast %parallel_loop3A_970 : vector<1x1x16xf32> to vector<16xf32>
        %parallel_loop3A_972 = arith.mulf %parallel_loop3A_964, %parallel_loop3A_971 : vector<16xf32>
        %parallel_loop3A_973 = arith.addf %parallel_loop3A_957, %parallel_loop3A_972 : vector<16xf32>
        %parallel_loop3A_974 = arith.constant 0 : i32
        %parallel_loop3A_975 = arith.constant 1 : i32
        %parallel_loop3A_976 = arith.index_cast %parallel_loop3A_974 : i32 to index
        %parallel_loop3A_977 = arith.index_cast %parallel_loop3A_975 : i32 to index
        %parallel_loop3A_978 = arith.index_cast %parallel_loop3A_950 : i32 to index
        %parallel_loop3A_979 = tpu.vector_load %arg8[%parallel_loop3A_976, %parallel_loop3A_977, %parallel_loop3A_978] {strides = array<i32>} : memref<4x2x4096xf32, #tpu.memory_space<vmem>>, vector<1x1x16xf32>,
        %parallel_loop3A_980 = vector.shape_cast %parallel_loop3A_979 : vector<1x1x16xf32> to vector<16xf32>
        %parallel_loop3A_981 = vector.shape_cast %parallel_loop3A_973 : vector<16xf32> to vector<1x1x16xf32>
        tpu.vector_store %arg8[%parallel_loop3A_976, %parallel_loop3A_977, %parallel_loop3A_978], %parallel_loop3A_981 {strides = array<i32>} : memref<4x2x4096xf32, #tpu.memory_space<vmem>>, vector<1x1x16xf32>,
      } {sc.loop_unroll_factor = 8 : i64, sc.parallel_access}
      %mul3A_876 = arith.constant 2 : i32
      %mul3A_877 = arith.muli %add3A_831, %mul3A_876 : i32
      %add3A_878 = arith.addi %mul3A_2, %mul3A_877 : i32
      %dma_start3A_879 = arith.constant 0 : i32
      %dma_start3A_880 = arith.constant 0 : i32
      %dma_start3A_881 = arith.constant 0 : i32
      %dma_start3A_882 = tpu.memref_slice %arg8[%dma_start3A_879, %dma_start3A_880, %dma_start3A_881] : memref<4x2x4096xf32, #tpu.memory_space<vmem>> -> memref<1x2x4096xf32, #tpu.memory_space<vmem>>
      %dma_start3A_883 = tpu.memref_squeeze %dma_start3A_882 : memref<1x2x4096xf32, #tpu.memory_space<vmem>> -> memref<2x4096xf32, #tpu.memory_space<vmem>>
      %dma_start3A_884 = arith.constant 0 : i32
      %dma_start3A_885 = tpu.memref_slice %arg6[%add3A_878, %dma_start3A_884] : memref<4096x4096xf32, #tpu.memory_space<hbm>> -> memref<2x4096xf32, #tpu.memory_space<hbm>>
      %dma_start3A_886 = arith.constant 0 : i32
      %dma_start3A_887 = tpu.memref_slice %arg6[%add3A_878, %dma_start3A_886] : memref<4096x4096xf32, #tpu.memory_space<hbm>> -> memref<2x4096xf32, #tpu.memory_space<hbm>>
      %dma_start3A_888 = arith.constant 0 : i32
      %dma_start3A_889 = arith.constant 0 : i32
      %dma_start3A_890 = tpu.memref_slice %arg8[%dma_start3A_879, %dma_start3A_888, %dma_start3A_889] : memref<4x2x4096xf32, #tpu.memory_space<vmem>> -> memref<1x2x4096xf32, #tpu.memory_space<vmem>>
      %dma_start3A_891 = tpu.memref_squeeze %dma_start3A_890 : memref<1x2x4096xf32, #tpu.memory_space<vmem>> -> memref<2x4096xf32, #tpu.memory_space<vmem>>
      tpu.enqueue_dma source(%dma_start3A_891 : memref<2x4096xf32, #tpu.memory_space<vmem>>) target(%dma_start3A_887 : memref<2x4096xf32, #tpu.memory_space<hbm>>) target_semaphore(%arg23 : memref<!tpu.dma_semaphore, #tpu.memory_space<semaphore_mem>>)
      %add3A_892 = arith.constant 3 : i32
      %add3A_893 = arith.addi %add3A_831, %add3A_892 : i32
      %sub3A_894 = arith.constant 1 : i32
      %sub3A_895 = arith.subi %add3A_831, %sub3A_894 : i32
      %mul3A_896 = arith.constant 2 : i32
      %mul3A_897 = arith.muli %sub3A_895, %mul3A_896 : i32
      %add3A_898 = arith.addi %mul3A_2, %mul3A_897 : i32
      %dma_wait3A_899 = arith.constant 3 : i32
      %dma_wait3A_900 = arith.constant 0 : i32
      %dma_wait3A_901 = arith.constant 0 : i32
      %dma_wait3A_902 = tpu.memref_slice %arg8[%dma_wait3A_899, %dma_wait3A_900, %dma_wait3A_901] : memref<4x2x4096xf32, #tpu.memory_space<vmem>> -> memref<1x2x4096xf32, #tpu.memory_space<vmem>>
      %dma_wait3A_903 = tpu.memref_squeeze %dma_wait3A_902 : memref<1x2x4096xf32, #tpu.memory_space<vmem>> -> memref<2x4096xf32, #tpu.memory_space<vmem>>
      %dma_wait3A_904 = arith.constant 0 : i32
      %dma_wait3A_905 = tpu.memref_slice %arg6[%add3A_898, %dma_wait3A_904] : memref<4096x4096xf32, #tpu.memory_space<hbm>> -> memref<2x4096xf32, #tpu.memory_space<hbm>>
      %dma_wait3A_906 = arith.constant 0 : i32
      %dma_wait3A_907 = tpu.memref_slice %arg6[%add3A_898, %dma_wait3A_906] : memref<4096x4096xf32, #tpu.memory_space<hbm>> -> memref<2x4096xf32, #tpu.memory_space<hbm>>
      %dma_wait3A_908 = arith.constant 0 : i32
      %dma_wait3A_909 = arith.constant 0 : i32
      %dma_wait3A_910 = tpu.memref_slice %arg8[%dma_wait3A_899, %dma_wait3A_908, %dma_wait3A_909] : memref<4x2x4096xf32, #tpu.memory_space<vmem>> -> memref<1x2x4096xf32, #tpu.memory_space<vmem>>
      %dma_wait3A_911 = tpu.memref_squeeze %dma_wait3A_910 : memref<1x2x4096xf32, #tpu.memory_space<vmem>> -> memref<2x4096xf32, #tpu.memory_space<vmem>>
      tpu.wait_dma2 semaphore(%arg26 : memref<!tpu.dma_semaphore, #tpu.memory_space<semaphore_mem>>) src(%dma_wait3A_911 : memref<2x4096xf32, #tpu.memory_space<vmem>>) dst(%dma_wait3A_907 : memref<2x4096xf32, #tpu.memory_space<hbm>>)
      %dma_start3A_912 = arith.constant 3 : i32
      %dma_start3A_913 = arith.constant 0 : i32
      %dma_start3A_914 = arith.constant 0 : i32
      %dma_start3A_915 = tpu.memref_slice %arg8[%dma_start3A_912, %dma_start3A_913, %dma_start3A_914] : memref<4x2x4096xf32, #tpu.memory_space<vmem>> -> memref<1x2x4096xf32, #tpu.memory_space<vmem>>
      %dma_start3A_916 = tpu.memref_squeeze %dma_start3A_915 : memref<1x2x4096xf32, #tpu.memory_space<vmem>> -> memref<2x4096xf32, #tpu.memory_space<vmem>>
      %dma_start3A_917 = arith.constant 0 : i32
      %dma_start3A_918 = tpu.memref_slice %arg7[%add3A_893, %dma_start3A_917] : memref<64x2xi32, #tpu.memory_space<vmem>> -> memref<1x2xi32, #tpu.memory_space<vmem>>
      %dma_start3A_919 = tpu.memref_squeeze %dma_start3A_918 : memref<1x2xi32, #tpu.memory_space<vmem>> -> memref<2xi32, #tpu.memory_space<vmem>>
      %dma_start3A_920 = arith.constant 0 : i32
      %dma_start3A_921 = arith.constant 0 : i32
      %dma_start3A_922 = tpu.memref_slice %arg3[%dma_start3A_920, %dma_start3A_921] : memref<1000x4096xf32, #tpu.memory_space<hbm>> -> memref<1000x4096xf32, #tpu.memory_space<hbm>>
      tpu.enqueue_indirect_dma source(%dma_start3A_922 : memref<1000x4096xf32, #tpu.memory_space<hbm>>) target(%dma_start3A_916 : memref<2x4096xf32, #tpu.memory_space<vmem>>) offsets(%dma_start3A_919 : memref<2xi32, #tpu.memory_space<vmem>>) semaphore(%arg14 : memref<!tpu.dma_semaphore, #tpu.memory_space<semaphore_mem>>)
      %dma_start3A_923 = arith.constant 3 : i32
      %dma_start3A_924 = arith.constant 0 : i32
      %dma_start3A_925 = arith.constant 0 : i32
      %dma_start3A_926 = tpu.memref_slice %arg9[%dma_start3A_923, %dma_start3A_924, %dma_start3A_925] : memref<4x2x4096xf32, #tpu.memory_space<vmem>> -> memref<1x2x4096xf32, #tpu.memory_space<vmem>>
      %dma_start3A_927 = tpu.memref_squeeze %dma_start3A_926 : memref<1x2x4096xf32, #tpu.memory_space<vmem>> -> memref<2x4096xf32, #tpu.memory_space<vmem>>
      %dma_start3A_928 = arith.constant 0 : i32
      %dma_start3A_929 = tpu.memref_slice %arg7[%add3A_893, %dma_start3A_928] : memref<64x2xi32, #tpu.memory_space<vmem>> -> memref<1x2xi32, #tpu.memory_space<vmem>>
      %dma_start3A_930 = tpu.memref_squeeze %dma_start3A_929 : memref<1x2xi32, #tpu.memory_space<vmem>> -> memref<2xi32, #tpu.memory_space<vmem>>
      %dma_start3A_931 = arith.constant 0 : i32
      %dma_start3A_932 = arith.constant 0 : i32
      %dma_start3A_933 = tpu.memref_slice %arg4[%dma_start3A_931, %dma_start3A_932] : memref<1000x4096xf32, #tpu.memory_space<hbm>> -> memref<1000x4096xf32, #tpu.memory_space<hbm>>
      tpu.enqueue_indirect_dma source(%dma_start3A_933 : memref<1000x4096xf32, #tpu.memory_space<hbm>>) target(%dma_start3A_927 : memref<2x4096xf32, #tpu.memory_space<vmem>>) offsets(%dma_start3A_930 : memref<2xi32, #tpu.memory_space<vmem>>) semaphore(%arg18 : memref<!tpu.dma_semaphore, #tpu.memory_space<semaphore_mem>>)
      %mul3A_934 = arith.constant 2 : i32
      %mul3A_935 = arith.muli %add3A_893, %mul3A_934 : i32
      %add3A_936 = arith.addi %mul3A_2, %mul3A_935 : i32
      %dma_start3A_937 = arith.constant 3 : i32
      %dma_start3A_938 = arith.constant 0 : i32
      %dma_start3A_939 = arith.constant 0 : i32
      %dma_start3A_940 = tpu.memref_slice %arg10[%dma_start3A_937, %dma_start3A_938, %dma_start3A_939] : memref<4x2x4096xf32, #tpu.memory_space<vmem>> -> memref<1x2x4096xf32, #tpu.memory_space<vmem>>
      %dma_start3A_941 = tpu.memref_squeeze %dma_start3A_940 : memref<1x2x4096xf32, #tpu.memory_space<vmem>> -> memref<2x4096xf32, #tpu.memory_space<vmem>>
      %dma_start3A_942 = arith.constant 0 : i32
      %dma_start3A_943 = tpu.memref_slice %arg5[%add3A_936, %dma_start3A_942] : memref<4096x4096xf32, #tpu.memory_space<hbm>> -> memref<2x4096xf32, #tpu.memory_space<hbm>>
      %dma_start3A_944 = arith.constant 0 : i32
      %dma_start3A_945 = arith.constant 0 : i32
      %dma_start3A_946 = tpu.memref_slice %arg10[%dma_start3A_937, %dma_start3A_944, %dma_start3A_945] : memref<4x2x4096xf32, #tpu.memory_space<vmem>> -> memref<1x2x4096xf32, #tpu.memory_space<vmem>>
      %dma_start3A_947 = tpu.memref_squeeze %dma_start3A_946 : memref<1x2x4096xf32, #tpu.memory_space<vmem>> -> memref<2x4096xf32, #tpu.memory_space<vmem>>
      %dma_start3A_948 = arith.constant 0 : i32
      %dma_start3A_949 = tpu.memref_slice %arg5[%add3A_936, %dma_start3A_948] : memref<4096x4096xf32, #tpu.memory_space<hbm>> -> memref<2x4096xf32, #tpu.memory_space<hbm>>
      tpu.enqueue_dma source(%dma_start3A_949 : memref<2x4096xf32, #tpu.memory_space<hbm>>) target(%dma_start3A_947 : memref<2x4096xf32, #tpu.memory_space<vmem>>) target_semaphore(%arg22 : memref<!tpu.dma_semaphore, #tpu.memory_space<semaphore_mem>>)
    }
    %scan3A_221 = arith.constant 15 : i32
    %dma_wait3A_222 = arith.constant 61 : i32
    %dma_wait3A_223 = arith.constant 1 : i32
    %dma_wait3A_224 = arith.constant 0 : i32
    %dma_wait3A_225 = arith.constant 0 : i32
    %dma_wait3A_226 = tpu.memref_slice %arg8[%dma_wait3A_223, %dma_wait3A_224, %dma_wait3A_225] : memref<4x2x4096xf32, #tpu.memory_space<vmem>> -> memref<1x2x4096xf32, #tpu.memory_space<vmem>>
    %dma_wait3A_227 = tpu.memref_squeeze %dma_wait3A_226 : memref<1x2x4096xf32, #tpu.memory_space<vmem>> -> memref<2x4096xf32, #tpu.memory_space<vmem>>
    %dma_wait3A_228 = arith.constant 0 : i32
    %dma_wait3A_229 = tpu.memref_slice %arg7[%dma_wait3A_222, %dma_wait3A_228] : memref<64x2xi32, #tpu.memory_space<vmem>> -> memref<1x2xi32, #tpu.memory_space<vmem>>
    %dma_wait3A_230 = tpu.memref_squeeze %dma_wait3A_229 : memref<1x2xi32, #tpu.memory_space<vmem>> -> memref<2xi32, #tpu.memory_space<vmem>>
    %dma_wait3A_231 = arith.constant 0 : i32
    %dma_wait3A_232 = arith.constant 0 : i32
    %dma_wait3A_233 = tpu.memref_slice %arg3[%dma_wait3A_231, %dma_wait3A_232] : memref<1000x4096xf32, #tpu.memory_space<hbm>> -> memref<1000x4096xf32, #tpu.memory_space<hbm>>
    tpu.wait_indirect_dma semaphore(%arg12 : memref<!tpu.dma_semaphore, #tpu.memory_space<semaphore_mem>>) src(%dma_wait3A_233 : memref<1000x4096xf32, #tpu.memory_space<hbm>>) dst(%dma_wait3A_227 : memref<2x4096xf32, #tpu.memory_space<vmem>>)
    %dma_wait3A_234 = arith.constant 61 : i32
    %dma_wait3A_235 = arith.constant 1 : i32
    %dma_wait3A_236 = arith.constant 0 : i32
    %dma_wait3A_237 = arith.constant 0 : i32
    %dma_wait3A_238 = tpu.memref_slice %arg9[%dma_wait3A_235, %dma_wait3A_236, %dma_wait3A_237] : memref<4x2x4096xf32, #tpu.memory_space<vmem>> -> memref<1x2x4096xf32, #tpu.memory_space<vmem>>
    %dma_wait3A_239 = tpu.memref_squeeze %dma_wait3A_238 : memref<1x2x4096xf32, #tpu.memory_space<vmem>> -> memref<2x4096xf32, #tpu.memory_space<vmem>>
    %dma_wait3A_240 = arith.constant 0 : i32
    %dma_wait3A_241 = tpu.memref_slice %arg7[%dma_wait3A_234, %dma_wait3A_240] : memref<64x2xi32, #tpu.memory_space<vmem>> -> memref<1x2xi32, #tpu.memory_space<vmem>>
    %dma_wait3A_242 = tpu.memref_squeeze %dma_wait3A_241 : memref<1x2xi32, #tpu.memory_space<vmem>> -> memref<2xi32, #tpu.memory_space<vmem>>
    %dma_wait3A_243 = arith.constant 0 : i32
    %dma_wait3A_244 = arith.constant 0 : i32
    %dma_wait3A_245 = tpu.memref_slice %arg4[%dma_wait3A_243, %dma_wait3A_244] : memref<1000x4096xf32, #tpu.memory_space<hbm>> -> memref<1000x4096xf32, #tpu.memory_space<hbm>>
    tpu.wait_indirect_dma semaphore(%arg16 : memref<!tpu.dma_semaphore, #tpu.memory_space<semaphore_mem>>) src(%dma_wait3A_245 : memref<1000x4096xf32, #tpu.memory_space<hbm>>) dst(%dma_wait3A_239 : memref<2x4096xf32, #tpu.memory_space<vmem>>)
    %add3A_246 = arith.constant 122 : i32
    %add3A_247 = arith.addi %mul3A_2, %add3A_246 : i32
    %dma_wait3A_248 = arith.constant 1 : i32
    %dma_wait3A_249 = arith.constant 0 : i32
    %dma_wait3A_250 = arith.constant 0 : i32
    %dma_wait3A_251 = tpu.memref_slice %arg10[%dma_wait3A_248, %dma_wait3A_249, %dma_wait3A_250] : memref<4x2x4096xf32, #tpu.memory_space<vmem>> -> memref<1x2x4096xf32, #tpu.memory_space<vmem>>
    %dma_wait3A_252 = tpu.memref_squeeze %dma_wait3A_251 : memref<1x2x4096xf32, #tpu.memory_space<vmem>> -> memref<2x4096xf32, #tpu.memory_space<vmem>>
    %dma_wait3A_253 = arith.constant 0 : i32
    %dma_wait3A_254 = tpu.memref_slice %arg5[%add3A_247, %dma_wait3A_253] : memref<4096x4096xf32, #tpu.memory_space<hbm>> -> memref<2x4096xf32, #tpu.memory_space<hbm>>
    %dma_wait3A_255 = arith.constant 0 : i32
    %dma_wait3A_256 = arith.constant 0 : i32
    %dma_wait3A_257 = tpu.memref_slice %arg10[%dma_wait3A_248, %dma_wait3A_255, %dma_wait3A_256] : memref<4x2x4096xf32, #tpu.memory_space<vmem>> -> memref<1x2x4096xf32, #tpu.memory_space<vmem>>
    %dma_wait3A_258 = tpu.memref_squeeze %dma_wait3A_257 : memref<1x2x4096xf32, #tpu.memory_space<vmem>> -> memref<2x4096xf32, #tpu.memory_space<vmem>>
    %dma_wait3A_259 = arith.constant 0 : i32
    %dma_wait3A_260 = tpu.memref_slice %arg5[%add3A_247, %dma_wait3A_259] : memref<4096x4096xf32, #tpu.memory_space<hbm>> -> memref<2x4096xf32, #tpu.memory_space<hbm>>
    tpu.wait_dma2 semaphore(%arg20 : memref<!tpu.dma_semaphore, #tpu.memory_space<semaphore_mem>>) src(%dma_wait3A_260 : memref<2x4096xf32, #tpu.memory_space<hbm>>) dst(%dma_wait3A_258 : memref<2x4096xf32, #tpu.memory_space<vmem>>)
    %parallel_loop3A_261 = arith.constant 0 : i32
    %parallel_loop3A_262 = arith.constant 4096 : i32
    %parallel_loop3A_263 = arith.constant 16 : i32
    scf.for %parallel_loop3A_462 = %parallel_loop3A_261 to %parallel_loop3A_262 step %parallel_loop3A_263  : i32 {
      %parallel_loop3A_463 = arith.constant 1 : i32
      %parallel_loop3A_464 = arith.constant 0 : i32
      %parallel_loop3A_465 = arith.index_cast %parallel_loop3A_463 : i32 to index
      %parallel_loop3A_466 = arith.index_cast %parallel_loop3A_464 : i32 to index
      %parallel_loop3A_467 = arith.index_cast %parallel_loop3A_462 : i32 to index
      %parallel_loop3A_468 = tpu.vector_load %arg8[%parallel_loop3A_465, %parallel_loop3A_466, %parallel_loop3A_467] {strides = array<i32>} : memref<4x2x4096xf32, #tpu.memory_space<vmem>>, vector<1x1x16xf32>,
      %parallel_loop3A_469 = vector.shape_cast %parallel_loop3A_468 : vector<1x1x16xf32> to vector<16xf32>
      %parallel_loop3A_470 = arith.constant 1 : i32
      %parallel_loop3A_471 = arith.constant 0 : i32
      %parallel_loop3A_472 = arith.index_cast %parallel_loop3A_470 : i32 to index
      %parallel_loop3A_473 = arith.index_cast %parallel_loop3A_471 : i32 to index
      %parallel_loop3A_474 = arith.index_cast %parallel_loop3A_462 : i32 to index
      %parallel_loop3A_475 = tpu.vector_load %arg9[%parallel_loop3A_472, %parallel_loop3A_473, %parallel_loop3A_474] {strides = array<i32>} : memref<4x2x4096xf32, #tpu.memory_space<vmem>>, vector<1x1x16xf32>,
      %parallel_loop3A_476 = vector.shape_cast %parallel_loop3A_475 : vector<1x1x16xf32> to vector<16xf32>
      %parallel_loop3A_477 = arith.constant 1 : i32
      %parallel_loop3A_478 = arith.constant 0 : i32
      %parallel_loop3A_479 = arith.index_cast %parallel_loop3A_477 : i32 to index
      %parallel_loop3A_480 = arith.index_cast %parallel_loop3A_478 : i32 to index
      %parallel_loop3A_481 = arith.index_cast %parallel_loop3A_462 : i32 to index
      %parallel_loop3A_482 = tpu.vector_load %arg10[%parallel_loop3A_479, %parallel_loop3A_480, %parallel_loop3A_481] {strides = array<i32>} : memref<4x2x4096xf32, #tpu.memory_space<vmem>>, vector<1x1x16xf32>,
      %parallel_loop3A_483 = vector.shape_cast %parallel_loop3A_482 : vector<1x1x16xf32> to vector<16xf32>
      %parallel_loop3A_484 = arith.mulf %parallel_loop3A_476, %parallel_loop3A_483 : vector<16xf32>
      %parallel_loop3A_485 = arith.addf %parallel_loop3A_469, %parallel_loop3A_484 : vector<16xf32>
      %parallel_loop3A_486 = arith.constant 1 : i32
      %parallel_loop3A_487 = arith.constant 0 : i32
      %parallel_loop3A_488 = arith.index_cast %parallel_loop3A_486 : i32 to index
      %parallel_loop3A_489 = arith.index_cast %parallel_loop3A_487 : i32 to index
      %parallel_loop3A_490 = arith.index_cast %parallel_loop3A_462 : i32 to index
      %parallel_loop3A_491 = tpu.vector_load %arg8[%parallel_loop3A_488, %parallel_loop3A_489, %parallel_loop3A_490] {strides = array<i32>} : memref<4x2x4096xf32, #tpu.memory_space<vmem>>, vector<1x1x16xf32>,
      %parallel_loop3A_492 = vector.shape_cast %parallel_loop3A_491 : vector<1x1x16xf32> to vector<16xf32>
      %parallel_loop3A_493 = vector.shape_cast %parallel_loop3A_485 : vector<16xf32> to vector<1x1x16xf32>
      tpu.vector_store %arg8[%parallel_loop3A_488, %parallel_loop3A_489, %parallel_loop3A_490], %parallel_loop3A_493 {strides = array<i32>} : memref<4x2x4096xf32, #tpu.memory_space<vmem>>, vector<1x1x16xf32>,
    } {sc.loop_unroll_factor = 8 : i64, sc.parallel_access}
    %parallel_loop3A_264 = arith.constant 0 : i32
    %parallel_loop3A_265 = arith.constant 4096 : i32
    %parallel_loop3A_266 = arith.constant 16 : i32
    scf.for %parallel_loop3A_462 = %parallel_loop3A_264 to %parallel_loop3A_265 step %parallel_loop3A_266  : i32 {
      %parallel_loop3A_463 = arith.constant 1 : i32
      %parallel_loop3A_464 = arith.constant 1 : i32
      %parallel_loop3A_465 = arith.index_cast %parallel_loop3A_463 : i32 to index
      %parallel_loop3A_466 = arith.index_cast %parallel_loop3A_464 : i32 to index
      %parallel_loop3A_467 = arith.index_cast %parallel_loop3A_462 : i32 to index
      %parallel_loop3A_468 = tpu.vector_load %arg8[%parallel_loop3A_465, %parallel_loop3A_466, %parallel_loop3A_467] {strides = array<i32>} : memref<4x2x4096xf32, #tpu.memory_space<vmem>>, vector<1x1x16xf32>,
      %parallel_loop3A_469 = vector.shape_cast %parallel_loop3A_468 : vector<1x1x16xf32> to vector<16xf32>
      %parallel_loop3A_470 = arith.constant 1 : i32
      %parallel_loop3A_471 = arith.constant 1 : i32
      %parallel_loop3A_472 = arith.index_cast %parallel_loop3A_470 : i32 to index
      %parallel_loop3A_473 = arith.index_cast %parallel_loop3A_471 : i32 to index
      %parallel_loop3A_474 = arith.index_cast %parallel_loop3A_462 : i32 to index
      %parallel_loop3A_475 = tpu.vector_load %arg9[%parallel_loop3A_472, %parallel_loop3A_473, %parallel_loop3A_474] {strides = array<i32>} : memref<4x2x4096xf32, #tpu.memory_space<vmem>>, vector<1x1x16xf32>,
      %parallel_loop3A_476 = vector.shape_cast %parallel_loop3A_475 : vector<1x1x16xf32> to vector<16xf32>
      %parallel_loop3A_477 = arith.constant 1 : i32
      %parallel_loop3A_478 = arith.constant 1 : i32
      %parallel_loop3A_479 = arith.index_cast %parallel_loop3A_477 : i32 to index
      %parallel_loop3A_480 = arith.index_cast %parallel_loop3A_478 : i32 to index
      %parallel_loop3A_481 = arith.index_cast %parallel_loop3A_462 : i32 to index
      %parallel_loop3A_482 = tpu.vector_load %arg10[%parallel_loop3A_479, %parallel_loop3A_480, %parallel_loop3A_481] {strides = array<i32>} : memref<4x2x4096xf32, #tpu.memory_space<vmem>>, vector<1x1x16xf32>,
      %parallel_loop3A_483 = vector.shape_cast %parallel_loop3A_482 : vector<1x1x16xf32> to vector<16xf32>
      %parallel_loop3A_484 = arith.mulf %parallel_loop3A_476, %parallel_loop3A_483 : vector<16xf32>
      %parallel_loop3A_485 = arith.addf %parallel_loop3A_469, %parallel_loop3A_484 : vector<16xf32>
      %parallel_loop3A_486 = arith.constant 1 : i32
      %parallel_loop3A_487 = arith.constant 1 : i32
      %parallel_loop3A_488 = arith.index_cast %parallel_loop3A_486 : i32 to index
      %parallel_loop3A_489 = arith.index_cast %parallel_loop3A_487 : i32 to index
      %parallel_loop3A_490 = arith.index_cast %parallel_loop3A_462 : i32 to index
      %parallel_loop3A_491 = tpu.vector_load %arg8[%parallel_loop3A_488, %parallel_loop3A_489, %parallel_loop3A_490] {strides = array<i32>} : memref<4x2x4096xf32, #tpu.memory_space<vmem>>, vector<1x1x16xf32>,
      %parallel_loop3A_492 = vector.shape_cast %parallel_loop3A_491 : vector<1x1x16xf32> to vector<16xf32>
      %parallel_loop3A_493 = vector.shape_cast %parallel_loop3A_485 : vector<16xf32> to vector<1x1x16xf32>
      tpu.vector_store %arg8[%parallel_loop3A_488, %parallel_loop3A_489, %parallel_loop3A_490], %parallel_loop3A_493 {strides = array<i32>} : memref<4x2x4096xf32, #tpu.memory_space<vmem>>, vector<1x1x16xf32>,
    } {sc.loop_unroll_factor = 8 : i64, sc.parallel_access}
    %add3A_267 = arith.constant 122 : i32
    %add3A_268 = arith.addi %mul3A_2, %add3A_267 : i32
    %dma_start3A_269 = arith.constant 1 : i32
    %dma_start3A_270 = arith.constant 0 : i32
    %dma_start3A_271 = arith.constant 0 : i32
    %dma_start3A_272 = tpu.memref_slice %arg8[%dma_start3A_269, %dma_start3A_270, %dma_start3A_271] : memref<4x2x4096xf32, #tpu.memory_space<vmem>> -> memref<1x2x4096xf32, #tpu.memory_space<vmem>>
    %dma_start3A_273 = tpu.memref_squeeze %dma_start3A_272 : memref<1x2x4096xf32, #tpu.memory_space<vmem>> -> memref<2x4096xf32, #tpu.memory_space<vmem>>
    %dma_start3A_274 = arith.constant 0 : i32
    %dma_start3A_275 = tpu.memref_slice %arg6[%add3A_268, %dma_start3A_274] : memref<4096x4096xf32, #tpu.memory_space<hbm>> -> memref<2x4096xf32, #tpu.memory_space<hbm>>
    %dma_start3A_276 = arith.constant 0 : i32
    %dma_start3A_277 = tpu.memref_slice %arg6[%add3A_268, %dma_start3A_276] : memref<4096x4096xf32, #tpu.memory_space<hbm>> -> memref<2x4096xf32, #tpu.memory_space<hbm>>
    %dma_start3A_278 = arith.constant 0 : i32
    %dma_start3A_279 = arith.constant 0 : i32
    %dma_start3A_280 = tpu.memref_slice %arg8[%dma_start3A_269, %dma_start3A_278, %dma_start3A_279] : memref<4x2x4096xf32, #tpu.memory_space<vmem>> -> memref<1x2x4096xf32, #tpu.memory_space<vmem>>
    %dma_start3A_281 = tpu.memref_squeeze %dma_start3A_280 : memref<1x2x4096xf32, #tpu.memory_space<vmem>> -> memref<2x4096xf32, #tpu.memory_space<vmem>>
    tpu.enqueue_dma source(%dma_start3A_281 : memref<2x4096xf32, #tpu.memory_space<vmem>>) target(%dma_start3A_277 : memref<2x4096xf32, #tpu.memory_space<hbm>>) target_semaphore(%arg24 : memref<!tpu.dma_semaphore, #tpu.memory_space<semaphore_mem>>)
    %dma_wait3A_282 = arith.constant 62 : i32
    %dma_wait3A_283 = arith.constant 2 : i32
    %dma_wait3A_284 = arith.constant 0 : i32
    %dma_wait3A_285 = arith.constant 0 : i32
    %dma_wait3A_286 = tpu.memref_slice %arg8[%dma_wait3A_283, %dma_wait3A_284, %dma_wait3A_285] : memref<4x2x4096xf32, #tpu.memory_space<vmem>> -> memref<1x2x4096xf32, #tpu.memory_space<vmem>>
    %dma_wait3A_287 = tpu.memref_squeeze %dma_wait3A_286 : memref<1x2x4096xf32, #tpu.memory_space<vmem>> -> memref<2x4096xf32, #tpu.memory_space<vmem>>
    %dma_wait3A_288 = arith.constant 0 : i32
    %dma_wait3A_289 = tpu.memref_slice %arg7[%dma_wait3A_282, %dma_wait3A_288] : memref<64x2xi32, #tpu.memory_space<vmem>> -> memref<1x2xi32, #tpu.memory_space<vmem>>
    %dma_wait3A_290 = tpu.memref_squeeze %dma_wait3A_289 : memref<1x2xi32, #tpu.memory_space<vmem>> -> memref<2xi32, #tpu.memory_space<vmem>>
    %dma_wait3A_291 = arith.constant 0 : i32
    %dma_wait3A_292 = arith.constant 0 : i32
    %dma_wait3A_293 = tpu.memref_slice %arg3[%dma_wait3A_291, %dma_wait3A_292] : memref<1000x4096xf32, #tpu.memory_space<hbm>> -> memref<1000x4096xf32, #tpu.memory_space<hbm>>
    tpu.wait_indirect_dma semaphore(%arg13 : memref<!tpu.dma_semaphore, #tpu.memory_space<semaphore_mem>>) src(%dma_wait3A_293 : memref<1000x4096xf32, #tpu.memory_space<hbm>>) dst(%dma_wait3A_287 : memref<2x4096xf32, #tpu.memory_space<vmem>>)
    %dma_wait3A_294 = arith.constant 62 : i32
    %dma_wait3A_295 = arith.constant 2 : i32
    %dma_wait3A_296 = arith.constant 0 : i32
    %dma_wait3A_297 = arith.constant 0 : i32
    %dma_wait3A_298 = tpu.memref_slice %arg9[%dma_wait3A_295, %dma_wait3A_296, %dma_wait3A_297] : memref<4x2x4096xf32, #tpu.memory_space<vmem>> -> memref<1x2x4096xf32, #tpu.memory_space<vmem>>
    %dma_wait3A_299 = tpu.memref_squeeze %dma_wait3A_298 : memref<1x2x4096xf32, #tpu.memory_space<vmem>> -> memref<2x4096xf32, #tpu.memory_space<vmem>>
    %dma_wait3A_300 = arith.constant 0 : i32
    %dma_wait3A_301 = tpu.memref_slice %arg7[%dma_wait3A_294, %dma_wait3A_300] : memref<64x2xi32, #tpu.memory_space<vmem>> -> memref<1x2xi32, #tpu.memory_space<vmem>>
    %dma_wait3A_302 = tpu.memref_squeeze %dma_wait3A_301 : memref<1x2xi32, #tpu.memory_space<vmem>> -> memref<2xi32, #tpu.memory_space<vmem>>
    %dma_wait3A_303 = arith.constant 0 : i32
    %dma_wait3A_304 = arith.constant 0 : i32
    %dma_wait3A_305 = tpu.memref_slice %arg4[%dma_wait3A_303, %dma_wait3A_304] : memref<1000x4096xf32, #tpu.memory_space<hbm>> -> memref<1000x4096xf32, #tpu.memory_space<hbm>>
    tpu.wait_indirect_dma semaphore(%arg17 : memref<!tpu.dma_semaphore, #tpu.memory_space<semaphore_mem>>) src(%dma_wait3A_305 : memref<1000x4096xf32, #tpu.memory_space<hbm>>) dst(%dma_wait3A_299 : memref<2x4096xf32, #tpu.memory_space<vmem>>)
    %add3A_306 = arith.constant 124 : i32
    %add3A_307 = arith.addi %mul3A_2, %add3A_306 : i32
    %dma_wait3A_308 = arith.constant 2 : i32
    %dma_wait3A_309 = arith.constant 0 : i32
    %dma_wait3A_310 = arith.constant 0 : i32
    %dma_wait3A_311 = tpu.memref_slice %arg10[%dma_wait3A_308, %dma_wait3A_309, %dma_wait3A_310] : memref<4x2x4096xf32, #tpu.memory_space<vmem>> -> memref<1x2x4096xf32, #tpu.memory_space<vmem>>
    %dma_wait3A_312 = tpu.memref_squeeze %dma_wait3A_311 : memref<1x2x4096xf32, #tpu.memory_space<vmem>> -> memref<2x4096xf32, #tpu.memory_space<vmem>>
    %dma_wait3A_313 = arith.constant 0 : i32
    %dma_wait3A_314 = tpu.memref_slice %arg5[%add3A_307, %dma_wait3A_313] : memref<4096x4096xf32, #tpu.memory_space<hbm>> -> memref<2x4096xf32, #tpu.memory_space<hbm>>
    %dma_wait3A_315 = arith.constant 0 : i32
    %dma_wait3A_316 = arith.constant 0 : i32
    %dma_wait3A_317 = tpu.memref_slice %arg10[%dma_wait3A_308, %dma_wait3A_315, %dma_wait3A_316] : memref<4x2x4096xf32, #tpu.memory_space<vmem>> -> memref<1x2x4096xf32, #tpu.memory_space<vmem>>
    %dma_wait3A_318 = tpu.memref_squeeze %dma_wait3A_317 : memref<1x2x4096xf32, #tpu.memory_space<vmem>> -> memref<2x4096xf32, #tpu.memory_space<vmem>>
    %dma_wait3A_319 = arith.constant 0 : i32
    %dma_wait3A_320 = tpu.memref_slice %arg5[%add3A_307, %dma_wait3A_319] : memref<4096x4096xf32, #tpu.memory_space<hbm>> -> memref<2x4096xf32, #tpu.memory_space<hbm>>
    tpu.wait_dma2 semaphore(%arg21 : memref<!tpu.dma_semaphore, #tpu.memory_space<semaphore_mem>>) src(%dma_wait3A_320 : memref<2x4096xf32, #tpu.memory_space<hbm>>) dst(%dma_wait3A_318 : memref<2x4096xf32, #tpu.memory_space<vmem>>)
    %parallel_loop3A_321 = arith.constant 0 : i32
    %parallel_loop3A_322 = arith.constant 4096 : i32
    %parallel_loop3A_323 = arith.constant 16 : i32
    scf.for %parallel_loop3A_462 = %parallel_loop3A_321 to %parallel_loop3A_322 step %parallel_loop3A_323  : i32 {
      %parallel_loop3A_463 = arith.constant 2 : i32
      %parallel_loop3A_464 = arith.constant 0 : i32
      %parallel_loop3A_465 = arith.index_cast %parallel_loop3A_463 : i32 to index
      %parallel_loop3A_466 = arith.index_cast %parallel_loop3A_464 : i32 to index
      %parallel_loop3A_467 = arith.index_cast %parallel_loop3A_462 : i32 to index
      %parallel_loop3A_468 = tpu.vector_load %arg8[%parallel_loop3A_465, %parallel_loop3A_466, %parallel_loop3A_467] {strides = array<i32>} : memref<4x2x4096xf32, #tpu.memory_space<vmem>>, vector<1x1x16xf32>,
      %parallel_loop3A_469 = vector.shape_cast %parallel_loop3A_468 : vector<1x1x16xf32> to vector<16xf32>
      %parallel_loop3A_470 = arith.constant 2 : i32
      %parallel_loop3A_471 = arith.constant 0 : i32
      %parallel_loop3A_472 = arith.index_cast %parallel_loop3A_470 : i32 to index
      %parallel_loop3A_473 = arith.index_cast %parallel_loop3A_471 : i32 to index
      %parallel_loop3A_474 = arith.index_cast %parallel_loop3A_462 : i32 to index
      %parallel_loop3A_475 = tpu.vector_load %arg9[%parallel_loop3A_472, %parallel_loop3A_473, %parallel_loop3A_474] {strides = array<i32>} : memref<4x2x4096xf32, #tpu.memory_space<vmem>>, vector<1x1x16xf32>,
      %parallel_loop3A_476 = vector.shape_cast %parallel_loop3A_475 : vector<1x1x16xf32> to vector<16xf32>
      %parallel_loop3A_477 = arith.constant 2 : i32
      %parallel_loop3A_478 = arith.constant 0 : i32
      %parallel_loop3A_479 = arith.index_cast %parallel_loop3A_477 : i32 to index
      %parallel_loop3A_480 = arith.index_cast %parallel_loop3A_478 : i32 to index
      %parallel_loop3A_481 = arith.index_cast %parallel_loop3A_462 : i32 to index
      %parallel_loop3A_482 = tpu.vector_load %arg10[%parallel_loop3A_479, %parallel_loop3A_480, %parallel_loop3A_481] {strides = array<i32>} : memref<4x2x4096xf32, #tpu.memory_space<vmem>>, vector<1x1x16xf32>,
      %parallel_loop3A_483 = vector.shape_cast %parallel_loop3A_482 : vector<1x1x16xf32> to vector<16xf32>
      %parallel_loop3A_484 = arith.mulf %parallel_loop3A_476, %parallel_loop3A_483 : vector<16xf32>
      %parallel_loop3A_485 = arith.addf %parallel_loop3A_469, %parallel_loop3A_484 : vector<16xf32>
      %parallel_loop3A_486 = arith.constant 2 : i32
      %parallel_loop3A_487 = arith.constant 0 : i32
      %parallel_loop3A_488 = arith.index_cast %parallel_loop3A_486 : i32 to index
      %parallel_loop3A_489 = arith.index_cast %parallel_loop3A_487 : i32 to index
      %parallel_loop3A_490 = arith.index_cast %parallel_loop3A_462 : i32 to index
      %parallel_loop3A_491 = tpu.vector_load %arg8[%parallel_loop3A_488, %parallel_loop3A_489, %parallel_loop3A_490] {strides = array<i32>} : memref<4x2x4096xf32, #tpu.memory_space<vmem>>, vector<1x1x16xf32>,
      %parallel_loop3A_492 = vector.shape_cast %parallel_loop3A_491 : vector<1x1x16xf32> to vector<16xf32>
      %parallel_loop3A_493 = vector.shape_cast %parallel_loop3A_485 : vector<16xf32> to vector<1x1x16xf32>
      tpu.vector_store %arg8[%parallel_loop3A_488, %parallel_loop3A_489, %parallel_loop3A_490], %parallel_loop3A_493 {strides = array<i32>} : memref<4x2x4096xf32, #tpu.memory_space<vmem>>, vector<1x1x16xf32>,
    } {sc.loop_unroll_factor = 8 : i64, sc.parallel_access}
    %parallel_loop3A_324 = arith.constant 0 : i32
    %parallel_loop3A_325 = arith.constant 4096 : i32
    %parallel_loop3A_326 = arith.constant 16 : i32
    scf.for %parallel_loop3A_462 = %parallel_loop3A_324 to %parallel_loop3A_325 step %parallel_loop3A_326  : i32 {
      %parallel_loop3A_463 = arith.constant 2 : i32
      %parallel_loop3A_464 = arith.constant 1 : i32
      %parallel_loop3A_465 = arith.index_cast %parallel_loop3A_463 : i32 to index
      %parallel_loop3A_466 = arith.index_cast %parallel_loop3A_464 : i32 to index
      %parallel_loop3A_467 = arith.index_cast %parallel_loop3A_462 : i32 to index
      %parallel_loop3A_468 = tpu.vector_load %arg8[%parallel_loop3A_465, %parallel_loop3A_466, %parallel_loop3A_467] {strides = array<i32>} : memref<4x2x4096xf32, #tpu.memory_space<vmem>>, vector<1x1x16xf32>,
      %parallel_loop3A_469 = vector.shape_cast %parallel_loop3A_468 : vector<1x1x16xf32> to vector<16xf32>
      %parallel_loop3A_470 = arith.constant 2 : i32
      %parallel_loop3A_471 = arith.constant 1 : i32
      %parallel_loop3A_472 = arith.index_cast %parallel_loop3A_470 : i32 to index
      %parallel_loop3A_473 = arith.index_cast %parallel_loop3A_471 : i32 to index
      %parallel_loop3A_474 = arith.index_cast %parallel_loop3A_462 : i32 to index
      %parallel_loop3A_475 = tpu.vector_load %arg9[%parallel_loop3A_472, %parallel_loop3A_473, %parallel_loop3A_474] {strides = array<i32>} : memref<4x2x4096xf32, #tpu.memory_space<vmem>>, vector<1x1x16xf32>,
      %parallel_loop3A_476 = vector.shape_cast %parallel_loop3A_475 : vector<1x1x16xf32> to vector<16xf32>
      %parallel_loop3A_477 = arith.constant 2 : i32
      %parallel_loop3A_478 = arith.constant 1 : i32
      %parallel_loop3A_479 = arith.index_cast %parallel_loop3A_477 : i32 to index
      %parallel_loop3A_480 = arith.index_cast %parallel_loop3A_478 : i32 to index
      %parallel_loop3A_481 = arith.index_cast %parallel_loop3A_462 : i32 to index
      %parallel_loop3A_482 = tpu.vector_load %arg10[%parallel_loop3A_479, %parallel_loop3A_480, %parallel_loop3A_481] {strides = array<i32>} : memref<4x2x4096xf32, #tpu.memory_space<vmem>>, vector<1x1x16xf32>,
      %parallel_loop3A_483 = vector.shape_cast %parallel_loop3A_482 : vector<1x1x16xf32> to vector<16xf32>
      %parallel_loop3A_484 = arith.mulf %parallel_loop3A_476, %parallel_loop3A_483 : vector<16xf32>
      %parallel_loop3A_485 = arith.addf %parallel_loop3A_469, %parallel_loop3A_484 : vector<16xf32>
      %parallel_loop3A_486 = arith.constant 2 : i32
      %parallel_loop3A_487 = arith.constant 1 : i32
      %parallel_loop3A_488 = arith.index_cast %parallel_loop3A_486 : i32 to index
      %parallel_loop3A_489 = arith.index_cast %parallel_loop3A_487 : i32 to index
      %parallel_loop3A_490 = arith.index_cast %parallel_loop3A_462 : i32 to index
      %parallel_loop3A_491 = tpu.vector_load %arg8[%parallel_loop3A_488, %parallel_loop3A_489, %parallel_loop3A_490] {strides = array<i32>} : memref<4x2x4096xf32, #tpu.memory_space<vmem>>, vector<1x1x16xf32>,
      %parallel_loop3A_492 = vector.shape_cast %parallel_loop3A_491 : vector<1x1x16xf32> to vector<16xf32>
      %parallel_loop3A_493 = vector.shape_cast %parallel_loop3A_485 : vector<16xf32> to vector<1x1x16xf32>
      tpu.vector_store %arg8[%parallel_loop3A_488, %parallel_loop3A_489, %parallel_loop3A_490], %parallel_loop3A_493 {strides = array<i32>} : memref<4x2x4096xf32, #tpu.memory_space<vmem>>, vector<1x1x16xf32>,
    } {sc.loop_unroll_factor = 8 : i64, sc.parallel_access}
    %add3A_327 = arith.constant 124 : i32
    %add3A_328 = arith.addi %mul3A_2, %add3A_327 : i32
    %dma_start3A_329 = arith.constant 2 : i32
    %dma_start3A_330 = arith.constant 0 : i32
    %dma_start3A_331 = arith.constant 0 : i32
    %dma_start3A_332 = tpu.memref_slice %arg8[%dma_start3A_329, %dma_start3A_330, %dma_start3A_331] : memref<4x2x4096xf32, #tpu.memory_space<vmem>> -> memref<1x2x4096xf32, #tpu.memory_space<vmem>>
    %dma_start3A_333 = tpu.memref_squeeze %dma_start3A_332 : memref<1x2x4096xf32, #tpu.memory_space<vmem>> -> memref<2x4096xf32, #tpu.memory_space<vmem>>
    %dma_start3A_334 = arith.constant 0 : i32
    %dma_start3A_335 = tpu.memref_slice %arg6[%add3A_328, %dma_start3A_334] : memref<4096x4096xf32, #tpu.memory_space<hbm>> -> memref<2x4096xf32, #tpu.memory_space<hbm>>
    %dma_start3A_336 = arith.constant 0 : i32
    %dma_start3A_337 = tpu.memref_slice %arg6[%add3A_328, %dma_start3A_336] : memref<4096x4096xf32, #tpu.memory_space<hbm>> -> memref<2x4096xf32, #tpu.memory_space<hbm>>
    %dma_start3A_338 = arith.constant 0 : i32
    %dma_start3A_339 = arith.constant 0 : i32
    %dma_start3A_340 = tpu.memref_slice %arg8[%dma_start3A_329, %dma_start3A_338, %dma_start3A_339] : memref<4x2x4096xf32, #tpu.memory_space<vmem>> -> memref<1x2x4096xf32, #tpu.memory_space<vmem>>
    %dma_start3A_341 = tpu.memref_squeeze %dma_start3A_340 : memref<1x2x4096xf32, #tpu.memory_space<vmem>> -> memref<2x4096xf32, #tpu.memory_space<vmem>>
    tpu.enqueue_dma source(%dma_start3A_341 : memref<2x4096xf32, #tpu.memory_space<vmem>>) target(%dma_start3A_337 : memref<2x4096xf32, #tpu.memory_space<hbm>>) target_semaphore(%arg25 : memref<!tpu.dma_semaphore, #tpu.memory_space<semaphore_mem>>)
    %dma_wait3A_342 = arith.constant 63 : i32
    %dma_wait3A_343 = arith.constant 3 : i32
    %dma_wait3A_344 = arith.constant 0 : i32
    %dma_wait3A_345 = arith.constant 0 : i32
    %dma_wait3A_346 = tpu.memref_slice %arg8[%dma_wait3A_343, %dma_wait3A_344, %dma_wait3A_345] : memref<4x2x4096xf32, #tpu.memory_space<vmem>> -> memref<1x2x4096xf32, #tpu.memory_space<vmem>>
    %dma_wait3A_347 = tpu.memref_squeeze %dma_wait3A_346 : memref<1x2x4096xf32, #tpu.memory_space<vmem>> -> memref<2x4096xf32, #tpu.memory_space<vmem>>
    %dma_wait3A_348 = arith.constant 0 : i32
    %dma_wait3A_349 = tpu.memref_slice %arg7[%dma_wait3A_342, %dma_wait3A_348] : memref<64x2xi32, #tpu.memory_space<vmem>> -> memref<1x2xi32, #tpu.memory_space<vmem>>
    %dma_wait3A_350 = tpu.memref_squeeze %dma_wait3A_349 : memref<1x2xi32, #tpu.memory_space<vmem>> -> memref<2xi32, #tpu.memory_space<vmem>>
    %dma_wait3A_351 = arith.constant 0 : i32
    %dma_wait3A_352 = arith.constant 0 : i32
    %dma_wait3A_353 = tpu.memref_slice %arg3[%dma_wait3A_351, %dma_wait3A_352] : memref<1000x4096xf32, #tpu.memory_space<hbm>> -> memref<1000x4096xf32, #tpu.memory_space<hbm>>
    tpu.wait_indirect_dma semaphore(%arg14 : memref<!tpu.dma_semaphore, #tpu.memory_space<semaphore_mem>>) src(%dma_wait3A_353 : memref<1000x4096xf32, #tpu.memory_space<hbm>>) dst(%dma_wait3A_347 : memref<2x4096xf32, #tpu.memory_space<vmem>>)
    %dma_wait3A_354 = arith.constant 63 : i32
    %dma_wait3A_355 = arith.constant 3 : i32
    %dma_wait3A_356 = arith.constant 0 : i32
    %dma_wait3A_357 = arith.constant 0 : i32
    %dma_wait3A_358 = tpu.memref_slice %arg9[%dma_wait3A_355, %dma_wait3A_356, %dma_wait3A_357] : memref<4x2x4096xf32, #tpu.memory_space<vmem>> -> memref<1x2x4096xf32, #tpu.memory_space<vmem>>
    %dma_wait3A_359 = tpu.memref_squeeze %dma_wait3A_358 : memref<1x2x4096xf32, #tpu.memory_space<vmem>> -> memref<2x4096xf32, #tpu.memory_space<vmem>>
    %dma_wait3A_360 = arith.constant 0 : i32
    %dma_wait3A_361 = tpu.memref_slice %arg7[%dma_wait3A_354, %dma_wait3A_360] : memref<64x2xi32, #tpu.memory_space<vmem>> -> memref<1x2xi32, #tpu.memory_space<vmem>>
    %dma_wait3A_362 = tpu.memref_squeeze %dma_wait3A_361 : memref<1x2xi32, #tpu.memory_space<vmem>> -> memref<2xi32, #tpu.memory_space<vmem>>
    %dma_wait3A_363 = arith.constant 0 : i32
    %dma_wait3A_364 = arith.constant 0 : i32
    %dma_wait3A_365 = tpu.memref_slice %arg4[%dma_wait3A_363, %dma_wait3A_364] : memref<1000x4096xf32, #tpu.memory_space<hbm>> -> memref<1000x4096xf32, #tpu.memory_space<hbm>>
    tpu.wait_indirect_dma semaphore(%arg18 : memref<!tpu.dma_semaphore, #tpu.memory_space<semaphore_mem>>) src(%dma_wait3A_365 : memref<1000x4096xf32, #tpu.memory_space<hbm>>) dst(%dma_wait3A_359 : memref<2x4096xf32, #tpu.memory_space<vmem>>)
    %add3A_366 = arith.constant 126 : i32
    %add3A_367 = arith.addi %mul3A_2, %add3A_366 : i32
    %dma_wait3A_368 = arith.constant 3 : i32
    %dma_wait3A_369 = arith.constant 0 : i32
    %dma_wait3A_370 = arith.constant 0 : i32
    %dma_wait3A_371 = tpu.memref_slice %arg10[%dma_wait3A_368, %dma_wait3A_369, %dma_wait3A_370] : memref<4x2x4096xf32, #tpu.memory_space<vmem>> -> memref<1x2x4096xf32, #tpu.memory_space<vmem>>
    %dma_wait3A_372 = tpu.memref_squeeze %dma_wait3A_371 : memref<1x2x4096xf32, #tpu.memory_space<vmem>> -> memref<2x4096xf32, #tpu.memory_space<vmem>>
    %dma_wait3A_373 = arith.constant 0 : i32
    %dma_wait3A_374 = tpu.memref_slice %arg5[%add3A_367, %dma_wait3A_373] : memref<4096x4096xf32, #tpu.memory_space<hbm>> -> memref<2x4096xf32, #tpu.memory_space<hbm>>
    %dma_wait3A_375 = arith.constant 0 : i32
    %dma_wait3A_376 = arith.constant 0 : i32
    %dma_wait3A_377 = tpu.memref_slice %arg10[%dma_wait3A_368, %dma_wait3A_375, %dma_wait3A_376] : memref<4x2x4096xf32, #tpu.memory_space<vmem>> -> memref<1x2x4096xf32, #tpu.memory_space<vmem>>
    %dma_wait3A_378 = tpu.memref_squeeze %dma_wait3A_377 : memref<1x2x4096xf32, #tpu.memory_space<vmem>> -> memref<2x4096xf32, #tpu.memory_space<vmem>>
    %dma_wait3A_379 = arith.constant 0 : i32
    %dma_wait3A_380 = tpu.memref_slice %arg5[%add3A_367, %dma_wait3A_379] : memref<4096x4096xf32, #tpu.memory_space<hbm>> -> memref<2x4096xf32, #tpu.memory_space<hbm>>
    tpu.wait_dma2 semaphore(%arg22 : memref<!tpu.dma_semaphore, #tpu.memory_space<semaphore_mem>>) src(%dma_wait3A_380 : memref<2x4096xf32, #tpu.memory_space<hbm>>) dst(%dma_wait3A_378 : memref<2x4096xf32, #tpu.memory_space<vmem>>)
    %parallel_loop3A_381 = arith.constant 0 : i32
    %parallel_loop3A_382 = arith.constant 4096 : i32
    %parallel_loop3A_383 = arith.constant 16 : i32
    scf.for %parallel_loop3A_462 = %parallel_loop3A_381 to %parallel_loop3A_382 step %parallel_loop3A_383  : i32 {
      %parallel_loop3A_463 = arith.constant 3 : i32
      %parallel_loop3A_464 = arith.constant 0 : i32
      %parallel_loop3A_465 = arith.index_cast %parallel_loop3A_463 : i32 to index
      %parallel_loop3A_466 = arith.index_cast %parallel_loop3A_464 : i32 to index
      %parallel_loop3A_467 = arith.index_cast %parallel_loop3A_462 : i32 to index
      %parallel_loop3A_468 = tpu.vector_load %arg8[%parallel_loop3A_465, %parallel_loop3A_466, %parallel_loop3A_467] {strides = array<i32>} : memref<4x2x4096xf32, #tpu.memory_space<vmem>>, vector<1x1x16xf32>,
      %parallel_loop3A_469 = vector.shape_cast %parallel_loop3A_468 : vector<1x1x16xf32> to vector<16xf32>
      %parallel_loop3A_470 = arith.constant 3 : i32
      %parallel_loop3A_471 = arith.constant 0 : i32
      %parallel_loop3A_472 = arith.index_cast %parallel_loop3A_470 : i32 to index
      %parallel_loop3A_473 = arith.index_cast %parallel_loop3A_471 : i32 to index
      %parallel_loop3A_474 = arith.index_cast %parallel_loop3A_462 : i32 to index
      %parallel_loop3A_475 = tpu.vector_load %arg9[%parallel_loop3A_472, %parallel_loop3A_473, %parallel_loop3A_474] {strides = array<i32>} : memref<4x2x4096xf32, #tpu.memory_space<vmem>>, vector<1x1x16xf32>,
      %parallel_loop3A_476 = vector.shape_cast %parallel_loop3A_475 : vector<1x1x16xf32> to vector<16xf32>
      %parallel_loop3A_477 = arith.constant 3 : i32
      %parallel_loop3A_478 = arith.constant 0 : i32
      %parallel_loop3A_479 = arith.index_cast %parallel_loop3A_477 : i32 to index
      %parallel_loop3A_480 = arith.index_cast %parallel_loop3A_478 : i32 to index
      %parallel_loop3A_481 = arith.index_cast %parallel_loop3A_462 : i32 to index
      %parallel_loop3A_482 = tpu.vector_load %arg10[%parallel_loop3A_479, %parallel_loop3A_480, %parallel_loop3A_481] {strides = array<i32>} : memref<4x2x4096xf32, #tpu.memory_space<vmem>>, vector<1x1x16xf32>,
      %parallel_loop3A_483 = vector.shape_cast %parallel_loop3A_482 : vector<1x1x16xf32> to vector<16xf32>
      %parallel_loop3A_484 = arith.mulf %parallel_loop3A_476, %parallel_loop3A_483 : vector<16xf32>
      %parallel_loop3A_485 = arith.addf %parallel_loop3A_469, %parallel_loop3A_484 : vector<16xf32>
      %parallel_loop3A_486 = arith.constant 3 : i32
      %parallel_loop3A_487 = arith.constant 0 : i32
      %parallel_loop3A_488 = arith.index_cast %parallel_loop3A_486 : i32 to index
      %parallel_loop3A_489 = arith.index_cast %parallel_loop3A_487 : i32 to index
      %parallel_loop3A_490 = arith.index_cast %parallel_loop3A_462 : i32 to index
      %parallel_loop3A_491 = tpu.vector_load %arg8[%parallel_loop3A_488, %parallel_loop3A_489, %parallel_loop3A_490] {strides = array<i32>} : memref<4x2x4096xf32, #tpu.memory_space<vmem>>, vector<1x1x16xf32>,
      %parallel_loop3A_492 = vector.shape_cast %parallel_loop3A_491 : vector<1x1x16xf32> to vector<16xf32>
      %parallel_loop3A_493 = vector.shape_cast %parallel_loop3A_485 : vector<16xf32> to vector<1x1x16xf32>
      tpu.vector_store %arg8[%parallel_loop3A_488, %parallel_loop3A_489, %parallel_loop3A_490], %parallel_loop3A_493 {strides = array<i32>} : memref<4x2x4096xf32, #tpu.memory_space<vmem>>, vector<1x1x16xf32>,
    } {sc.loop_unroll_factor = 8 : i64, sc.parallel_access}
    %parallel_loop3A_384 = arith.constant 0 : i32
    %parallel_loop3A_385 = arith.constant 4096 : i32
    %parallel_loop3A_386 = arith.constant 16 : i32
    scf.for %parallel_loop3A_462 = %parallel_loop3A_384 to %parallel_loop3A_385 step %parallel_loop3A_386  : i32 {
      %parallel_loop3A_463 = arith.constant 3 : i32
      %parallel_loop3A_464 = arith.constant 1 : i32
      %parallel_loop3A_465 = arith.index_cast %parallel_loop3A_463 : i32 to index
      %parallel_loop3A_466 = arith.index_cast %parallel_loop3A_464 : i32 to index
      %parallel_loop3A_467 = arith.index_cast %parallel_loop3A_462 : i32 to index
      %parallel_loop3A_468 = tpu.vector_load %arg8[%parallel_loop3A_465, %parallel_loop3A_466, %parallel_loop3A_467] {strides = array<i32>} : memref<4x2x4096xf32, #tpu.memory_space<vmem>>, vector<1x1x16xf32>,
      %parallel_loop3A_469 = vector.shape_cast %parallel_loop3A_468 : vector<1x1x16xf32> to vector<16xf32>
      %parallel_loop3A_470 = arith.constant 3 : i32
      %parallel_loop3A_471 = arith.constant 1 : i32
      %parallel_loop3A_472 = arith.index_cast %parallel_loop3A_470 : i32 to index
      %parallel_loop3A_473 = arith.index_cast %parallel_loop3A_471 : i32 to index
      %parallel_loop3A_474 = arith.index_cast %parallel_loop3A_462 : i32 to index
      %parallel_loop3A_475 = tpu.vector_load %arg9[%parallel_loop3A_472, %parallel_loop3A_473, %parallel_loop3A_474] {strides = array<i32>} : memref<4x2x4096xf32, #tpu.memory_space<vmem>>, vector<1x1x16xf32>,
      %parallel_loop3A_476 = vector.shape_cast %parallel_loop3A_475 : vector<1x1x16xf32> to vector<16xf32>
      %parallel_loop3A_477 = arith.constant 3 : i32
      %parallel_loop3A_478 = arith.constant 1 : i32
      %parallel_loop3A_479 = arith.index_cast %parallel_loop3A_477 : i32 to index
      %parallel_loop3A_480 = arith.index_cast %parallel_loop3A_478 : i32 to index
      %parallel_loop3A_481 = arith.index_cast %parallel_loop3A_462 : i32 to index
      %parallel_loop3A_482 = tpu.vector_load %arg10[%parallel_loop3A_479, %parallel_loop3A_480, %parallel_loop3A_481] {strides = array<i32>} : memref<4x2x4096xf32, #tpu.memory_space<vmem>>, vector<1x1x16xf32>,
      %parallel_loop3A_483 = vector.shape_cast %parallel_loop3A_482 : vector<1x1x16xf32> to vector<16xf32>
      %parallel_loop3A_484 = arith.mulf %parallel_loop3A_476, %parallel_loop3A_483 : vector<16xf32>
      %parallel_loop3A_485 = arith.addf %parallel_loop3A_469, %parallel_loop3A_484 : vector<16xf32>
      %parallel_loop3A_486 = arith.constant 3 : i32
      %parallel_loop3A_487 = arith.constant 1 : i32
      %parallel_loop3A_488 = arith.index_cast %parallel_loop3A_486 : i32 to index
      %parallel_loop3A_489 = arith.index_cast %parallel_loop3A_487 : i32 to index
      %parallel_loop3A_490 = arith.index_cast %parallel_loop3A_462 : i32 to index
      %parallel_loop3A_491 = tpu.vector_load %arg8[%parallel_loop3A_488, %parallel_loop3A_489, %parallel_loop3A_490] {strides = array<i32>} : memref<4x2x4096xf32, #tpu.memory_space<vmem>>, vector<1x1x16xf32>,
      %parallel_loop3A_492 = vector.shape_cast %parallel_loop3A_491 : vector<1x1x16xf32> to vector<16xf32>
      %parallel_loop3A_493 = vector.shape_cast %parallel_loop3A_485 : vector<16xf32> to vector<1x1x16xf32>
      tpu.vector_store %arg8[%parallel_loop3A_488, %parallel_loop3A_489, %parallel_loop3A_490], %parallel_loop3A_493 {strides = array<i32>} : memref<4x2x4096xf32, #tpu.memory_space<vmem>>, vector<1x1x16xf32>,
    } {sc.loop_unroll_factor = 8 : i64, sc.parallel_access}
    %add3A_387 = arith.constant 126 : i32
    %add3A_388 = arith.addi %mul3A_2, %add3A_387 : i32
    %dma_start3A_389 = arith.constant 3 : i32
    %dma_start3A_390 = arith.constant 0 : i32
    %dma_start3A_391 = arith.constant 0 : i32
    %dma_start3A_392 = tpu.memref_slice %arg8[%dma_start3A_389, %dma_start3A_390, %dma_start3A_391] : memref<4x2x4096xf32, #tpu.memory_space<vmem>> -> memref<1x2x4096xf32, #tpu.memory_space<vmem>>
    %dma_start3A_393 = tpu.memref_squeeze %dma_start3A_392 : memref<1x2x4096xf32, #tpu.memory_space<vmem>> -> memref<2x4096xf32, #tpu.memory_space<vmem>>
    %dma_start3A_394 = arith.constant 0 : i32
    %dma_start3A_395 = tpu.memref_slice %arg6[%add3A_388, %dma_start3A_394] : memref<4096x4096xf32, #tpu.memory_space<hbm>> -> memref<2x4096xf32, #tpu.memory_space<hbm>>
    %dma_start3A_396 = arith.constant 0 : i32
    %dma_start3A_397 = tpu.memref_slice %arg6[%add3A_388, %dma_start3A_396] : memref<4096x4096xf32, #tpu.memory_space<hbm>> -> memref<2x4096xf32, #tpu.memory_space<hbm>>
    %dma_start3A_398 = arith.constant 0 : i32
    %dma_start3A_399 = arith.constant 0 : i32
    %dma_start3A_400 = tpu.memref_slice %arg8[%dma_start3A_389, %dma_start3A_398, %dma_start3A_399] : memref<4x2x4096xf32, #tpu.memory_space<vmem>> -> memref<1x2x4096xf32, #tpu.memory_space<vmem>>
    %dma_start3A_401 = tpu.memref_squeeze %dma_start3A_400 : memref<1x2x4096xf32, #tpu.memory_space<vmem>> -> memref<2x4096xf32, #tpu.memory_space<vmem>>
    tpu.enqueue_dma source(%dma_start3A_401 : memref<2x4096xf32, #tpu.memory_space<vmem>>) target(%dma_start3A_397 : memref<2x4096xf32, #tpu.memory_space<hbm>>) target_semaphore(%arg26 : memref<!tpu.dma_semaphore, #tpu.memory_space<semaphore_mem>>)
    %add3A_402 = arith.constant 120 : i32
    %add3A_403 = arith.addi %mul3A_2, %add3A_402 : i32
    %dma_wait3A_404 = arith.constant 0 : i32
    %dma_wait3A_405 = arith.constant 0 : i32
    %dma_wait3A_406 = arith.constant 0 : i32
    %dma_wait3A_407 = tpu.memref_slice %arg8[%dma_wait3A_404, %dma_wait3A_405, %dma_wait3A_406] : memref<4x2x4096xf32, #tpu.memory_space<vmem>> -> memref<1x2x4096xf32, #tpu.memory_space<vmem>>
    %dma_wait3A_408 = tpu.memref_squeeze %dma_wait3A_407 : memref<1x2x4096xf32, #tpu.memory_space<vmem>> -> memref<2x4096xf32, #tpu.memory_space<vmem>>
    %dma_wait3A_409 = arith.constant 0 : i32
    %dma_wait3A_410 = tpu.memref_slice %arg6[%add3A_403, %dma_wait3A_409] : memref<4096x4096xf32, #tpu.memory_space<hbm>> -> memref<2x4096xf32, #tpu.memory_space<hbm>>
    %dma_wait3A_411 = arith.constant 0 : i32
    %dma_wait3A_412 = tpu.memref_slice %arg6[%add3A_403, %dma_wait3A_411] : memref<4096x4096xf32, #tpu.memory_space<hbm>> -> memref<2x4096xf32, #tpu.memory_space<hbm>>
    %dma_wait3A_413 = arith.constant 0 : i32
    %dma_wait3A_414 = arith.constant 0 : i32
    %dma_wait3A_415 = tpu.memref_slice %arg8[%dma_wait3A_404, %dma_wait3A_413, %dma_wait3A_414] : memref<4x2x4096xf32, #tpu.memory_space<vmem>> -> memref<1x2x4096xf32, #tpu.memory_space<vmem>>
    %dma_wait3A_416 = tpu.memref_squeeze %dma_wait3A_415 : memref<1x2x4096xf32, #tpu.memory_space<vmem>> -> memref<2x4096xf32, #tpu.memory_space<vmem>>
    tpu.wait_dma2 semaphore(%arg23 : memref<!tpu.dma_semaphore, #tpu.memory_space<semaphore_mem>>) src(%dma_wait3A_416 : memref<2x4096xf32, #tpu.memory_space<vmem>>) dst(%dma_wait3A_412 : memref<2x4096xf32, #tpu.memory_space<hbm>>)
    %add3A_417 = arith.constant 122 : i32
    %add3A_418 = arith.addi %mul3A_2, %add3A_417 : i32
    %dma_wait3A_419 = arith.constant 1 : i32
    %dma_wait3A_420 = arith.constant 0 : i32
    %dma_wait3A_421 = arith.constant 0 : i32
    %dma_wait3A_422 = tpu.memref_slice %arg8[%dma_wait3A_419, %dma_wait3A_420, %dma_wait3A_421] : memref<4x2x4096xf32, #tpu.memory_space<vmem>> -> memref<1x2x4096xf32, #tpu.memory_space<vmem>>
    %dma_wait3A_423 = tpu.memref_squeeze %dma_wait3A_422 : memref<1x2x4096xf32, #tpu.memory_space<vmem>> -> memref<2x4096xf32, #tpu.memory_space<vmem>>
    %dma_wait3A_424 = arith.constant 0 : i32
    %dma_wait3A_425 = tpu.memref_slice %arg6[%add3A_418, %dma_wait3A_424] : memref<4096x4096xf32, #tpu.memory_space<hbm>> -> memref<2x4096xf32, #tpu.memory_space<hbm>>
    %dma_wait3A_426 = arith.constant 0 : i32
    %dma_wait3A_427 = tpu.memref_slice %arg6[%add3A_418, %dma_wait3A_426] : memref<4096x4096xf32, #tpu.memory_space<hbm>> -> memref<2x4096xf32, #tpu.memory_space<hbm>>
    %dma_wait3A_428 = arith.constant 0 : i32
    %dma_wait3A_429 = arith.constant 0 : i32
    %dma_wait3A_430 = tpu.memref_slice %arg8[%dma_wait3A_419, %dma_wait3A_428, %dma_wait3A_429] : memref<4x2x4096xf32, #tpu.memory_space<vmem>> -> memref<1x2x4096xf32, #tpu.memory_space<vmem>>
    %dma_wait3A_431 = tpu.memref_squeeze %dma_wait3A_430 : memref<1x2x4096xf32, #tpu.memory_space<vmem>> -> memref<2x4096xf32, #tpu.memory_space<vmem>>
    tpu.wait_dma2 semaphore(%arg24 : memref<!tpu.dma_semaphore, #tpu.memory_space<semaphore_mem>>) src(%dma_wait3A_431 : memref<2x4096xf32, #tpu.memory_space<vmem>>) dst(%dma_wait3A_427 : memref<2x4096xf32, #tpu.memory_space<hbm>>)
    %add3A_432 = arith.constant 124 : i32
    %add3A_433 = arith.addi %mul3A_2, %add3A_432 : i32
    %dma_wait3A_434 = arith.constant 2 : i32
    %dma_wait3A_435 = arith.constant 0 : i32
    %dma_wait3A_436 = arith.constant 0 : i32
    %dma_wait3A_437 = tpu.memref_slice %arg8[%dma_wait3A_434, %dma_wait3A_435, %dma_wait3A_436] : memref<4x2x4096xf32, #tpu.memory_space<vmem>> -> memref<1x2x4096xf32, #tpu.memory_space<vmem>>
    %dma_wait3A_438 = tpu.memref_squeeze %dma_wait3A_437 : memref<1x2x4096xf32, #tpu.memory_space<vmem>> -> memref<2x4096xf32, #tpu.memory_space<vmem>>
    %dma_wait3A_439 = arith.constant 0 : i32
    %dma_wait3A_440 = tpu.memref_slice %arg6[%add3A_433, %dma_wait3A_439] : memref<4096x4096xf32, #tpu.memory_space<hbm>> -> memref<2x4096xf32, #tpu.memory_space<hbm>>
    %dma_wait3A_441 = arith.constant 0 : i32
    %dma_wait3A_442 = tpu.memref_slice %arg6[%add3A_433, %dma_wait3A_441] : memref<4096x4096xf32, #tpu.memory_space<hbm>> -> memref<2x4096xf32, #tpu.memory_space<hbm>>
    %dma_wait3A_443 = arith.constant 0 : i32
    %dma_wait3A_444 = arith.constant 0 : i32
    %dma_wait3A_445 = tpu.memref_slice %arg8[%dma_wait3A_434, %dma_wait3A_443, %dma_wait3A_444] : memref<4x2x4096xf32, #tpu.memory_space<vmem>> -> memref<1x2x4096xf32, #tpu.memory_space<vmem>>
    %dma_wait3A_446 = tpu.memref_squeeze %dma_wait3A_445 : memref<1x2x4096xf32, #tpu.memory_space<vmem>> -> memref<2x4096xf32, #tpu.memory_space<vmem>>
    tpu.wait_dma2 semaphore(%arg25 : memref<!tpu.dma_semaphore, #tpu.memory_space<semaphore_mem>>) src(%dma_wait3A_446 : memref<2x4096xf32, #tpu.memory_space<vmem>>) dst(%dma_wait3A_442 : memref<2x4096xf32, #tpu.memory_space<hbm>>)
    %add3A_447 = arith.constant 126 : i32
    %add3A_448 = arith.addi %mul3A_2, %add3A_447 : i32
    %dma_wait3A_449 = arith.constant 3 : i32
    %dma_wait3A_450 = arith.constant 0 : i32
    %dma_wait3A_451 = arith.constant 0 : i32
    %dma_wait3A_452 = tpu.memref_slice %arg8[%dma_wait3A_449, %dma_wait3A_450, %dma_wait3A_451] : memref<4x2x4096xf32, #tpu.memory_space<vmem>> -> memref<1x2x4096xf32, #tpu.memory_space<vmem>>
    %dma_wait3A_453 = tpu.memref_squeeze %dma_wait3A_452 : memref<1x2x4096xf32, #tpu.memory_space<vmem>> -> memref<2x4096xf32, #tpu.memory_space<vmem>>
    %dma_wait3A_454 = arith.constant 0 : i32
    %dma_wait3A_455 = tpu.memref_slice %arg6[%add3A_448, %dma_wait3A_454] : memref<4096x4096xf32, #tpu.memory_space<hbm>> -> memref<2x4096xf32, #tpu.memory_space<hbm>>
    %dma_wait3A_456 = arith.constant 0 : i32
    %dma_wait3A_457 = tpu.memref_slice %arg6[%add3A_448, %dma_wait3A_456] : memref<4096x4096xf32, #tpu.memory_space<hbm>> -> memref<2x4096xf32, #tpu.memory_space<hbm>>
    %dma_wait3A_458 = arith.constant 0 : i32
    %dma_wait3A_459 = arith.constant 0 : i32
    %dma_wait3A_460 = tpu.memref_slice %arg8[%dma_wait3A_449, %dma_wait3A_458, %dma_wait3A_459] : memref<4x2x4096xf32, #tpu.memory_space<vmem>> -> memref<1x2x4096xf32, #tpu.memory_space<vmem>>
    %dma_wait3A_461 = tpu.memref_squeeze %dma_wait3A_460 : memref<1x2x4096xf32, #tpu.memory_space<vmem>> -> memref<2x4096xf32, #tpu.memory_space<vmem>>
    tpu.wait_dma2 semaphore(%arg26 : memref<!tpu.dma_semaphore, #tpu.memory_space<semaphore_mem>>) src(%dma_wait3A_461 : memref<2x4096xf32, #tpu.memory_space<vmem>>) dst(%dma_wait3A_457 : memref<2x4096xf32, #tpu.memory_space<hbm>>)
    return
  }
}

</mosaic_0001>

<sc_bundles>
// kernel: kernel.3.cloned.1.call-start
scs
__scs_entry_jumppad:
0x0: {  	(pc) =	sbr.rel $0x88, $3  }
0x1: {  	(tag) =	ssettag $0x0;
	lr =	simm.s32 $0x1  }
0x2: {  	[smem:$0x3F9D] =	sst lr;
	_ =	strace $0xD0000000  }
0x3: {  	_ = 	snop  }
0x4: {  	_ = 	snop  }
0x5: {  	_ = 	snop  }
0x6: {  	_ = 	snop  }
0x7: {  	_ = 	snop  }
__scs_overlays_trampoline_lowered:
0x8: {  	[smem:$0x3FAC] =	sst s0  }
0x9: {  	[smem:$0x3FAD] =	sst s1  }
0xa: {  	[smem:$0x3FAE] =	sst s2  }
0xb: {  	[smem:$0x3FAF] =	sst s3  }
0xc: {  	[smem:$0x3FB0] =	sst s4  }
0xd: {  	[smem:$0x3FB1] =	sst s5  }
0xe: {  	[smem:$0x3FB2] =	sst s6  }
0xf: {  	[smem:$0x3FB3] =	sst s7  }
0x10: {  	[smem:$0x3FB4] =	sst s8  }
0x11: {  	[smem:$0x3FB5] =	sst s9;
	s0 =	simm.s32 @!p0 $0x0  }
0x12: {  	s1 =	sld [smem:$0x3F9B];
	s0 =	simm.s32 @p0 $0x1  }
0x13: {  	[smem:$0x3FB6] =	sst s0;
	s0 =	simm.s32 @!p1 $0x0  }
0x14: {  	s2 =	sld [smem:$0x3F9A];
	s0 =	simm.s32 @p1 $0x1  }
0x15: {  	[smem:$0x3FB7] =	sst s0;
	s0 =	simm.s32 @!p2 $0x0  }
0x16: {  	s3 =	sld [smem:$0x3FDB];
	s0 =	simm.s32 @p2 $0x1  }
0x17: {  	s4 =	simm.s32 $0x1BF5;
	[smem:$0x3FB9] =	sst s0  }
0x18: {  	s0 =	sld [smem:$0x3F9C];
	_ =	swait.ge [sflag:s4], $0x0  }
0x19: {  	s7 =	sld [smem:$0x3F9D]  }
0x1a: {  	s8 =	sadd.s32 $0xFFFFE003, lr  }
0x1b: {  	s9 =	sadd.s32 $0xFFFFFEF7, lr;
	s5 =	simm.s32 $0xFFFFFFFF;
	p2 =	slt.u32 s8, $0xFFFFF086  }
0x1c: {  	p1 =	slt.u32 s9, $0xF7A;
	s5 =	simm.s32 @!p2 $0x0  }
0x1d: {  	s5 =	simm.s32 @p1 $0x1;
	p0 =	seq.s32 s7, s2  }
0x1e: {  	s7 =	smul.u32 @!p0 $0xF7A, s2;
	p2 =	seq.s32 @!p0 s5, $0x0  }
0x1f: {  	s9 =	smul.u32 $0xF7A, s1;
	s8 =	simm.s32 @!p0 $0x1BF5;
	p2 =	por !p2, p0  }
0x20: {  	[sflag:s8] =	ssyncset.s32 @!p0 $0xFFFFF086;
	s6 =	sadd.s32 @!p0 s3, s7;
	s7 =	simm.s32 @!p0 $0x108  }
0x21: {  	s3 =	sadd.s32 s3, s9;
	s6 =	sadd.s32 @!p0 $0x88, s6;
	s7 =	simm.s32 @p2 $0x1082  }
0x22: {  	[simem:s7], [sflag:s8] =	dma.local @!p0 [hbm:s6], $0xF7A  }
0x23: {  	s9 =	sor.u32 $0xD0000000, s2;
	s6 =	simm.s32 $0x108;
	_ =	swait.ge @!p0 [sflag:s8], $0x0  }
0x24: {  	s3 =	sadd.s32 $0x88, s3;
	s6 =	simm.s32 @!p1 $0x1082;
	[sflag:s4] =	ssyncset.s32 $0xFFFFF086  }
0x25: {  	[simem:s6], [sflag:s4] =	dma.local [hbm:s3], $0xF7A  }
0x26: {  	[smem:$0x3F9D] =	sst s1;
	(tag) =	ssettag s2;
	_ =	strace s9  }
0x27: {  	s1 =	sld [smem:$0x3FAD]  }
0x28: {  	s2 =	sld [smem:$0x3FAE]  }
0x29: {  	s4 =	sld [smem:$0x3FB0]  }
0x2a: {  	p0 =	seq.s32 s5, $0x0;
	s5 =	sld [smem:$0x3FB1]  }
0x2b: {  	s6 =	sld [smem:$0x3FB2]  }
0x2c: {  	s7 =	sld [smem:$0x3FB3]  }
0x2d: {  	s3 =	simm.s32 $0x108;
	s8 =	sld [smem:$0x3FB4]  }
0x2e: {  	s3 =	simm.s32 @!p0 $0x1082;
	s9 =	sld [smem:$0x3FB5]  }
0x2f: {  	lr =	sadd.s32 s0, s3;
	s0 =	sld [smem:$0x3FAC]  }
0x30: {  	s3 =	sld [smem:$0x3FAF]  }
0x31: {  	[smem:$0x3FB8] =	sst s10  }
0x32: {  	s10 =	sld [smem:$0x3FB6];
	_ =	sdelay $0x3  }
0x33: {  	p0 =	seq.s32 s10, $0x1;
	s10 =	sld [smem:$0x3FB8];
	_ =	sdelay $0x3  }
0x34: {  	[smem:$0x3FB8] =	sst s10  }
0x35: {  	s10 =	sld [smem:$0x3FB7];
	_ =	sdelay $0x3  }
0x36: {  	p1 =	seq.s32 s10, $0x1;
	s10 =	sld [smem:$0x3FB8];
	_ =	sdelay $0x3  }
0x37: {  	[smem:$0x3FB8] =	sst s10  }
0x38: {  	s10 =	sld [smem:$0x3FB9]  }
0x39: {  	_ = 	snop;
	(pc) =	sbr.ind lr, $3  }
0x3a: {  	_ = 	snop  }
0x3b: {  	_ = 	snop  }
0x3c: {  	p2 =	seq.s32 s10, $0x1;
	s10 =	sld [smem:$0x3FB8]  }
0x3d: {  	_ =	shalt  }
0x3e: {  	_ =	shalt  }
0x3f: {  	_ =	shalt  }
0x40: {  	_ =	shalt  }
0x41: {  	_ =	shalt  }
0x42: {  	_ =	shalt  }
0x43: {  	_ =	shalt  }
0x44: {  	_ =	shalt  }
0x45: {  	_ =	shalt  }
0x46: {  	_ =	shalt  }
0x47: {  	_ =	shalt  }
0x48: {  	_ =	shalt  }
0x49: {  	_ =	shalt  }
0x4a: {  	_ =	shalt  }
0x4b: {  	_ =	shalt  }
0x4c: {  	_ =	shalt  }
0x4d: {  	_ =	shalt  }
0x4e: {  	_ =	shalt  }
0x4f: {  	_ =	shalt  }
0x50: {  	_ =	shalt  }
0x51: {  	_ =	shalt  }
0x52: {  	_ =	shalt  }
0x53: {  	_ =	shalt  }
0x54: {  	_ =	shalt  }
0x55: {  	_ =	shalt  }
0x56: {  	_ =	shalt  }
0x57: {  	_ =	shalt  }
0x58: {  	_ =	shalt  }
0x59: {  	_ =	shalt  }
0x5a: {  	_ =	shalt  }
0x5b: {  	_ =	shalt  }
0x5c: {  	_ =	shalt  }
0x5d: {  	_ =	shalt  }
0x5e: {  	_ =	shalt  }
0x5f: {  	_ =	shalt  }
0x60: {  	_ =	shalt  }
0x61: {  	_ =	shalt  }
0x62: {  	_ =	shalt  }
0x63: {  	_ =	shalt  }
0x64: {  	_ =	shalt  }
0x65: {  	_ =	shalt  }
0x66: {  	_ =	shalt  }
0x67: {  	_ =	shalt  }
0x68: {  	_ =	shalt  }
0x69: {  	_ =	shalt  }
0x6a: {  	_ =	shalt  }
0x6b: {  	_ =	shalt  }
0x6c: {  	_ =	shalt  }
0x6d: {  	_ =	shalt  }
0x6e: {  	_ =	shalt  }
0x6f: {  	_ =	shalt  }
0x70: {  	_ =	shalt  }
0x71: {  	_ =	shalt  }
0x72: {  	_ =	shalt  }
0x73: {  	_ =	shalt  }
0x74: {  	_ =	shalt  }
0x75: {  	_ =	shalt  }
0x76: {  	_ =	shalt  }
0x77: {  	_ =	shalt  }
0x78: {  	_ =	shalt  }
0x79: {  	_ =	shalt  }
0x7a: {  	_ =	shalt  }
0x7b: {  	_ =	shalt  }
0x7c: {  	_ =	shalt  }
0x7d: {  	_ =	shalt  }
0x7e: {  	_ =	shalt  }
0x7f: {  	_ =	shalt  }
0x80: {  	_ =	shalt  }
0x81: {  	_ =	shalt  }
0x82: {  	_ =	shalt  }
0x83: {  	_ =	shalt  }
0x84: {  	_ =	shalt  }
0x85: {  	_ =	shalt  }
0x86: {  	_ =	shalt  }
0x87: {  	_ =	shalt  }
.Lfunc_end0:
.L_simem_size_0:
called_computation_lowered:
.L_overlay_start_0:
0x88: {  	s2 =	sld [smem:$0x3FD9]  }
0x89: {  	s3 =	sld [smem:$0x3FFE];
	_ =	sdelay $0x1  }
0x8a: {  	s1 =	srdreg.scid  }
0x8b: {  	s0 =	sand.u32 $0x1, s1  }
0x8c: {  	s17 =	sshll.u32 s0, $0xA;
	s2 =	sadd.s32 s3, s2  }
0x8d: {  	s2 =	sadd.s32 s2, s17  }
0x8e: {  	[smem:$0x3FC4] =	sst s2  }
0x8f: {  	_ = 	snop  }
0x90: {  	s2 =	sld [smem:$0x3FD0];
	(tm) =	ssettm $0x1  }
0x91: {  	s18 =	sld [smem:$0x3FFB];
	_ =	sdelay $0x3  }
0x92: {  	_ =	strace s18  }
0x93: {  	s3 =	sld [smem:$0x3FFC];
	_ =	sdelay $0x3  }
0x94: {  	_ =	strace s3  }
0x95: {  	s3 =	sld [smem:$0x3FFD];
	_ =	sdelay $0x3  }
0x96: {  	_ =	strace s3  }
0x97: {  	_ =	strace $0x8FFFFFFF  }
0x98: {  	s19 =	sld [smem:$0x3FDB];
	_ =	sdelay $0x1  }
0x99: {  	s4 =	simm.s32 $_scs_section_size  }
0x9a: {  	s5 =	simm.s32 $_size__tile_overlayer_lowered;
	s6 =	simm.s32 $_tile_overlayer_lowered  }
0x9b: {  	s22 =	simm.s32 $0x1BFF;
	s21 =	sshll.u32 s6, $0x1;
	s3 =	sadd.s32 s4, s19  }
0x9c: {  	s7 =	simm.s32 $0x0;
	s20 =	sshll.u32 s5, $0x1;
	s5 =	sadd.s32 s21, s3  }
0x9d: {  	[timem:s7], [sflag:s22] =	dma.local [hbm:s5], s20  }
0x9e: {  	_ =	swait.ge [sflag:s22], s20  }
0x9f: {  	s4 =	ssub.s32 $0x0, s20;
	[sflag:s22] =	ssyncset.done $0x0  }
0xa0: {  	[sflag:s22] =	ssyncadd.s32 s4;
	_ =	sdelay $0x1  }
0xa1: {  	s23 =	simm.s32 $0x1B8B  }
0xa2: {  	_ =	swait.ge [sflag:s23], $0x1  }
0xa3: {  	[sflag:s23] =	ssyncset.done $0x0  }
0xa4: {  	s25 =	simm.s32 $0x1B8E;
	s24 =	sld [smem:$0x3FFE];
	[sflag:s23] =	ssyncadd.s32 $0xFFFFFFFF  }
0xa5: {  	s26 =	simm.s32 $execute0_lowered;
	[smem:$0x3FD2] =	sst s25  }
0xa6: {  	s5 =	sshll.u32 s26, $0x1;
	_ =	strace $0x80000046;
	[dreg:$0x1] =	wrdreg $0xFFFFFFFF  }
0xa7: {  	s28 =	simm.s32 $_size_execute0_lowered;
	s3 =	sadd.s32 s3, s5;
	[dreg:$0x0] =	wrdreg $0x0  }
0xa8: {  	s5 =	sshll.u32 s28, $0x1;
	[dreg:$0x2] =	wrdreg s3  }
0xa9: {  	[dreg:$0x3] =	wrdreg s5  }
0xaa: {  	[dreg:$0x4] =	wrdreg $0xC0  }
0xab: {  	_ =	task [dreg:s7], $0x5FFFF  }
0xac: {  	[dreg:$0x1] =	wrdreg $0xFFFFFFFF  }
0xad: {  	[dreg:$0x0] =	wrdreg $0x60  }
0xae: {  	[dreg:$0x2] =	wrdreg s24  }
0xaf: {  	[dreg:$0x3] =	wrdreg s2  }
0xb0: {  	[dreg:$0x4] =	wrdreg $0x9  }
0xb1: {  	_ =	task.clear_ibuf [dreg:s7], $0x5FFFF;
	_ =	strace $0x90000046  }
0xb2: {  	s29 =	simm.s32 $0x9;
	_ =	strace $0x80000048  }
0xb3: {  	_ =	swait.ge [sflag:s29], $0x1  }
0xb4: {  	[sflag:s29] =	ssyncadd.s32 $0xFFFFFFFF  }
0xb5: {  	_ =	strace $0x90000048  }
0xb6: {  	_ =	sfence  }
0xb7: {  	s30 =	sld [smem:$0x0];
	_ =	sdelay $0x2  }
0xb8: {  	s31 =	sshll.u32 s1, $0xD;
	s1 =	sshrl.u32 s1, $0x2  }
0xb9: {  	s3 =	sand.u32 $0x4000, s31;
	s1 =	sadd.s32 s1, s30  }
0xba: {  	s0 =	sor.u32 s3, s0;
	s1 =	sshll.u32 s1, $0x11  }
0xbb: {  	s0 =	sor.u32 s1, s0  }
0xbc: {  	s0 =	sadd.s32 $0x8F2B, s0  }
0xbd: {  	[sflag:s0] =	ssyncadd.remote.s32 $0x1  }
0xbe: {  	_ =	sfence.sel $0xFFFF  }
0xbf: {  	[dreg:$0x0] =	wrdreg $0xFFFFFFFF;
	(pc) =	sbr.abs _section_cstart, $3  }
0xc0: {  	[dreg:$0x1] =	wrdreg $0xFFFFFFFF  }
0xc1: {  	_ =	task.clear_ibuf [dreg:s7], $0x2FFFF;
	_ =	strace $0x9FFFFFFF  }
0xc2: {  	(tm) =	ssettm $0x7FFFFFFF  }
0xc3: {  	_ =	shalt  }
tec
execute0_lowered:
.L_overlay_start_1:
0x0: {  	(tag) =	ssettag $0x1  }
0x1: {  	s0 =	rddreg [dreg:$0x0]  }
0x2: {  	s1 =	srdreg.scid;
	s2 =	stileid.u32  }
0x3: {  	s8 =	rddreg [dreg:$0x1];
	s3 =	simm.s32 $0x0;
	s28 =	simm.s32 $0x100  }
0x4: {  	s29 =	simm.s32 $0x400;
	s1 =	sand.u32 $0x1, s1;
	s2 =	sshll.u32 s2, $0x1  }
0x5: {  	[smem:$0x7FF] =	sst s3;
	s5 =	sadd.s32 $0x85400, s0;
	s15 =	sadd.s32 $0x102400, s0  }
0x6: {  	s9 =	sadd.s32 $0x8800, s0;
	s10 =	sadd.s32 $0x8C00, s0;
	s17 =	sadd.s32 $0x20, s8  }
0x7: {  	s18 =	sadd.s32 $0x40, s8;
	_ =	strace $0x80000047;
	[dreg:$0x5] =	wrdreg s17  }
0x8: {  	s11 =	sadd.s32 $0x9000, s0;
	s12 =	sadd.s32 $0x85800, s0;
	[dreg:$0x6] =	wrdreg s18  }
0x9: {  	s13 =	sadd.s32 $0x85C00, s0;
	s22 =	sadd.s32 $0x102420, s0;
	[dreg:$0x3] =	wrdreg s15  }
0xa: {  	s14 =	sadd.s32 $0x86000, s0;
	s23 =	sadd.s32 $0x102440, s0;
	[dreg:$0xc] =	wrdreg s22  }
0xb: {  	s21 =	sadd.s32 $0x60, s8;
	s2 =	sor.u32 s1, s2;
	[dreg:$0xd] =	wrdreg s23  }
0xc: {  	s1 =	ssub.s32 $0x2, s1;
	[dreg:$0xb] =	wrdreg s21;
	s4 =	sshll.u32 s2, $0xA  }
0xd: {  	s22 =	simm.s32 $0x4;
	s7 =	sshrl.u32 s1, $0x1;
	s6 =	sadd.s32 s4, s0  }
0xe: {  	s4 =	sadd.s32 $0x8400, s0;
	s1 =	ssub.s32 s1, s7;
	s0 =	sadd.s32 $0x102460, s0  }
0xf: {  	s7 =	sshll.u32 s2, $0x10;
	s16 =	sadd.s32 $0x400, s6;
	[dreg:$0xe] =	wrdreg s0  }
0x10: {  	s23 =	simm.s32 $0x8;
	s2 =	sadd.s32 s7, s17;
	[dreg:$0x4] =	wrdreg s16  }
0x11: {  	s19 =	sadd.s32 s7, s18;
	s20 =	sadd.s32 s15, s7;
	[dreg:$0x8] =	wrdreg s2  }
0x12: {  	s24 =	smax.u32 s1, $0x1;
	s25 =	sadd.s32 s7, s21;
	[dreg:$0x9] =	wrdreg s19  }
0x13: {  	s17 =	simm.s32 $0x2000;
	s6 =	simm.s32 $0x7;
	[dreg:$0xf] =	wrdreg s24  }
0x14: {  	s15 =	simm.s32 $0xB;
	s21 =	simm.s32 $0xC;
	[dreg:$0x10] =	wrdreg s25  }
0x15: {  	s1 =	simm.s32 $0x10;
	s16 =	sadd.s32 s8, s7;
	[dreg:$0xa] =	wrdreg s20  }
0x16: {  	s26 =	sadd.s32 $0xF020, s20;
	s30 =	sadd.s32 $0xF040, s20;
	[dreg:$0x7] =	wrdreg s16  }
0x17: {  	v0 =	vlaneseq.u32;
	s31 =	sadd.s32 $0xF060, s20;
	s19 =	simm.s32 $0x4000;
	[dreg:$0x11] =	wrdreg s26  }
0x18: {  	v1 =	vshrl.u32 v0, $0x1;
	s25 =	simm.s32 $0x6000;
	s24 =	simm.s32 $0xF;
	[dreg:$0x12] =	wrdreg s30  }
0x19: {  	vm0 =	vmmov $0xffff;
	v0 =	vand.u32 $0x1, v0;
	v1 =	vmul.u32 $0x8, v1;
	s2 =	simm.s32 $0x0;
	[dreg:$0x13] =	wrdreg s31;
	s16 =	simm.s32 $0xE  }
.LBB2_1:
0x1a: {  	[dreg:$0x14] =	wrdreg s2  }
0x1b: {  	s0 =	rddreg [dreg:$0x4];
	s18 =	simm.s32 $0x11  }
0x1c: {  	[tilespmem:s3], [sflag:$0x11] =	stream.linear.gather [hbm4b:s0+s3], $0x2000, $0x38;
	[tilespmem:$0x1A000] =	vst v63  }
0x1d: {  	_ =	swait.ge [sflag:s18], $0x2000  }
0x1e: {  	[sflag:s18] =	ssyncset.done $0x0  }
0x1f: {  	[sflag:s18] =	ssyncadd.s32 $0xFFFFE000  }
0x20: {  	v2 =	vld.msk [tilespmem:$0x0], $0x3;
	_ =	sdelay $0x4  }
0x21: {  	v3 =	vshll.u32 v2, $0x5  }
0x22: {  	v2 =	vand.u32 $0x7, v2;
	v3 =	vand.u32 $0xFFFFFF00, v3  }
0x23: {  	v2 =	vor.u32 v2, v3  }
0x24: {  	v2 =	vperm.xlane v2, v0;
	_ =	sdelay $0x1  }
0x25: {  	v2 =	vadd.s32 v1, v2;
	_ =	sdelay $0x4  }
0x26: {  	[tilespmem:s17], [sflag:$0x1] =	stream.indirect_vreg.gather [hbm4b:s4+s3], $0x80, v2, vm0, $0xb8;
	[tilespmem:$0x1A000] =	vst v63  }
0x27: {  	s20 =	simm.s32 $0x2800  }
0x28: {  	[tilespmem:s20], [sflag:$0x1] =	stream.indirect_vreg.gather [hbm4b:s9+s3], $0x80, v2, vm0, $0xb8;
	[tilespmem:$0x1A000] =	vst v63  }
0x29: {  	s26 =	simm.s32 $0x3000  }
0x2a: {  	[tilespmem:s26], [sflag:$0x1] =	stream.indirect_vreg.gather [hbm4b:s10+s3], $0x80, v2, vm0, $0xb8;
	[tilespmem:$0x1A000] =	vst v63  }
0x2b: {  	s31 =	simm.s32 $0x3800  }
0x2c: {  	[tilespmem:s31], [sflag:$0x1] =	stream.indirect_vreg.gather [hbm4b:s11+s3], $0x80, v2, vm0, $0xb8;
	[tilespmem:$0x1A000] =	vst v63  }
0x2d: {  	v2 =	vld.msk [tilespmem:$0x0], $0x3;
	_ =	sdelay $0x4  }
0x2e: {  	v3 =	vshll.u32 v2, $0x5  }
0x2f: {  	v2 =	vand.u32 $0x7, v2;
	v3 =	vand.u32 $0xFFFFFF00, v3  }
0x30: {  	v2 =	vor.u32 v2, v3  }
0x31: {  	v2 =	vperm.xlane v2, v0;
	_ =	sdelay $0x1  }
0x32: {  	v2 =	vadd.s32 v1, v2;
	_ =	sdelay $0x3  }
0x33: {  	s2 =	simm.s32 $0xA000  }
0x34: {  	[tilespmem:s2], [sflag:$0x5] =	stream.indirect_vreg.gather [hbm4b:s5+s3], $0x80, v2, vm0, $0xb8;
	[tilespmem:$0x1A000] =	vst v63  }
0x35: {  	s8 =	simm.s32 $0xA800  }
0x36: {  	[tilespmem:s8], [sflag:$0x5] =	stream.indirect_vreg.gather [hbm4b:s12+s3], $0x80, v2, vm0, $0xb8;
	[tilespmem:$0x1A000] =	vst v63  }
0x37: {  	s18 =	simm.s32 $0xB000  }
0x38: {  	[tilespmem:s18], [sflag:$0x5] =	stream.indirect_vreg.gather [hbm4b:s13+s3], $0x80, v2, vm0, $0xb8;
	[tilespmem:$0x1A000] =	vst v63  }
0x39: {  	s20 =	simm.s32 $0xB800  }
0x3a: {  	[tilespmem:s20], [sflag:$0x5] =	stream.indirect_vreg.gather [hbm4b:s14+s3], $0x80, v2, vm0, $0xb8;
	[tilespmem:$0x1A000] =	vst v63  }
0x3b: {  	s26 =	rddreg [dreg:$0x7];
	s31 =	simm.s32 $0x12000  }
0x3c: {  	[tilespmem:s31], [sflag:$0x9] =	stream.strided.gather [hbm4b:s26+s28], $0x2000, s29, s28, $0x38;
	[tilespmem:$0x1A000] =	vst v63  }
0x3d: {  	v2 =	vld.msk [tilespmem:$0x80], $0x3;
	_ =	sdelay $0x4  }
0x3e: {  	v3 =	vshll.u32 v2, $0x5  }
0x3f: {  	v2 =	vand.u32 $0x7, v2;
	v3 =	vand.u32 $0xFFFFFF00, v3  }
0x40: {  	v2 =	vor.u32 v2, v3  }
0x41: {  	v2 =	vperm.xlane v2, v0;
	_ =	sdelay $0x1  }
0x42: {  	v2 =	vadd.s32 v1, v2;
	_ =	sdelay $0x4  }
0x43: {  	[tilespmem:s19], [sflag:$0x2] =	stream.indirect_vreg.gather [hbm4b:s4+s3], $0x80, v2, vm0, $0xb8;
	[tilespmem:$0x1A000] =	vst v63  }
0x44: {  	s8 =	simm.s32 $0x4800  }
0x45: {  	[tilespmem:s8], [sflag:$0x2] =	stream.indirect_vreg.gather [hbm4b:s9+s3], $0x80, v2, vm0, $0xb8;
	[tilespmem:$0x1A000] =	vst v63  }
0x46: {  	s18 =	simm.s32 $0x5000  }
0x47: {  	[tilespmem:s18], [sflag:$0x2] =	stream.indirect_vreg.gather [hbm4b:s10+s3], $0x80, v2, vm0, $0xb8;
	[tilespmem:$0x1A000] =	vst v63  }
0x48: {  	s19 =	simm.s32 $0x5800  }
0x49: {  	[tilespmem:s19], [sflag:$0x2] =	stream.indirect_vreg.gather [hbm4b:s11+s3], $0x80, v2, vm0, $0xb8;
	[tilespmem:$0x1A000] =	vst v63  }
0x4a: {  	v2 =	vld.msk [tilespmem:$0x80], $0x3;
	_ =	sdelay $0x4  }
0x4b: {  	v3 =	vshll.u32 v2, $0x5  }
0x4c: {  	v2 =	vand.u32 $0x7, v2;
	v3 =	vand.u32 $0xFFFFFF00, v3  }
0x4d: {  	v2 =	vor.u32 v2, v3  }
0x4e: {  	v2 =	vperm.xlane v2, v0;
	_ =	sdelay $0x1  }
0x4f: {  	v2 =	vadd.s32 v1, v2;
	_ =	sdelay $0x3  }
0x50: {  	s20 =	simm.s32 $0xC000  }
0x51: {  	[tilespmem:s20], [sflag:$0x6] =	stream.indirect_vreg.gather [hbm4b:s5+s3], $0x80, v2, vm0, $0xb8;
	[tilespmem:$0x1A000] =	vst v63  }
0x52: {  	s26 =	simm.s32 $0xC800  }
0x53: {  	[tilespmem:s26], [sflag:$0x6] =	stream.indirect_vreg.gather [hbm4b:s12+s3], $0x80, v2, vm0, $0xb8;
	[tilespmem:$0x1A000] =	vst v63  }
0x54: {  	s31 =	simm.s32 $0xD000  }
0x55: {  	[tilespmem:s31], [sflag:$0x6] =	stream.indirect_vreg.gather [hbm4b:s13+s3], $0x80, v2, vm0, $0xb8;
	[tilespmem:$0x1A000] =	vst v63  }
0x56: {  	s2 =	simm.s32 $0xD800  }
0x57: {  	[tilespmem:s2], [sflag:$0x6] =	stream.indirect_vreg.gather [hbm4b:s14+s3], $0x80, v2, vm0, $0xb8;
	[tilespmem:$0x1A000] =	vst v63  }
0x58: {  	s8 =	rddreg [dreg:$0x8];
	s18 =	simm.s32 $0x14000  }
0x59: {  	[tilespmem:s18], [sflag:$0xA] =	stream.strided.gather [hbm4b:s8+s28], $0x2000, s29, s28, $0x38;
	[tilespmem:$0x1A000] =	vst v63  }
0x5a: {  	v2 =	vld.msk [tilespmem:$0x100], $0x3;
	_ =	sdelay $0x4  }
0x5b: {  	v3 =	vshll.u32 v2, $0x5  }
0x5c: {  	v2 =	vand.u32 $0x7, v2;
	v3 =	vand.u32 $0xFFFFFF00, v3  }
0x5d: {  	v2 =	vor.u32 v2, v3  }
0x5e: {  	v2 =	vperm.xlane v2, v0;
	_ =	sdelay $0x1  }
0x5f: {  	v2 =	vadd.s32 v1, v2;
	_ =	sdelay $0x4  }
0x60: {  	[tilespmem:s25], [sflag:$0x3] =	stream.indirect_vreg.gather [hbm4b:s4+s3], $0x80, v2, vm0, $0xb8;
	[tilespmem:$0x1A000] =	vst v63  }
0x61: {  	s19 =	simm.s32 $0x6800  }
0x62: {  	[tilespmem:s19], [sflag:$0x3] =	stream.indirect_vreg.gather [hbm4b:s9+s3], $0x80, v2, vm0, $0xb8;
	[tilespmem:$0x1A000] =	vst v63  }
0x63: {  	s20 =	simm.s32 $0x7000  }
0x64: {  	[tilespmem:s20], [sflag:$0x3] =	stream.indirect_vreg.gather [hbm4b:s10+s3], $0x80, v2, vm0, $0xb8;
	[tilespmem:$0x1A000] =	vst v63  }
0x65: {  	s25 =	simm.s32 $0x7800  }
0x66: {  	[tilespmem:s25], [sflag:$0x3] =	stream.indirect_vreg.gather [hbm4b:s11+s3], $0x80, v2, vm0, $0xb8;
	[tilespmem:$0x1A000] =	vst v63  }
0x67: {  	v2 =	vld.msk [tilespmem:$0x100], $0x3;
	_ =	sdelay $0x4  }
0x68: {  	v3 =	vshll.u32 v2, $0x5  }
0x69: {  	v2 =	vand.u32 $0x7, v2;
	v3 =	vand.u32 $0xFFFFFF00, v3  }
0x6a: {  	v2 =	vor.u32 v2, v3  }
0x6b: {  	v2 =	vperm.xlane v2, v0;
	_ =	sdelay $0x1  }
0x6c: {  	v2 =	vadd.s32 v1, v2;
	_ =	sdelay $0x3  }
0x6d: {  	s26 =	simm.s32 $0xE000  }
0x6e: {  	[tilespmem:s26], [sflag:$0x7] =	stream.indirect_vreg.gather [hbm4b:s5+s3], $0x80, v2, vm0, $0xb8;
	[tilespmem:$0x1A000] =	vst v63  }
0x6f: {  	s31 =	simm.s32 $0xE800  }
0x70: {  	[tilespmem:s31], [sflag:$0x7] =	stream.indirect_vreg.gather [hbm4b:s12+s3], $0x80, v2, vm0, $0xb8;
	[tilespmem:$0x1A000] =	vst v63  }
0x71: {  	s2 =	simm.s32 $0xF000  }
0x72: {  	[tilespmem:s2], [sflag:$0x7] =	stream.indirect_vreg.gather [hbm4b:s13+s3], $0x80, v2, vm0, $0xb8;
	[tilespmem:$0x1A000] =	vst v63  }
0x73: {  	s8 =	simm.s32 $0xF800  }
0x74: {  	[tilespmem:s8], [sflag:$0x7] =	stream.indirect_vreg.gather [hbm4b:s14+s3], $0x80, v2, vm0, $0xb8;
	[tilespmem:$0x1A000] =	vst v63  }
0x75: {  	s18 =	rddreg [dreg:$0x9];
	s19 =	simm.s32 $0x16000;
	s20 =	simm.s32 $0x1  }
0x76: {  	[tilespmem:s19], [sflag:$0xB] =	stream.strided.gather [hbm4b:s18+s28], $0x2000, s29, s28, $0x38;
	[tilespmem:$0x1A000] =	vst v63  }
0x77: {  	_ =	swait.ge [sflag:s20], $0x2000  }
0x78: {  	[sflag:s20] =	ssyncset.done $0x0  }
0x79: {  	s25 =	simm.s32 $0x5;
	[sflag:s20] =	ssyncadd.s32 $0xFFFFE000  }
0x7a: {  	_ =	swait.ge [sflag:s25], $0x2000  }
0x7b: {  	[sflag:s25] =	ssyncset.done $0x0  }
0x7c: {  	s26 =	simm.s32 $0x9;
	[sflag:s25] =	ssyncadd.s32 $0xFFFFE000  }
0x7d: {  	_ =	swait.ge [sflag:s26], $0x2000  }
0x7e: {  	[sflag:s26] =	ssyncset.done $0x0  }
0x7f: {  	s31 =	simm.s32 $0xA040;
	[sflag:s26] =	ssyncadd.s32 $0xFFFFE000  }
0x80: {  	s26 =	simm.s32 $0x12040;
	v2 =	vld [tilespmem:s31+$0x30]  }
0x81: {  	v3 =	vld [tilespmem:s26+$0x30]  }
0x82: {  	s25 =	simm.s32 $0x2040;
	v4 =	vld [tilespmem:s31+$0xFFFFFFC0]  }
0x83: {  	v5 =	vld [tilespmem:s25+$0x30]  }
0x84: {  	v6 =	vld [tilespmem:s26+$0xFFFFFFC0]  }
0x85: {  	v7 =	vld [tilespmem:s31+$0xFFFFFFD0]  }
0x86: {  	v8 =	vld [tilespmem:s26+$0xFFFFFFD0]  }
0x87: {  	v10 =	vld [tilespmem:s31+$0xFFFFFFE0]  }
0x88: {  	v11 =	vld [tilespmem:s26+$0xFFFFFFE0]  }
0x89: {  	v12 =	vld [tilespmem:s31+$0xFFFFFFF0]  }
0x8a: {  	v13 =	vld [tilespmem:s26+$0xFFFFFFF0]  }
0x8b: {  	v14 =	vld [tilespmem:s31+$0x0]  }
0x8c: {  	v15 =	vld [tilespmem:s26+$0x0]  }
0x8d: {  	v16 =	vld [tilespmem:s31+$0x10]  }
0x8e: {  	v17 =	vld [tilespmem:s26+$0x10]  }
0x8f: {  	v18 =	vld [tilespmem:s31+$0x20]  }
0x90: {  	v19 =	vld [tilespmem:s26+$0x20]  }
0x91: {  	v20 =	vld [tilespmem:s25+$0xFFFFFFD0]  }
0x92: {  	v21 =	vld [tilespmem:s25+$0xFFFFFFE0]  }
0x93: {  	v9 =	vld [tilespmem:s25+$0xFFFFFFF0];
	v3 =	vmul.f32 v3, v2  }
0x94: {  	v2 =	vmul.f32 v6, v4;
	v22 =	vmul.f32 v8, v7;
	v6 =	vld [tilespmem:s25+$0x0]  }
0x95: {  	v23 =	vmul.f32 v11, v10;
	v8 =	vadd.f32 v3, v5;
	v5 =	vld [tilespmem:s25+$0x10]  }
0x96: {  	s30 =	simm.s32 $0x2040;
	s0 =	simm.s32 $0xA140;
	s2 =	simm.s32 $0x120F0;
	v4 =	vmul.f32 v15, v14;
	v10 =	vld [tilespmem:s25+$0x20];
	v3 =	vmul.f32 v13, v12;
	v13 =	vadd.f32 v22, v20  }
0x97: {  	s19 =	simm.s32 $0x0;
	s18 =	simm.s32 $0xA0F0;
	s20 =	simm.s32 $0x20F0;
	v7 =	vmul.f32 v17, v16;
	v11 =	vld [tilespmem:s25+$0xFFFFFFC0];
	v12 =	vadd.f32 v23, v21;
	[tilespmem:s25+$0x30] =	vst v8;
	v8 =	vmul.f32 v19, v18  }
.LBB2_2:
0x98: {  	v14 =	vld [tilespmem:s0+$0x30];
	[tilespmem:s25+$0xFFFFFFD0] =	vst v13;
	v3 =	vadd.f32 v3, v9;
	s26 =	sadd.s32 $0x100, s26  }
0x99: {  	s19 =	sadd.s32 $0x80, s19;
	v9 =	vld [tilespmem:s26+$0x30];
	[tilespmem:s25+$0xFFFFFFE0] =	vst v12;
	v4 =	vadd.f32 v4, v6  }
0x9a: {  	p0 =	slt.u32 s19, $0xF80;
	s25 =	sadd.s32 $0x100, s25;
	v6 =	vld [tilespmem:s0+$0xFFFFFFC0];
	[tilespmem:s30+$0xFFFFFFF0] =	vst v3;
	v3 =	vadd.f32 v7, v5  }
0x9b: {  	v5 =	vld [tilespmem:s25+$0x30];
	[tilespmem:s30+$0x0] =	vst v4;
	v4 =	vadd.f32 v8, v10  }
0x9c: {  	v7 =	vld [tilespmem:s26+$0xFFFFFFC0];
	v2 =	vadd.f32 v2, v11;
	[tilespmem:s30+$0x10] =	vst v3  }
0x9d: {  	v3 =	vld [tilespmem:s0+$0xFFFFFFD0];
	[tilespmem:s30+$0x20] =	vst v4  }
0x9e: {  	v4 =	vld [tilespmem:s26+$0xFFFFFFD0];
	v8 =	vmul.f32 v9, v14;
	[tilespmem:s30+$0xFFFFFFC0] =	vst v2;
	s30 =	smov.u32 s25  }
0x9f: {  	v9 =	vld [tilespmem:s0+$0xFFFFFFE0]  }
0xa0: {  	v10 =	vld [tilespmem:s26+$0xFFFFFFE0];
	v5 =	vadd.f32 v8, v5  }
0xa1: {  	v2 =	vmul.f32 v7, v6;
	v6 =	vld [tilespmem:s0+$0xFFFFFFF0]  }
0xa2: {  	v7 =	vld [tilespmem:s26+$0xFFFFFFF0];
	[tilespmem:s25+$0x30] =	vst v5  }
0xa3: {  	v11 =	vmul.f32 v4, v3;
	v4 =	vld [tilespmem:s0+$0x0]  }
0xa4: {  	v5 =	vld [tilespmem:s26+$0x0]  }
0xa5: {  	v12 =	vmul.f32 v10, v9;
	v8 =	vld [tilespmem:s0+$0x10]  }
0xa6: {  	v10 =	vld [tilespmem:s26+$0x10]  }
0xa7: {  	v3 =	vmul.f32 v7, v6;
	v13 =	vld [tilespmem:s0+$0x20]  }
0xa8: {  	v14 =	vld [tilespmem:s26+$0x20]  }
0xa9: {  	v15 =	vld [tilespmem:s25+$0xFFFFFFD0];
	v4 =	vmul.f32 v5, v4  }
0xaa: {  	v16 =	vld [tilespmem:s25+$0xFFFFFFE0]  }
.Ltmp0:
0xab: {  	v9 =	vld [tilespmem:s25+$0xFFFFFFF0];
	v7 =	vmul.f32 v10, v8;
	(pc) =	sbr.rel @p0 .LBB2_2-.Ltmp0, $4  }
0xac: {  	v6 =	vld [tilespmem:s25+$0x0]  }
0xad: {  	v5 =	vld [tilespmem:s25+$0x10];
	v8 =	vmul.f32 v14, v13  }
0xae: {  	v13 =	vadd.f32 v11, v15;
	v10 =	vld [tilespmem:s25+$0x20]  }
0xaf: {  	s0 =	sadd.s32 $0x100, s0;
	v11 =	vld [tilespmem:s25+$0xFFFFFFC0];
	v12 =	vadd.f32 v12, v16  }
0xb0: {  	[tilespmem:s25+$0xFFFFFFD0] =	vst v13;
	v3 =	vadd.f32 v3, v9  }
0xb1: {  	[tilespmem:s25+$0xFFFFFFE0] =	vst v12;
	v4 =	vadd.f32 v4, v6  }
0xb2: {  	[tilespmem:s30+$0xFFFFFFF0] =	vst v3;
	v3 =	vadd.f32 v7, v5  }
0xb3: {  	[tilespmem:s30+$0x0] =	vst v4;
	v4 =	vadd.f32 v8, v10  }
0xb4: {  	v2 =	vadd.f32 v2, v11;
	[tilespmem:s30+$0x10] =	vst v3  }
0xb5: {  	[tilespmem:s30+$0x20] =	vst v4  }
0xb6: {  	[tilespmem:s30+$0xFFFFFFC0] =	vst v2  }
0xb7: {  	v2 =	vld [tilespmem:s18+$0x0]  }
0xb8: {  	v3 =	vld [tilespmem:s2+$0x0]  }
0xb9: {  	v4 =	vld [tilespmem:s18+$0xFFFFFF90]  }
0xba: {  	v5 =	vld [tilespmem:s20+$0x0]  }
0xbb: {  	v6 =	vld [tilespmem:s2+$0xFFFFFF90]  }
0xbc: {  	v7 =	vld [tilespmem:s18+$0xFFFFFFA0]  }
0xbd: {  	v8 =	vld [tilespmem:s2+$0xFFFFFFA0]  }
0xbe: {  	v11 =	vld [tilespmem:s18+$0xFFFFFFB0]  }
0xbf: {  	v12 =	vld [tilespmem:s2+$0xFFFFFFB0]  }
0xc0: {  	v13 =	vld [tilespmem:s18+$0xFFFFFFC0]  }
0xc1: {  	v14 =	vld [tilespmem:s2+$0xFFFFFFC0]  }
0xc2: {  	v15 =	vld [tilespmem:s18+$0xFFFFFFD0]  }
0xc3: {  	v16 =	vld [tilespmem:s2+$0xFFFFFFD0]  }
0xc4: {  	v17 =	vld [tilespmem:s18+$0xFFFFFFE0]  }
0xc5: {  	v18 =	vld [tilespmem:s2+$0xFFFFFFE0]  }
0xc6: {  	v19 =	vld [tilespmem:s18+$0xFFFFFFF0]  }
0xc7: {  	v20 =	vld [tilespmem:s2+$0xFFFFFFF0]  }
0xc8: {  	v21 =	vld [tilespmem:s20+$0xFFFFFFA0]  }
0xc9: {  	v22 =	vld [tilespmem:s20+$0xFFFFFFB0]  }
0xca: {  	v10 =	vld [tilespmem:s20+$0xFFFFFFC0];
	v3 =	vmul.f32 v3, v2  }
0xcb: {  	v9 =	vld [tilespmem:s20+$0xFFFFFFD0];
	v23 =	vmul.f32 v8, v7  }
0xcc: {  	v2 =	vmul.f32 v6, v4;
	v12 =	vmul.f32 v12, v11;
	v7 =	vld [tilespmem:s20+$0xFFFFFFE0];
	v6 =	vadd.f32 v3, v5  }
0xcd: {  	v4 =	vmul.f32 v14, v13;
	v8 =	vld [tilespmem:s20+$0xFFFFFFF0];
	v5 =	vmul.f32 v16, v15;
	v13 =	vadd.f32 v23, v21  }
0xce: {  	s0 =	simm.s32 $0x0;
	s8 =	simm.s32 $0xA1F0;
	s18 =	simm.s32 $0x20F0;
	v11 =	vld [tilespmem:s20+$0xFFFFFF90];
	v3 =	vmul.f32 v18, v17;
	v12 =	vadd.f32 v12, v22;
	[tilespmem:s20+$0x0] =	vst v6;
	v6 =	vmul.f32 v20, v19  }
.LBB2_4:
0xcf: {  	v14 =	vld [tilespmem:s8+$0x0];
	[tilespmem:s20+$0xFFFFFFA0] =	vst v13;
	v4 =	vadd.f32 v4, v10;
	s2 =	sadd.s32 $0x100, s2  }
0xd0: {  	s0 =	sadd.s32 $0x80, s0;
	v10 =	vld [tilespmem:s2+$0x0];
	[tilespmem:s20+$0xFFFFFFB0] =	vst v12;
	v5 =	vadd.f32 v5, v9  }
0xd1: {  	p0 =	slt.u32 s0, $0xF80;
	s20 =	sadd.s32 $0x100, s20;
	v9 =	vld [tilespmem:s8+$0xFFFFFF90];
	[tilespmem:s18+$0xFFFFFFC0] =	vst v4;
	v3 =	vadd.f32 v3, v7  }
0xd2: {  	v4 =	vld [tilespmem:s20+$0x0];
	[tilespmem:s18+$0xFFFFFFD0] =	vst v5;
	v5 =	vadd.f32 v6, v8  }
0xd3: {  	v6 =	vld [tilespmem:s2+$0xFFFFFF90];
	v2 =	vadd.f32 v2, v11;
	[tilespmem:s18+$0xFFFFFFE0] =	vst v3  }
0xd4: {  	v3 =	vld [tilespmem:s8+$0xFFFFFFA0];
	[tilespmem:s18+$0xFFFFFFF0] =	vst v5  }
0xd5: {  	v5 =	vld [tilespmem:s2+$0xFFFFFFA0];
	v7 =	vmul.f32 v10, v14;
	[tilespmem:s18+$0xFFFFFF90] =	vst v2;
	s18 =	smov.u32 s20  }
0xd6: {  	v8 =	vld [tilespmem:s8+$0xFFFFFFB0]  }
0xd7: {  	v10 =	vld [tilespmem:s2+$0xFFFFFFB0];
	v4 =	vadd.f32 v7, v4  }
0xd8: {  	v2 =	vmul.f32 v6, v9;
	v6 =	vld [tilespmem:s8+$0xFFFFFFC0]  }
0xd9: {  	v7 =	vld [tilespmem:s2+$0xFFFFFFC0];
	[tilespmem:s20+$0x0] =	vst v4  }
0xda: {  	v11 =	vmul.f32 v5, v3;
	v3 =	vld [tilespmem:s8+$0xFFFFFFD0]  }
0xdb: {  	v5 =	vld [tilespmem:s2+$0xFFFFFFD0]  }
0xdc: {  	v12 =	vmul.f32 v10, v8;
	v8 =	vld [tilespmem:s8+$0xFFFFFFE0]  }
0xdd: {  	v9 =	vld [tilespmem:s2+$0xFFFFFFE0]  }
0xde: {  	v4 =	vmul.f32 v7, v6;
	v6 =	vld [tilespmem:s8+$0xFFFFFFF0]  }
0xdf: {  	v13 =	vld [tilespmem:s2+$0xFFFFFFF0]  }
0xe0: {  	v14 =	vld [tilespmem:s20+$0xFFFFFFA0];
	v5 =	vmul.f32 v5, v3  }
0xe1: {  	v15 =	vld [tilespmem:s20+$0xFFFFFFB0]  }
.Ltmp1:
0xe2: {  	v10 =	vld [tilespmem:s20+$0xFFFFFFC0];
	v3 =	vmul.f32 v9, v8;
	(pc) =	sbr.rel @p0 .LBB2_4-.Ltmp1, $4  }
0xe3: {  	v9 =	vld [tilespmem:s20+$0xFFFFFFD0]  }
0xe4: {  	v7 =	vld [tilespmem:s20+$0xFFFFFFE0];
	v6 =	vmul.f32 v13, v6  }
0xe5: {  	v13 =	vadd.f32 v11, v14;
	v8 =	vld [tilespmem:s20+$0xFFFFFFF0]  }
0xe6: {  	s8 =	sadd.s32 $0x100, s8;
	v11 =	vld [tilespmem:s20+$0xFFFFFF90];
	v12 =	vadd.f32 v12, v15  }
0xe7: {  	[tilespmem:s20+$0xFFFFFFA0] =	vst v13;
	v4 =	vadd.f32 v4, v10  }
0xe8: {  	[tilespmem:s20+$0xFFFFFFB0] =	vst v12;
	v5 =	vadd.f32 v5, v9  }
0xe9: {  	[tilespmem:s18+$0xFFFFFFC0] =	vst v4;
	v3 =	vadd.f32 v3, v7  }
0xea: {  	[tilespmem:s18+$0xFFFFFFD0] =	vst v5;
	v63 =	vadd.f32 v6, v8  }
0xeb: {  	v2 =	vadd.f32 v2, v11;
	[tilespmem:s18+$0xFFFFFFE0] =	vst v3  }
0xec: {  	[tilespmem:s18+$0xFFFFFFF0] =	vst v63  }
0xed: {  	[tilespmem:s18+$0xFFFFFF90] =	vst v2  }
0xee: {  	s0 =	rddreg [dreg:$0xa]  }
0xef: {  	[hbm4b:s0+s28] =	stream.strided.scatter [tilespmem:s17], [sflag:$0xD], $0x2000, s29, s28, $0x38;
	[tilespmem:$0x1A000] =	vst v63  }
0xf0: {  	v2 =	vld.msk [tilespmem:$0x180], $0x3;
	_ =	sdelay $0x4  }
0xf1: {  	v3 =	vshll.u32 v2, $0x5  }
0xf2: {  	v2 =	vand.u32 $0x7, v2;
	v3 =	vand.u32 $0xFFFFFF00, v3  }
0xf3: {  	v2 =	vor.u32 v2, v3  }
0xf4: {  	v2 =	vperm.xlane v2, v0;
	_ =	sdelay $0x1  }
0xf5: {  	v2 =	vadd.s32 v1, v2;
	_ =	sdelay $0x3  }
0xf6: {  	s31 =	simm.s32 $0x8000;
	s20 =	simm.s32 $0x0  }
0xf7: {  	[tilespmem:s31], [sflag:$0x4] =	stream.indirect_vreg.gather [hbm4b:s4+s20], $0x80, v2, vm0, $0xb8;
	[tilespmem:$0x1A000] =	vst v63  }
0xf8: {  	s2 =	simm.s32 $0x8800  }
0xf9: {  	[tilespmem:s2], [sflag:$0x4] =	stream.indirect_vreg.gather [hbm4b:s9+s20], $0x80, v2, vm0, $0xb8;
	[tilespmem:$0x1A000] =	vst v63  }
0xfa: {  	s8 =	simm.s32 $0x9000  }
0xfb: {  	[tilespmem:s8], [sflag:$0x4] =	stream.indirect_vreg.gather [hbm4b:s10+s20], $0x80, v2, vm0, $0xb8;
	[tilespmem:$0x1A000] =	vst v63  }
0xfc: {  	s18 =	simm.s32 $0x9800  }
0xfd: {  	[tilespmem:s18], [sflag:$0x4] =	stream.indirect_vreg.gather [hbm4b:s11+s20], $0x80, v2, vm0, $0xb8;
	[tilespmem:$0x1A000] =	vst v63  }
0xfe: {  	v2 =	vld.msk [tilespmem:$0x180], $0x3;
	_ =	sdelay $0x4  }
0xff: {  	v3 =	vshll.u32 v2, $0x5  }
0x100: {  	v2 =	vand.u32 $0x7, v2;
	v3 =	vand.u32 $0xFFFFFF00, v3  }
0x101: {  	v2 =	vor.u32 v2, v3  }
0x102: {  	v2 =	vperm.xlane v2, v0;
	_ =	sdelay $0x1  }
0x103: {  	v2 =	vadd.s32 v1, v2;
	_ =	sdelay $0x3  }
0x104: {  	s19 =	simm.s32 $0x10000  }
0x105: {  	[tilespmem:s19], [sflag:$0x8] =	stream.indirect_vreg.gather [hbm4b:s5+s20], $0x80, v2, vm0, $0xb8;
	[tilespmem:$0x1A000] =	vst v63  }
0x106: {  	s25 =	simm.s32 $0x10800  }
0x107: {  	[tilespmem:s25], [sflag:$0x8] =	stream.indirect_vreg.gather [hbm4b:s12+s20], $0x80, v2, vm0, $0xb8;
	[tilespmem:$0x1A000] =	vst v63  }
0x108: {  	s26 =	simm.s32 $0x11000  }
0x109: {  	[tilespmem:s26], [sflag:$0x8] =	stream.indirect_vreg.gather [hbm4b:s13+s20], $0x80, v2, vm0, $0xb8;
	[tilespmem:$0x1A000] =	vst v63  }
0x10a: {  	s30 =	simm.s32 $0x11800  }
0x10b: {  	[tilespmem:s30], [sflag:$0x8] =	stream.indirect_vreg.gather [hbm4b:s14+s20], $0x80, v2, vm0, $0xb8;
	[tilespmem:$0x1A000] =	vst v63  }
0x10c: {  	s31 =	rddreg [dreg:$0x10];
	s2 =	simm.s32 $0x18000  }
0x10d: {  	[tilespmem:s2], [sflag:$0xC] =	stream.strided.gather [hbm4b:s31+s28], $0x2000, s29, s28, $0x38;
	[tilespmem:$0x1A000] =	vst v63  }
.LBB2_6:
0x10e: {  	s0 =	simm.s32 $0x2  }
0x10f: {  	_ =	swait.ge [sflag:s0], $0x2000  }
0x110: {  	[sflag:s0] =	ssyncset.done $0x0  }
0x111: {  	s18 =	simm.s32 $0x6;
	[sflag:s0] =	ssyncadd.s32 $0xFFFFE000  }
0x112: {  	_ =	swait.ge [sflag:s18], $0x2000  }
0x113: {  	[sflag:s18] =	ssyncset.done $0x0  }
0x114: {  	s19 =	simm.s32 $0xA;
	[sflag:s18] =	ssyncadd.s32 $0xFFFFE000  }
0x115: {  	_ =	swait.ge [sflag:s19], $0x2000  }
0x116: {  	[sflag:s19] =	ssyncset.done $0x0  }
0x117: {  	s25 =	simm.s32 $0xC070;
	[sflag:s19] =	ssyncadd.s32 $0xFFFFE000  }
0x118: {  	s30 =	simm.s32 $0x14070;
	v2 =	vld [tilespmem:s25+$0x0]  }
0x119: {  	v3 =	vld [tilespmem:s30+$0x0]  }
0x11a: {  	s26 =	simm.s32 $0x4070;
	v4 =	vld [tilespmem:s25+$0xFFFFFF90]  }
0x11b: {  	v5 =	vld [tilespmem:s26+$0x0]  }
0x11c: {  	v6 =	vld [tilespmem:s30+$0xFFFFFF90]  }
0x11d: {  	v7 =	vld [tilespmem:s25+$0xFFFFFFA0]  }
0x11e: {  	v8 =	vld [tilespmem:s30+$0xFFFFFFA0]  }
0x11f: {  	v10 =	vld [tilespmem:s25+$0xFFFFFFB0]  }
0x120: {  	v11 =	vld [tilespmem:s30+$0xFFFFFFB0]  }
0x121: {  	v12 =	vld [tilespmem:s25+$0xFFFFFFC0]  }
0x122: {  	v13 =	vld [tilespmem:s30+$0xFFFFFFC0]  }
0x123: {  	v14 =	vld [tilespmem:s25+$0xFFFFFFD0]  }
0x124: {  	v15 =	vld [tilespmem:s30+$0xFFFFFFD0]  }
0x125: {  	v16 =	vld [tilespmem:s25+$0xFFFFFFE0]  }
0x126: {  	v17 =	vld [tilespmem:s30+$0xFFFFFFE0]  }
0x127: {  	v18 =	vld [tilespmem:s25+$0xFFFFFFF0]  }
0x128: {  	v19 =	vld [tilespmem:s30+$0xFFFFFFF0]  }
0x129: {  	v20 =	vld [tilespmem:s26+$0xFFFFFFA0]  }
0x12a: {  	v21 =	vld [tilespmem:s26+$0xFFFFFFB0]  }
0x12b: {  	v9 =	vld [tilespmem:s26+$0xFFFFFFC0];
	v3 =	vmul.f32 v3, v2  }
0x12c: {  	v2 =	vmul.f32 v6, v4;
	v22 =	vmul.f32 v8, v7;
	v6 =	vld [tilespmem:s26+$0xFFFFFFD0]  }
0x12d: {  	v23 =	vmul.f32 v11, v10;
	v8 =	vadd.f32 v3, v5;
	v5 =	vld [tilespmem:s26+$0xFFFFFFE0]  }
0x12e: {  	s2 =	simm.s32 $0x40F0;
	s31 =	simm.s32 $0x4070;
	s0 =	simm.s32 $0xC170;
	v4 =	vmul.f32 v15, v14;
	v10 =	vld [tilespmem:s26+$0xFFFFFFF0];
	v3 =	vmul.f32 v13, v12;
	v13 =	vadd.f32 v22, v20  }
0x12f: {  	s18 =	simm.s32 $0xC0F0;
	s19 =	simm.s32 $0x0;
	s25 =	simm.s32 $0x140F0;
	v7 =	vmul.f32 v17, v16;
	v11 =	vld [tilespmem:s26+$0xFFFFFF90];
	v12 =	vadd.f32 v23, v21;
	[tilespmem:s26+$0x0] =	vst v8;
	v8 =	vmul.f32 v19, v18  }
.LBB2_7:
0x130: {  	v14 =	vld [tilespmem:s0+$0x0];
	[tilespmem:s26+$0xFFFFFFA0] =	vst v13;
	v3 =	vadd.f32 v3, v9;
	s30 =	sadd.s32 $0x100, s30  }
0x131: {  	s19 =	sadd.s32 $0x80, s19;
	v9 =	vld [tilespmem:s30+$0x0];
	[tilespmem:s26+$0xFFFFFFB0] =	vst v12;
	v4 =	vadd.f32 v4, v6  }
0x132: {  	p0 =	slt.u32 s19, $0xF80;
	s26 =	sadd.s32 $0x100, s26;
	v6 =	vld [tilespmem:s0+$0xFFFFFF90];
	[tilespmem:s31+$0xFFFFFFC0] =	vst v3;
	v3 =	vadd.f32 v7, v5  }
0x133: {  	v5 =	vld [tilespmem:s26+$0x0];
	[tilespmem:s31+$0xFFFFFFD0] =	vst v4;
	v4 =	vadd.f32 v8, v10  }
0x134: {  	v7 =	vld [tilespmem:s30+$0xFFFFFF90];
	v2 =	vadd.f32 v2, v11;
	[tilespmem:s31+$0xFFFFFFE0] =	vst v3  }
0x135: {  	v3 =	vld [tilespmem:s0+$0xFFFFFFA0];
	[tilespmem:s31+$0xFFFFFFF0] =	vst v4  }
0x136: {  	v4 =	vld [tilespmem:s30+$0xFFFFFFA0];
	v8 =	vmul.f32 v9, v14;
	[tilespmem:s31+$0xFFFFFF90] =	vst v2;
	s31 =	smov.u32 s26  }
0x137: {  	v9 =	vld [tilespmem:s0+$0xFFFFFFB0]  }
0x138: {  	v10 =	vld [tilespmem:s30+$0xFFFFFFB0];
	v5 =	vadd.f32 v8, v5  }
0x139: {  	v2 =	vmul.f32 v7, v6;
	v6 =	vld [tilespmem:s0+$0xFFFFFFC0]  }
0x13a: {  	v7 =	vld [tilespmem:s30+$0xFFFFFFC0];
	[tilespmem:s26+$0x0] =	vst v5  }
0x13b: {  	v11 =	vmul.f32 v4, v3;
	v4 =	vld [tilespmem:s0+$0xFFFFFFD0]  }
0x13c: {  	v5 =	vld [tilespmem:s30+$0xFFFFFFD0]  }
0x13d: {  	v12 =	vmul.f32 v10, v9;
	v8 =	vld [tilespmem:s0+$0xFFFFFFE0]  }
0x13e: {  	v10 =	vld [tilespmem:s30+$0xFFFFFFE0]  }
0x13f: {  	v3 =	vmul.f32 v7, v6;
	v13 =	vld [tilespmem:s0+$0xFFFFFFF0]  }
0x140: {  	v14 =	vld [tilespmem:s30+$0xFFFFFFF0]  }
0x141: {  	v15 =	vld [tilespmem:s26+$0xFFFFFFA0];
	v4 =	vmul.f32 v5, v4  }
0x142: {  	v16 =	vld [tilespmem:s26+$0xFFFFFFB0]  }
.Ltmp2:
0x143: {  	v9 =	vld [tilespmem:s26+$0xFFFFFFC0];
	v7 =	vmul.f32 v10, v8;
	(pc) =	sbr.rel @p0 .LBB2_7-.Ltmp2, $4  }
0x144: {  	v6 =	vld [tilespmem:s26+$0xFFFFFFD0]  }
0x145: {  	v5 =	vld [tilespmem:s26+$0xFFFFFFE0];
	v8 =	vmul.f32 v14, v13  }
0x146: {  	v13 =	vadd.f32 v11, v15;
	v10 =	vld [tilespmem:s26+$0xFFFFFFF0]  }
0x147: {  	s0 =	sadd.s32 $0x100, s0;
	v11 =	vld [tilespmem:s26+$0xFFFFFF90];
	v12 =	vadd.f32 v12, v16  }
0x148: {  	[tilespmem:s26+$0xFFFFFFA0] =	vst v13;
	v3 =	vadd.f32 v3, v9  }
0x149: {  	[tilespmem:s26+$0xFFFFFFB0] =	vst v12;
	v4 =	vadd.f32 v4, v6  }
0x14a: {  	[tilespmem:s31+$0xFFFFFFC0] =	vst v3;
	v3 =	vadd.f32 v7, v5  }
0x14b: {  	[tilespmem:s31+$0xFFFFFFD0] =	vst v4;
	v4 =	vadd.f32 v8, v10  }
0x14c: {  	v2 =	vadd.f32 v2, v11;
	[tilespmem:s31+$0xFFFFFFE0] =	vst v3  }
0x14d: {  	[tilespmem:s31+$0xFFFFFFF0] =	vst v4  }
0x14e: {  	[tilespmem:s31+$0xFFFFFF90] =	vst v2  }
0x14f: {  	v2 =	vld [tilespmem:s18+$0x0]  }
0x150: {  	v3 =	vld [tilespmem:s25+$0x0]  }
0x151: {  	v4 =	vld [tilespmem:s18+$0xFFFFFF90]  }
0x152: {  	v5 =	vld [tilespmem:s2+$0x0]  }
0x153: {  	v6 =	vld [tilespmem:s25+$0xFFFFFF90]  }
0x154: {  	v7 =	vld [tilespmem:s18+$0xFFFFFFA0]  }
0x155: {  	v8 =	vld [tilespmem:s25+$0xFFFFFFA0]  }
0x156: {  	v11 =	vld [tilespmem:s18+$0xFFFFFFB0]  }
0x157: {  	v12 =	vld [tilespmem:s25+$0xFFFFFFB0]  }
0x158: {  	v13 =	vld [tilespmem:s18+$0xFFFFFFC0]  }
0x159: {  	v14 =	vld [tilespmem:s25+$0xFFFFFFC0]  }
0x15a: {  	v15 =	vld [tilespmem:s18+$0xFFFFFFD0]  }
0x15b: {  	v16 =	vld [tilespmem:s25+$0xFFFFFFD0]  }
0x15c: {  	v17 =	vld [tilespmem:s18+$0xFFFFFFE0]  }
0x15d: {  	v18 =	vld [tilespmem:s25+$0xFFFFFFE0]  }
0x15e: {  	v19 =	vld [tilespmem:s18+$0xFFFFFFF0]  }
0x15f: {  	v20 =	vld [tilespmem:s25+$0xFFFFFFF0]  }
0x160: {  	v21 =	vld [tilespmem:s2+$0xFFFFFFA0]  }
0x161: {  	v22 =	vld [tilespmem:s2+$0xFFFFFFB0]  }
0x162: {  	v10 =	vld [tilespmem:s2+$0xFFFFFFC0];
	v3 =	vmul.f32 v3, v2  }
0x163: {  	v9 =	vld [tilespmem:s2+$0xFFFFFFD0];
	v23 =	vmul.f32 v8, v7  }
0x164: {  	v2 =	vmul.f32 v6, v4;
	v12 =	vmul.f32 v12, v11;
	v7 =	vld [tilespmem:s2+$0xFFFFFFE0];
	v6 =	vadd.f32 v3, v5  }
0x165: {  	v4 =	vmul.f32 v14, v13;
	v8 =	vld [tilespmem:s2+$0xFFFFFFF0];
	v5 =	vmul.f32 v16, v15;
	v13 =	vadd.f32 v23, v21  }
0x166: {  	s0 =	simm.s32 $0x0;
	s8 =	simm.s32 $0xC1F0;
	s18 =	simm.s32 $0x40F0;
	v11 =	vld [tilespmem:s2+$0xFFFFFF90];
	v3 =	vmul.f32 v18, v17;
	v12 =	vadd.f32 v12, v22;
	[tilespmem:s2+$0x0] =	vst v6;
	v6 =	vmul.f32 v20, v19  }
.LBB2_9:
0x167: {  	v14 =	vld [tilespmem:s8+$0x0];
	[tilespmem:s2+$0xFFFFFFA0] =	vst v13;
	v4 =	vadd.f32 v4, v10;
	s25 =	sadd.s32 $0x100, s25  }
0x168: {  	s0 =	sadd.s32 $0x80, s0;
	v10 =	vld [tilespmem:s25+$0x0];
	[tilespmem:s2+$0xFFFFFFB0] =	vst v12;
	v5 =	vadd.f32 v5, v9  }
0x169: {  	p0 =	slt.u32 s0, $0xF80;
	s2 =	sadd.s32 $0x100, s2;
	v9 =	vld [tilespmem:s8+$0xFFFFFF90];
	[tilespmem:s18+$0xFFFFFFC0] =	vst v4;
	v3 =	vadd.f32 v3, v7  }
0x16a: {  	v4 =	vld [tilespmem:s2+$0x0];
	[tilespmem:s18+$0xFFFFFFD0] =	vst v5;
	v5 =	vadd.f32 v6, v8  }
0x16b: {  	v6 =	vld [tilespmem:s25+$0xFFFFFF90];
	v2 =	vadd.f32 v2, v11;
	[tilespmem:s18+$0xFFFFFFE0] =	vst v3  }
0x16c: {  	v3 =	vld [tilespmem:s8+$0xFFFFFFA0];
	[tilespmem:s18+$0xFFFFFFF0] =	vst v5  }
0x16d: {  	v5 =	vld [tilespmem:s25+$0xFFFFFFA0];
	v7 =	vmul.f32 v10, v14;
	[tilespmem:s18+$0xFFFFFF90] =	vst v2;
	s18 =	smov.u32 s2  }
0x16e: {  	v8 =	vld [tilespmem:s8+$0xFFFFFFB0]  }
0x16f: {  	v10 =	vld [tilespmem:s25+$0xFFFFFFB0];
	v4 =	vadd.f32 v7, v4  }
0x170: {  	v2 =	vmul.f32 v6, v9;
	v6 =	vld [tilespmem:s8+$0xFFFFFFC0]  }
0x171: {  	v7 =	vld [tilespmem:s25+$0xFFFFFFC0];
	[tilespmem:s2+$0x0] =	vst v4  }
0x172: {  	v11 =	vmul.f32 v5, v3;
	v3 =	vld [tilespmem:s8+$0xFFFFFFD0]  }
0x173: {  	v5 =	vld [tilespmem:s25+$0xFFFFFFD0]  }
0x174: {  	v12 =	vmul.f32 v10, v8;
	v8 =	vld [tilespmem:s8+$0xFFFFFFE0]  }
0x175: {  	v9 =	vld [tilespmem:s25+$0xFFFFFFE0]  }
0x176: {  	v4 =	vmul.f32 v7, v6;
	v6 =	vld [tilespmem:s8+$0xFFFFFFF0]  }
0x177: {  	v13 =	vld [tilespmem:s25+$0xFFFFFFF0]  }
0x178: {  	v14 =	vld [tilespmem:s2+$0xFFFFFFA0];
	v5 =	vmul.f32 v5, v3  }
0x179: {  	v15 =	vld [tilespmem:s2+$0xFFFFFFB0]  }
.Ltmp3:
0x17a: {  	v10 =	vld [tilespmem:s2+$0xFFFFFFC0];
	v3 =	vmul.f32 v9, v8;
	(pc) =	sbr.rel @p0 .LBB2_9-.Ltmp3, $4  }
0x17b: {  	v9 =	vld [tilespmem:s2+$0xFFFFFFD0]  }
0x17c: {  	v7 =	vld [tilespmem:s2+$0xFFFFFFE0];
	v6 =	vmul.f32 v13, v6  }
0x17d: {  	v13 =	vadd.f32 v11, v14;
	v8 =	vld [tilespmem:s2+$0xFFFFFFF0]  }
0x17e: {  	s8 =	sadd.s32 $0x100, s8;
	v11 =	vld [tilespmem:s2+$0xFFFFFF90];
	v12 =	vadd.f32 v12, v15  }
0x17f: {  	[tilespmem:s2+$0xFFFFFFA0] =	vst v13;
	v4 =	vadd.f32 v4, v10  }
0x180: {  	[tilespmem:s2+$0xFFFFFFB0] =	vst v12;
	v5 =	vadd.f32 v5, v9  }
0x181: {  	[tilespmem:s18+$0xFFFFFFC0] =	vst v4;
	v3 =	vadd.f32 v3, v7  }
0x182: {  	[tilespmem:s18+$0xFFFFFFD0] =	vst v5;
	v4 =	vadd.f32 v6, v8  }
0x183: {  	v2 =	vadd.f32 v2, v11;
	[tilespmem:s18+$0xFFFFFFE0] =	vst v3  }
0x184: {  	[tilespmem:s18+$0xFFFFFFF0] =	vst v4  }
0x185: {  	s0 =	sshll.u32 s20, $0xC;
	[tilespmem:s18+$0xFFFFFF90] =	vst v2  }
0x186: {  	s26 =	sshll.u32 s20, $0x2;
	s25 =	sadd.s32 s7, s0;
	s8 =	rddreg [dreg:$0xc]  }
0x187: {  	s19 =	simm.s32 $0x4000;
	s0 =	sadd.s32 s25, s8;
	s8 =	simm.s32 $0xD  }
0x188: {  	[hbm4b:s0+s28] =	stream.strided.scatter [tilespmem:s19], [sflag:$0xE], $0x2000, s29, s28, $0x38;
	[tilespmem:$0x1A000] =	vst v63  }
0x189: {  	s0 =	sadd.s32 $0x4, s26;
	_ =	swait.ge [sflag:s8], $0x2000  }
0x18a: {  	s18 =	sshll.u32 s0, $0x7;
	[sflag:s8] =	ssyncset.done $0x0  }
0x18b: {  	s2 =	sand.u32 $0x3FFFFE00, s18;
	[sflag:s8] =	ssyncadd.s32 $0xFFFFE000  }
0x18c: {  	v2 =	vld.msk [tilespmem:s2+$0x0], $0x3;
	_ =	sdelay $0x4  }
0x18d: {  	v3 =	vshll.u32 v2, $0x5  }
0x18e: {  	v2 =	vand.u32 $0x7, v2;
	v3 =	vand.u32 $0xFFFFFF00, v3  }
0x18f: {  	v2 =	vor.u32 v2, v3  }
0x190: {  	v2 =	vperm.xlane v2, v0;
	_ =	sdelay $0x1  }
0x191: {  	v2 =	vadd.s32 v1, v2;
	_ =	sdelay $0x3  }
0x192: {  	s8 =	simm.s32 $0x0  }
0x193: {  	[tilespmem:s17], [sflag:$0x1] =	stream.indirect_vreg.gather [hbm4b:s4+s8], $0x80, v2, vm0, $0xb8;
	[tilespmem:$0x1A000] =	vst v63  }
0x194: {  	s18 =	simm.s32 $0x2800  }
0x195: {  	[tilespmem:s18], [sflag:$0x1] =	stream.indirect_vreg.gather [hbm4b:s9+s8], $0x80, v2, vm0, $0xb8;
	[tilespmem:$0x1A000] =	vst v63  }
0x196: {  	s18 =	simm.s32 $0x3000  }
0x197: {  	[tilespmem:s18], [sflag:$0x1] =	stream.indirect_vreg.gather [hbm4b:s10+s8], $0x80, v2, vm0, $0xb8;
	[tilespmem:$0x1A000] =	vst v63  }
0x198: {  	s18 =	simm.s32 $0x3800  }
0x199: {  	[tilespmem:s18], [sflag:$0x1] =	stream.indirect_vreg.gather [hbm4b:s11+s8], $0x80, v2, vm0, $0xb8;
	[tilespmem:$0x1A000] =	vst v63  }
0x19a: {  	v2 =	vld.msk [tilespmem:s2+$0x0], $0x3;
	_ =	sdelay $0x4  }
0x19b: {  	v3 =	vshll.u32 v2, $0x5  }
0x19c: {  	v2 =	vand.u32 $0x7, v2;
	v3 =	vand.u32 $0xFFFFFF00, v3  }
0x19d: {  	v2 =	vor.u32 v2, v3  }
0x19e: {  	v2 =	vperm.xlane v2, v0;
	_ =	sdelay $0x1  }
0x19f: {  	v2 =	vadd.s32 v1, v2;
	_ =	sdelay $0x3  }
0x1a0: {  	s17 =	simm.s32 $0xA000  }
0x1a1: {  	[tilespmem:s17], [sflag:$0x5] =	stream.indirect_vreg.gather [hbm4b:s5+s8], $0x80, v2, vm0, $0xb8;
	[tilespmem:$0x1A000] =	vst v63  }
0x1a2: {  	s18 =	simm.s32 $0xA800  }
0x1a3: {  	[tilespmem:s18], [sflag:$0x5] =	stream.indirect_vreg.gather [hbm4b:s12+s8], $0x80, v2, vm0, $0xb8;
	[tilespmem:$0x1A000] =	vst v63  }
0x1a4: {  	s17 =	simm.s32 $0xB000  }
0x1a5: {  	[tilespmem:s17], [sflag:$0x5] =	stream.indirect_vreg.gather [hbm4b:s13+s8], $0x80, v2, vm0, $0xb8;
	[tilespmem:$0x1A000] =	vst v63  }
0x1a6: {  	s0 =	sshll.u32 s0, $0xA;
	s18 =	simm.s32 $0xB800  }
0x1a7: {  	[tilespmem:s18], [sflag:$0x5] =	stream.indirect_vreg.gather [hbm4b:s14+s8], $0x80, v2, vm0, $0xb8;
	[tilespmem:$0x1A000] =	vst v63  }
0x1a8: {  	s2 =	sadd.s32 s7, s0;
	s8 =	rddreg [dreg:$0x1]  }
0x1a9: {  	s17 =	simm.s32 $0x12000;
	s18 =	simm.s32 $0x3;
	s0 =	sadd.s32 s8, s2  }
0x1aa: {  	[tilespmem:s17], [sflag:$0x9] =	stream.strided.gather [hbm4b:s0+s28], $0x2000, s29, s28, $0x38;
	[tilespmem:$0x1A000] =	vst v63  }
0x1ab: {  	_ =	swait.ge [sflag:s18], $0x2000  }
0x1ac: {  	[sflag:s18] =	ssyncset.done $0x0  }
0x1ad: {  	[sflag:s18] =	ssyncadd.s32 $0xFFFFE000  }
0x1ae: {  	_ =	swait.ge [sflag:s6], $0x2000  }
0x1af: {  	[sflag:s6] =	ssyncset.done $0x0  }
0x1b0: {  	[sflag:s6] =	ssyncadd.s32 $0xFFFFE000  }
0x1b1: {  	_ =	swait.ge [sflag:s15], $0x2000  }
0x1b2: {  	[sflag:s15] =	ssyncset.done $0x0  }
0x1b3: {  	s30 =	simm.s32 $0x0;
	[sflag:s15] =	ssyncadd.s32 $0xFFFFE000  }
0x1b4: {  	v2 =	vld [tilespmem:s30+$0xE070]  }
0x1b5: {  	v3 =	vld [tilespmem:s30+$0x16070]  }
0x1b6: {  	v4 =	vld [tilespmem:s30+$0xE000]  }
0x1b7: {  	v5 =	vld [tilespmem:s30+$0x6070]  }
0x1b8: {  	v6 =	vld [tilespmem:s30+$0x16000]  }
0x1b9: {  	v7 =	vld [tilespmem:s30+$0xE010]  }
0x1ba: {  	v8 =	vld [tilespmem:s30+$0x16010]  }
0x1bb: {  	v10 =	vld [tilespmem:s30+$0xE020]  }
0x1bc: {  	v11 =	vld [tilespmem:s30+$0x16020]  }
0x1bd: {  	v13 =	vld [tilespmem:s30+$0xE030]  }
0x1be: {  	v14 =	vld [tilespmem:s30+$0x16030]  }
0x1bf: {  	v15 =	vld [tilespmem:s30+$0xE040]  }
0x1c0: {  	v16 =	vld [tilespmem:s30+$0x16040]  }
0x1c1: {  	v17 =	vld [tilespmem:s30+$0xE050]  }
0x1c2: {  	v18 =	vld [tilespmem:s30+$0x16050]  }
0x1c3: {  	v19 =	vld [tilespmem:s30+$0xE060]  }
0x1c4: {  	v20 =	vld [tilespmem:s30+$0x16060]  }
0x1c5: {  	v21 =	vld [tilespmem:s30+$0x6000]  }
0x1c6: {  	v12 =	vld [tilespmem:s30+$0x6010];
	v2 =	vmul.f32 v3, v2  }
0x1c7: {  	v9 =	vld [tilespmem:s30+$0x6020];
	v22 =	vmul.f32 v6, v4  }
0x1c8: {  	v3 =	vmul.f32 v14, v13;
	v6 =	vadd.f32 v2, v5;
	v2 =	vmul.f32 v11, v10;
	v10 =	vld [tilespmem:s30+$0x6030]  }
0x1c9: {  	s31 =	simm.s32 $0x6000;
	v4 =	vmul.f32 v16, v15;
	v5 =	vmul.f32 v8, v7;
	v8 =	vld [tilespmem:s30+$0x6040]  }
0x1ca: {  	s8 =	simm.s32 $0x400;
	s0 =	simm.s32 $0x0;
	s18 =	simm.s32 $0x0;
	v7 =	vmul.f32 v20, v19;
	v13 =	vadd.f32 v22, v21;
	v11 =	vld [tilespmem:s30+$0x6050];
	[tilespmem:s30+$0x6070] =	vst v6;
	v6 =	vmul.f32 v18, v17  }
.LBB2_11:
0x1cb: {  	s17 =	sshra.s32 s8, $0x2;
	v5 =	vadd.f32 v5, v12;
	v12 =	vld [tilespmem:s18+$0x6060]  }
0x1cc: {  	s0 =	sadd.s32 $0x80, s0;
	v14 =	vld [tilespmem:s17+$0xE070];
	[tilespmem:s18+$0x6000] =	vst v13;
	v2 =	vadd.f32 v2, v9  }
0x1cd: {  	p0 =	slt.u32 s0, $0xF80;
	v9 =	vld [tilespmem:s17+$0x16070];
	[tilespmem:s18+$0x6010] =	vst v5;
	v3 =	vadd.f32 v3, v10  }
0x1ce: {  	v5 =	vld [tilespmem:s17+$0xE000];
	[tilespmem:s18+$0x6020] =	vst v2;
	v2 =	vadd.f32 v4, v8  }
0x1cf: {  	v4 =	vld [tilespmem:s17+$0x6070];
	[tilespmem:s18+$0x6030] =	vst v3;
	v3 =	vadd.f32 v6, v11  }
0x1d0: {  	v6 =	vld [tilespmem:s17+$0x16000];
	[tilespmem:s18+$0x6040] =	vst v2;
	v2 =	vadd.f32 v7, v12  }
0x1d1: {  	v7 =	vld [tilespmem:s17+$0xE010];
	[tilespmem:s18+$0x6050] =	vst v3  }
0x1d2: {  	v3 =	vld [tilespmem:s17+$0x16010];
	v8 =	vmul.f32 v9, v14;
	[tilespmem:s18+$0x6060] =	vst v2;
	s18 =	smov.u32 s17  }
0x1d3: {  	v2 =	vld [tilespmem:s18+$0xE020]  }
0x1d4: {  	v9 =	vld [tilespmem:s18+$0x16020];
	v4 =	vadd.f32 v8, v4  }
0x1d5: {  	v11 =	vmul.f32 v6, v5;
	v6 =	vld [tilespmem:s18+$0xE030]  }
0x1d6: {  	v8 =	vld [tilespmem:s18+$0x16030];
	[tilespmem:s18+$0x6070] =	vst v4  }
0x1d7: {  	v5 =	vmul.f32 v3, v7;
	v4 =	vld [tilespmem:s18+$0xE040]  }
0x1d8: {  	v7 =	vld [tilespmem:s18+$0x16040]  }
0x1d9: {  	v2 =	vmul.f32 v9, v2;
	v10 =	vld [tilespmem:s18+$0xE050]  }
0x1da: {  	v13 =	vld [tilespmem:s18+$0x16050]  }
0x1db: {  	v3 =	vmul.f32 v8, v6;
	v14 =	vld [tilespmem:s18+$0xE060]  }
0x1dc: {  	v15 =	vld [tilespmem:s18+$0x16060]  }
0x1dd: {  	v16 =	vld [tilespmem:s18+$0x6000];
	v4 =	vmul.f32 v7, v4  }
.Ltmp4:
0x1de: {  	v12 =	vld [tilespmem:s18+$0x6010];
	(pc) =	sbr.rel @p0 .LBB2_11-.Ltmp4, $4  }
0x1df: {  	v9 =	vld [tilespmem:s18+$0x6020];
	v6 =	vmul.f32 v13, v10  }
0x1e0: {  	v10 =	vld [tilespmem:s18+$0x6030]  }
0x1e1: {  	v8 =	vld [tilespmem:s18+$0x6040];
	v7 =	vmul.f32 v15, v14  }
0x1e2: {  	s8 =	sadd.s32 $0x400, s8;
	v13 =	vadd.f32 v11, v16;
	v11 =	vld [tilespmem:s18+$0x6050]  }
0x1e3: {  	v5 =	vadd.f32 v5, v12;
	v12 =	vld [tilespmem:s18+$0x6060]  }
0x1e4: {  	[tilespmem:s18+$0x6000] =	vst v13;
	v2 =	vadd.f32 v2, v9  }
0x1e5: {  	[tilespmem:s18+$0x6010] =	vst v5;
	v3 =	vadd.f32 v3, v10  }
0x1e6: {  	[tilespmem:s18+$0x6020] =	vst v2;
	v2 =	vadd.f32 v4, v8  }
0x1e7: {  	[tilespmem:s18+$0x6030] =	vst v3;
	v3 =	vadd.f32 v6, v11  }
0x1e8: {  	[tilespmem:s18+$0x6040] =	vst v2;
	v2 =	vadd.f32 v7, v12  }
0x1e9: {  	[tilespmem:s18+$0x6050] =	vst v3  }
0x1ea: {  	[tilespmem:s18+$0x6060] =	vst v2  }
0x1eb: {  	v2 =	vld [tilespmem:s30+$0xE0F0]  }
0x1ec: {  	v3 =	vld [tilespmem:s30+$0x160F0]  }
0x1ed: {  	v4 =	vld [tilespmem:s30+$0xE080]  }
0x1ee: {  	v5 =	vld [tilespmem:s30+$0x60F0]  }
0x1ef: {  	v6 =	vld [tilespmem:s30+$0x16080]  }
0x1f0: {  	v7 =	vld [tilespmem:s30+$0xE090]  }
0x1f1: {  	v8 =	vld [tilespmem:s30+$0x16090]  }
0x1f2: {  	v10 =	vld [tilespmem:s30+$0xE0A0]  }
0x1f3: {  	v11 =	vld [tilespmem:s30+$0x160A0]  }
0x1f4: {  	v13 =	vld [tilespmem:s30+$0xE0B0]  }
0x1f5: {  	v14 =	vld [tilespmem:s30+$0x160B0]  }
0x1f6: {  	v15 =	vld [tilespmem:s30+$0xE0C0]  }
0x1f7: {  	v16 =	vld [tilespmem:s30+$0x160C0]  }
0x1f8: {  	v17 =	vld [tilespmem:s30+$0xE0D0]  }
0x1f9: {  	v18 =	vld [tilespmem:s30+$0x160D0]  }
0x1fa: {  	v19 =	vld [tilespmem:s30+$0xE0E0]  }
0x1fb: {  	v20 =	vld [tilespmem:s30+$0x160E0]  }
0x1fc: {  	v21 =	vld [tilespmem:s30+$0x6080]  }
0x1fd: {  	v12 =	vld [tilespmem:s30+$0x6090];
	v2 =	vmul.f32 v3, v2  }
0x1fe: {  	v9 =	vld [tilespmem:s30+$0x60A0];
	v22 =	vmul.f32 v6, v4  }
0x1ff: {  	v3 =	vmul.f32 v14, v13;
	v6 =	vadd.f32 v2, v5;
	v2 =	vmul.f32 v11, v10;
	v10 =	vld [tilespmem:s30+$0x60B0]  }
0x200: {  	v4 =	vmul.f32 v16, v15;
	v5 =	vmul.f32 v8, v7;
	v8 =	vld [tilespmem:s30+$0x60C0]  }
0x201: {  	s0 =	simm.s32 $0x0;
	s8 =	simm.s32 $0x400;
	v7 =	vmul.f32 v20, v19;
	v13 =	vadd.f32 v22, v21;
	v11 =	vld [tilespmem:s30+$0x60D0];
	[tilespmem:s30+$0x60F0] =	vst v6;
	v6 =	vmul.f32 v18, v17  }
.LBB2_13:
0x202: {  	s17 =	sshra.s32 s8, $0x2;
	v5 =	vadd.f32 v5, v12;
	v12 =	vld [tilespmem:s30+$0x60E0]  }
0x203: {  	s0 =	sadd.s32 $0x80, s0;
	v14 =	vld [tilespmem:s17+$0xE0F0];
	[tilespmem:s30+$0x6080] =	vst v13;
	v2 =	vadd.f32 v2, v9  }
0x204: {  	p0 =	slt.u32 s0, $0xF80;
	v9 =	vld [tilespmem:s17+$0x160F0];
	[tilespmem:s30+$0x6090] =	vst v5;
	v3 =	vadd.f32 v3, v10  }
0x205: {  	v5 =	vld [tilespmem:s17+$0xE080];
	[tilespmem:s30+$0x60A0] =	vst v2;
	v2 =	vadd.f32 v4, v8  }
0x206: {  	v4 =	vld [tilespmem:s17+$0x60F0];
	[tilespmem:s30+$0x60B0] =	vst v3;
	v3 =	vadd.f32 v6, v11  }
0x207: {  	v6 =	vld [tilespmem:s17+$0x16080];
	[tilespmem:s30+$0x60C0] =	vst v2;
	v2 =	vadd.f32 v7, v12  }
0x208: {  	v7 =	vld [tilespmem:s17+$0xE090];
	[tilespmem:s30+$0x60D0] =	vst v3  }
0x209: {  	v3 =	vld [tilespmem:s17+$0x16090];
	v8 =	vmul.f32 v9, v14;
	[tilespmem:s30+$0x60E0] =	vst v2;
	s30 =	smov.u32 s17  }
0x20a: {  	v2 =	vld [tilespmem:s30+$0xE0A0]  }
0x20b: {  	v9 =	vld [tilespmem:s30+$0x160A0];
	v4 =	vadd.f32 v8, v4  }
0x20c: {  	v11 =	vmul.f32 v6, v5;
	v6 =	vld [tilespmem:s30+$0xE0B0]  }
0x20d: {  	v8 =	vld [tilespmem:s30+$0x160B0];
	[tilespmem:s30+$0x60F0] =	vst v4  }
0x20e: {  	v5 =	vmul.f32 v3, v7;
	v4 =	vld [tilespmem:s30+$0xE0C0]  }
0x20f: {  	v7 =	vld [tilespmem:s30+$0x160C0]  }
0x210: {  	v2 =	vmul.f32 v9, v2;
	v10 =	vld [tilespmem:s30+$0xE0D0]  }
0x211: {  	v13 =	vld [tilespmem:s30+$0x160D0]  }
0x212: {  	v3 =	vmul.f32 v8, v6;
	v14 =	vld [tilespmem:s30+$0xE0E0]  }
0x213: {  	v15 =	vld [tilespmem:s30+$0x160E0]  }
0x214: {  	v16 =	vld [tilespmem:s30+$0x6080];
	v4 =	vmul.f32 v7, v4  }
.Ltmp5:
0x215: {  	v12 =	vld [tilespmem:s30+$0x6090];
	(pc) =	sbr.rel @p0 .LBB2_13-.Ltmp5, $4  }
0x216: {  	v9 =	vld [tilespmem:s30+$0x60A0];
	v6 =	vmul.f32 v13, v10  }
0x217: {  	v10 =	vld [tilespmem:s30+$0x60B0]  }
0x218: {  	v8 =	vld [tilespmem:s30+$0x60C0];
	v7 =	vmul.f32 v15, v14  }
0x219: {  	s8 =	sadd.s32 $0x400, s8;
	v13 =	vadd.f32 v11, v16;
	v11 =	vld [tilespmem:s30+$0x60D0]  }
0x21a: {  	v5 =	vadd.f32 v5, v12;
	v12 =	vld [tilespmem:s30+$0x60E0]  }
0x21b: {  	[tilespmem:s30+$0x6080] =	vst v13;
	v2 =	vadd.f32 v2, v9  }
0x21c: {  	[tilespmem:s30+$0x6090] =	vst v5;
	v3 =	vadd.f32 v3, v10  }
0x21d: {  	[tilespmem:s30+$0x60A0] =	vst v2;
	v2 =	vadd.f32 v4, v8  }
0x21e: {  	[tilespmem:s30+$0x60B0] =	vst v3;
	v3 =	vadd.f32 v6, v11  }
0x21f: {  	[tilespmem:s30+$0x60C0] =	vst v2;
	v2 =	vadd.f32 v7, v12  }
0x220: {  	[tilespmem:s30+$0x60D0] =	vst v3  }
0x221: {  	[tilespmem:s30+$0x60E0] =	vst v2  }
0x222: {  	s0 =	rddreg [dreg:$0xd]  }
0x223: {  	s0 =	sadd.s32 s25, s0  }
0x224: {  	[hbm4b:s0+s28] =	stream.strided.scatter [tilespmem:s31], [sflag:$0xF], $0x2000, s29, s28, $0x38;
	[tilespmem:$0x1A000] =	vst v63  }
0x225: {  	s0 =	sadd.s32 $0x5, s26;
	_ =	swait.ge [sflag:s16], $0x2000  }
0x226: {  	s8 =	sshll.u32 s0, $0x7;
	[sflag:s16] =	ssyncset.done $0x0  }
0x227: {  	s8 =	sand.u32 $0x3FFFFF80, s8;
	[sflag:s16] =	ssyncadd.s32 $0xFFFFE000  }
0x228: {  	v2 =	vld.msk [tilespmem:s8+$0x0], $0x3;
	_ =	sdelay $0x4  }
0x229: {  	v3 =	vshll.u32 v2, $0x5  }
0x22a: {  	v2 =	vand.u32 $0x7, v2;
	v3 =	vand.u32 $0xFFFFFF00, v3  }
0x22b: {  	v2 =	vor.u32 v2, v3  }
0x22c: {  	v2 =	vperm.xlane v2, v0;
	_ =	sdelay $0x1  }
0x22d: {  	v2 =	vadd.s32 v1, v2;
	_ =	sdelay $0x3  }
0x22e: {  	s17 =	simm.s32 $0x0  }
0x22f: {  	[tilespmem:s19], [sflag:$0x2] =	stream.indirect_vreg.gather [hbm4b:s4+s17], $0x80, v2, vm0, $0xb8;
	[tilespmem:$0x1A000] =	vst v63  }
0x230: {  	s18 =	simm.s32 $0x4800  }
0x231: {  	[tilespmem:s18], [sflag:$0x2] =	stream.indirect_vreg.gather [hbm4b:s9+s17], $0x80, v2, vm0, $0xb8;
	[tilespmem:$0x1A000] =	vst v63  }
0x232: {  	s19 =	simm.s32 $0x5000  }
0x233: {  	[tilespmem:s19], [sflag:$0x2] =	stream.indirect_vreg.gather [hbm4b:s10+s17], $0x80, v2, vm0, $0xb8;
	[tilespmem:$0x1A000] =	vst v63  }
0x234: {  	s19 =	simm.s32 $0x5800  }
0x235: {  	[tilespmem:s19], [sflag:$0x2] =	stream.indirect_vreg.gather [hbm4b:s11+s17], $0x80, v2, vm0, $0xb8;
	[tilespmem:$0x1A000] =	vst v63  }
0x236: {  	v2 =	vld.msk [tilespmem:s8+$0x0], $0x3;
	_ =	sdelay $0x4  }
0x237: {  	v3 =	vshll.u32 v2, $0x5  }
0x238: {  	v2 =	vand.u32 $0x7, v2;
	v3 =	vand.u32 $0xFFFFFF00, v3  }
0x239: {  	v2 =	vor.u32 v2, v3  }
0x23a: {  	v2 =	vperm.xlane v2, v0;
	_ =	sdelay $0x1  }
0x23b: {  	v2 =	vadd.s32 v1, v2;
	_ =	sdelay $0x3  }
0x23c: {  	s18 =	simm.s32 $0xC000  }
0x23d: {  	[tilespmem:s18], [sflag:$0x6] =	stream.indirect_vreg.gather [hbm4b:s5+s17], $0x80, v2, vm0, $0xb8;
	[tilespmem:$0x1A000] =	vst v63  }
0x23e: {  	s0 =	sshll.u32 s0, $0xA;
	s19 =	simm.s32 $0xC800  }
0x23f: {  	[tilespmem:s19], [sflag:$0x6] =	stream.indirect_vreg.gather [hbm4b:s12+s17], $0x80, v2, vm0, $0xb8;
	[tilespmem:$0x1A000] =	vst v63  }
0x240: {  	s0 =	sadd.s32 s7, s0;
	s18 =	simm.s32 $0xD000  }
0x241: {  	[tilespmem:s18], [sflag:$0x6] =	stream.indirect_vreg.gather [hbm4b:s13+s17], $0x80, v2, vm0, $0xb8;
	[tilespmem:$0x1A000] =	vst v63  }
0x242: {  	s0 =	sand.u32 $0x3FF000, s0;
	s19 =	simm.s32 $0xD800;
	s18 =	rddreg [dreg:$0x5]  }
0x243: {  	[tilespmem:s19], [sflag:$0x6] =	stream.indirect_vreg.gather [hbm4b:s14+s17], $0x80, v2, vm0, $0xb8;
	[tilespmem:$0x1A000] =	vst v63  }
0x244: {  	s0 =	sadd.s32 s0, s18;
	s19 =	simm.s32 $0x14000  }
0x245: {  	[tilespmem:s19], [sflag:$0xA] =	stream.strided.gather [hbm4b:s0+s28], $0x2000, s29, s28, $0x38;
	[tilespmem:$0x1A000] =	vst v63  }
0x246: {  	_ =	swait.ge [sflag:s22], $0x2000  }
0x247: {  	[sflag:s22] =	ssyncset.done $0x0  }
0x248: {  	[sflag:s22] =	ssyncadd.s32 $0xFFFFE000  }
0x249: {  	_ =	swait.ge [sflag:s23], $0x2000  }
0x24a: {  	[sflag:s23] =	ssyncset.done $0x0  }
0x24b: {  	[sflag:s23] =	ssyncadd.s32 $0xFFFFE000  }
0x24c: {  	_ =	swait.ge [sflag:s21], $0x2000  }
0x24d: {  	[sflag:s21] =	ssyncset.done $0x0  }
0x24e: {  	s30 =	simm.s32 $0x0;
	[sflag:s21] =	ssyncadd.s32 $0xFFFFE000  }
0x24f: {  	v2 =	vld [tilespmem:s30+$0x10070]  }
0x250: {  	v3 =	vld [tilespmem:s30+$0x18070]  }
0x251: {  	v4 =	vld [tilespmem:s30+$0x10000]  }
0x252: {  	v5 =	vld [tilespmem:s30+$0x8070]  }
0x253: {  	v6 =	vld [tilespmem:s30+$0x18000]  }
0x254: {  	v7 =	vld [tilespmem:s30+$0x10010]  }
0x255: {  	v8 =	vld [tilespmem:s30+$0x18010]  }
0x256: {  	v10 =	vld [tilespmem:s30+$0x10020]  }
0x257: {  	v11 =	vld [tilespmem:s30+$0x18020]  }
0x258: {  	v13 =	vld [tilespmem:s30+$0x10030]  }
0x259: {  	v14 =	vld [tilespmem:s30+$0x18030]  }
0x25a: {  	v15 =	vld [tilespmem:s30+$0x10040]  }
0x25b: {  	v16 =	vld [tilespmem:s30+$0x18040]  }
0x25c: {  	v17 =	vld [tilespmem:s30+$0x10050]  }
0x25d: {  	v18 =	vld [tilespmem:s30+$0x18050]  }
0x25e: {  	v19 =	vld [tilespmem:s30+$0x10060]  }
0x25f: {  	v20 =	vld [tilespmem:s30+$0x18060]  }
0x260: {  	v21 =	vld [tilespmem:s30+$0x8000]  }
0x261: {  	v12 =	vld [tilespmem:s30+$0x8010];
	v2 =	vmul.f32 v3, v2  }
0x262: {  	v9 =	vld [tilespmem:s30+$0x8020];
	v22 =	vmul.f32 v6, v4  }
0x263: {  	v3 =	vmul.f32 v14, v13;
	v6 =	vadd.f32 v2, v5;
	v2 =	vmul.f32 v11, v10;
	v10 =	vld [tilespmem:s30+$0x8030]  }
0x264: {  	v4 =	vmul.f32 v16, v15;
	v5 =	vmul.f32 v8, v7;
	v8 =	vld [tilespmem:s30+$0x8040]  }
0x265: {  	s8 =	simm.s32 $0x400;
	s18 =	simm.s32 $0x0;
	s0 =	simm.s32 $0x0;
	v7 =	vmul.f32 v20, v19;
	v13 =	vadd.f32 v22, v21;
	v11 =	vld [tilespmem:s30+$0x8050];
	[tilespmem:s30+$0x8070] =	vst v6;
	v6 =	vmul.f32 v18, v17  }
.LBB2_15:
0x266: {  	s17 =	sshra.s32 s8, $0x2;
	v5 =	vadd.f32 v5, v12;
	v12 =	vld [tilespmem:s18+$0x8060]  }
0x267: {  	s0 =	sadd.s32 $0x80, s0;
	v14 =	vld [tilespmem:s17+$0x10070];
	[tilespmem:s18+$0x8000] =	vst v13;
	v2 =	vadd.f32 v2, v9  }
0x268: {  	p0 =	slt.u32 s0, $0xF80;
	v9 =	vld [tilespmem:s17+$0x18070];
	[tilespmem:s18+$0x8010] =	vst v5;
	v3 =	vadd.f32 v3, v10  }
0x269: {  	v5 =	vld [tilespmem:s17+$0x10000];
	[tilespmem:s18+$0x8020] =	vst v2;
	v2 =	vadd.f32 v4, v8  }
0x26a: {  	v4 =	vld [tilespmem:s17+$0x8070];
	[tilespmem:s18+$0x8030] =	vst v3;
	v3 =	vadd.f32 v6, v11  }
0x26b: {  	v6 =	vld [tilespmem:s17+$0x18000];
	[tilespmem:s18+$0x8040] =	vst v2;
	v2 =	vadd.f32 v7, v12  }
0x26c: {  	v7 =	vld [tilespmem:s17+$0x10010];
	[tilespmem:s18+$0x8050] =	vst v3  }
0x26d: {  	v3 =	vld [tilespmem:s17+$0x18010];
	v8 =	vmul.f32 v9, v14;
	[tilespmem:s18+$0x8060] =	vst v2;
	s18 =	smov.u32 s17  }
0x26e: {  	v2 =	vld [tilespmem:s18+$0x10020]  }
0x26f: {  	v9 =	vld [tilespmem:s18+$0x18020];
	v4 =	vadd.f32 v8, v4  }
0x270: {  	v11 =	vmul.f32 v6, v5;
	v6 =	vld [tilespmem:s18+$0x10030]  }
0x271: {  	v8 =	vld [tilespmem:s18+$0x18030];
	[tilespmem:s18+$0x8070] =	vst v4  }
0x272: {  	v5 =	vmul.f32 v3, v7;
	v4 =	vld [tilespmem:s18+$0x10040]  }
0x273: {  	v7 =	vld [tilespmem:s18+$0x18040]  }
0x274: {  	v2 =	vmul.f32 v9, v2;
	v10 =	vld [tilespmem:s18+$0x10050]  }
0x275: {  	v13 =	vld [tilespmem:s18+$0x18050]  }
0x276: {  	v3 =	vmul.f32 v8, v6;
	v14 =	vld [tilespmem:s18+$0x10060]  }
0x277: {  	v15 =	vld [tilespmem:s18+$0x18060]  }
0x278: {  	v16 =	vld [tilespmem:s18+$0x8000];
	v4 =	vmul.f32 v7, v4  }
.Ltmp6:
0x279: {  	v12 =	vld [tilespmem:s18+$0x8010];
	(pc) =	sbr.rel @p0 .LBB2_15-.Ltmp6, $4  }
0x27a: {  	v9 =	vld [tilespmem:s18+$0x8020];
	v6 =	vmul.f32 v13, v10  }
0x27b: {  	v10 =	vld [tilespmem:s18+$0x8030]  }
0x27c: {  	v8 =	vld [tilespmem:s18+$0x8040];
	v7 =	vmul.f32 v15, v14  }
0x27d: {  	s8 =	sadd.s32 $0x400, s8;
	v13 =	vadd.f32 v11, v16;
	v11 =	vld [tilespmem:s18+$0x8050]  }
0x27e: {  	v5 =	vadd.f32 v5, v12;
	v12 =	vld [tilespmem:s18+$0x8060]  }
0x27f: {  	[tilespmem:s18+$0x8000] =	vst v13;
	v2 =	vadd.f32 v2, v9  }
0x280: {  	[tilespmem:s18+$0x8010] =	vst v5;
	v3 =	vadd.f32 v3, v10  }
0x281: {  	[tilespmem:s18+$0x8020] =	vst v2;
	v2 =	vadd.f32 v4, v8  }
0x282: {  	[tilespmem:s18+$0x8030] =	vst v3;
	v3 =	vadd.f32 v6, v11  }
0x283: {  	[tilespmem:s18+$0x8040] =	vst v2;
	v2 =	vadd.f32 v7, v12  }
0x284: {  	[tilespmem:s18+$0x8050] =	vst v3  }
0x285: {  	[tilespmem:s18+$0x8060] =	vst v2  }
0x286: {  	v2 =	vld [tilespmem:s30+$0x100F0]  }
0x287: {  	v3 =	vld [tilespmem:s30+$0x180F0]  }
0x288: {  	v4 =	vld [tilespmem:s30+$0x10080]  }
0x289: {  	v5 =	vld [tilespmem:s30+$0x80F0]  }
0x28a: {  	v6 =	vld [tilespmem:s30+$0x18080]  }
0x28b: {  	v7 =	vld [tilespmem:s30+$0x10090]  }
0x28c: {  	v8 =	vld [tilespmem:s30+$0x18090]  }
0x28d: {  	v10 =	vld [tilespmem:s30+$0x100A0]  }
0x28e: {  	v11 =	vld [tilespmem:s30+$0x180A0]  }
0x28f: {  	v13 =	vld [tilespmem:s30+$0x100B0]  }
0x290: {  	v14 =	vld [tilespmem:s30+$0x180B0]  }
0x291: {  	v15 =	vld [tilespmem:s30+$0x100C0]  }
0x292: {  	v16 =	vld [tilespmem:s30+$0x180C0]  }
0x293: {  	v17 =	vld [tilespmem:s30+$0x100D0]  }
0x294: {  	v18 =	vld [tilespmem:s30+$0x180D0]  }
0x295: {  	v19 =	vld [tilespmem:s30+$0x100E0]  }
0x296: {  	v20 =	vld [tilespmem:s30+$0x180E0]  }
0x297: {  	v21 =	vld [tilespmem:s30+$0x8080]  }
0x298: {  	v12 =	vld [tilespmem:s30+$0x8090];
	v2 =	vmul.f32 v3, v2  }
0x299: {  	v9 =	vld [tilespmem:s30+$0x80A0];
	v22 =	vmul.f32 v6, v4  }
0x29a: {  	v3 =	vmul.f32 v14, v13;
	v6 =	vadd.f32 v2, v5;
	v2 =	vmul.f32 v11, v10;
	v10 =	vld [tilespmem:s30+$0x80B0]  }
0x29b: {  	v4 =	vmul.f32 v16, v15;
	v5 =	vmul.f32 v8, v7;
	v8 =	vld [tilespmem:s30+$0x80C0]  }
0x29c: {  	s0 =	simm.s32 $0x0;
	s8 =	simm.s32 $0x400;
	v7 =	vmul.f32 v20, v19;
	v13 =	vadd.f32 v22, v21;
	v11 =	vld [tilespmem:s30+$0x80D0];
	[tilespmem:s30+$0x80F0] =	vst v6;
	v6 =	vmul.f32 v18, v17  }
.LBB2_17:
0x29d: {  	s17 =	sshra.s32 s8, $0x2;
	v5 =	vadd.f32 v5, v12;
	v12 =	vld [tilespmem:s30+$0x80E0]  }
0x29e: {  	s0 =	sadd.s32 $0x80, s0;
	v14 =	vld [tilespmem:s17+$0x100F0];
	[tilespmem:s30+$0x8080] =	vst v13;
	v2 =	vadd.f32 v2, v9  }
0x29f: {  	p0 =	slt.u32 s0, $0xF80;
	v9 =	vld [tilespmem:s17+$0x180F0];
	[tilespmem:s30+$0x8090] =	vst v5;
	v3 =	vadd.f32 v3, v10  }
0x2a0: {  	v5 =	vld [tilespmem:s17+$0x10080];
	[tilespmem:s30+$0x80A0] =	vst v2;
	v2 =	vadd.f32 v4, v8  }
0x2a1: {  	v4 =	vld [tilespmem:s17+$0x80F0];
	[tilespmem:s30+$0x80B0] =	vst v3;
	v3 =	vadd.f32 v6, v11  }
0x2a2: {  	v6 =	vld [tilespmem:s17+$0x18080];
	[tilespmem:s30+$0x80C0] =	vst v2;
	v2 =	vadd.f32 v7, v12  }
0x2a3: {  	v7 =	vld [tilespmem:s17+$0x10090];
	[tilespmem:s30+$0x80D0] =	vst v3  }
0x2a4: {  	v3 =	vld [tilespmem:s17+$0x18090];
	v8 =	vmul.f32 v9, v14;
	[tilespmem:s30+$0x80E0] =	vst v2;
	s30 =	smov.u32 s17  }
0x2a5: {  	v2 =	vld [tilespmem:s30+$0x100A0]  }
0x2a6: {  	v9 =	vld [tilespmem:s30+$0x180A0];
	v4 =	vadd.f32 v8, v4  }
0x2a7: {  	v11 =	vmul.f32 v6, v5;
	v6 =	vld [tilespmem:s30+$0x100B0]  }
0x2a8: {  	v8 =	vld [tilespmem:s30+$0x180B0];
	[tilespmem:s30+$0x80F0] =	vst v4  }
0x2a9: {  	v5 =	vmul.f32 v3, v7;
	v4 =	vld [tilespmem:s30+$0x100C0]  }
0x2aa: {  	v7 =	vld [tilespmem:s30+$0x180C0]  }
0x2ab: {  	v2 =	vmul.f32 v9, v2;
	v10 =	vld [tilespmem:s30+$0x100D0]  }
0x2ac: {  	v13 =	vld [tilespmem:s30+$0x180D0]  }
0x2ad: {  	v3 =	vmul.f32 v8, v6;
	v14 =	vld [tilespmem:s30+$0x100E0]  }
0x2ae: {  	v15 =	vld [tilespmem:s30+$0x180E0]  }
0x2af: {  	v16 =	vld [tilespmem:s30+$0x8080];
	v4 =	vmul.f32 v7, v4  }
.Ltmp7:
0x2b0: {  	v12 =	vld [tilespmem:s30+$0x8090];
	(pc) =	sbr.rel @p0 .LBB2_17-.Ltmp7, $4  }
0x2b1: {  	v9 =	vld [tilespmem:s30+$0x80A0];
	v6 =	vmul.f32 v13, v10  }
0x2b2: {  	v10 =	vld [tilespmem:s30+$0x80B0]  }
0x2b3: {  	v8 =	vld [tilespmem:s30+$0x80C0];
	v7 =	vmul.f32 v15, v14  }
0x2b4: {  	s8 =	sadd.s32 $0x400, s8;
	v13 =	vadd.f32 v11, v16;
	v11 =	vld [tilespmem:s30+$0x80D0]  }
0x2b5: {  	v5 =	vadd.f32 v5, v12;
	v12 =	vld [tilespmem:s30+$0x80E0]  }
0x2b6: {  	[tilespmem:s30+$0x8080] =	vst v13;
	v2 =	vadd.f32 v2, v9  }
0x2b7: {  	[tilespmem:s30+$0x8090] =	vst v5;
	v3 =	vadd.f32 v3, v10  }
0x2b8: {  	[tilespmem:s30+$0x80A0] =	vst v2;
	v2 =	vadd.f32 v4, v8  }
0x2b9: {  	[tilespmem:s30+$0x80B0] =	vst v3;
	v3 =	vadd.f32 v6, v11  }
0x2ba: {  	[tilespmem:s30+$0x80C0] =	vst v2;
	v2 =	vadd.f32 v7, v12  }
0x2bb: {  	[tilespmem:s30+$0x80D0] =	vst v3  }
0x2bc: {  	[tilespmem:s30+$0x80E0] =	vst v2  }
0x2bd: {  	s0 =	rddreg [dreg:$0xe]  }
0x2be: {  	s8 =	simm.s32 $0x8000;
	s0 =	sadd.s32 s25, s0  }
0x2bf: {  	[hbm4b:s0+s28] =	stream.strided.scatter [tilespmem:s8], [sflag:$0x10], $0x2000, s29, s28, $0x38;
	[tilespmem:$0x1A000] =	vst v63  }
0x2c0: {  	s0 =	sadd.s32 $0x6, s26;
	_ =	swait.ge [sflag:s24], $0x2000  }
0x2c1: {  	s19 =	sshll.u32 s0, $0x7;
	[sflag:s24] =	ssyncset.done $0x0  }
0x2c2: {  	s8 =	sand.u32 $0x3FFFFF80, s19;
	[sflag:s24] =	ssyncadd.s32 $0xFFFFE000  }
0x2c3: {  	v2 =	vld.msk [tilespmem:s8+$0x0], $0x3;
	_ =	sdelay $0x4  }
0x2c4: {  	v3 =	vshll.u32 v2, $0x5  }
0x2c5: {  	v2 =	vand.u32 $0x7, v2;
	v3 =	vand.u32 $0xFFFFFF00, v3  }
0x2c6: {  	v2 =	vor.u32 v2, v3  }
0x2c7: {  	v2 =	vperm.xlane v2, v0;
	_ =	sdelay $0x1  }
0x2c8: {  	v2 =	vadd.s32 v1, v2;
	_ =	sdelay $0x4  }
0x2c9: {  	[tilespmem:s31], [sflag:$0x3] =	stream.indirect_vreg.gather [hbm4b:s4+s3], $0x80, v2, vm0, $0xb8;
	[tilespmem:$0x1A000] =	vst v63  }
0x2ca: {  	s17 =	simm.s32 $0x6800  }
0x2cb: {  	[tilespmem:s17], [sflag:$0x3] =	stream.indirect_vreg.gather [hbm4b:s9+s3], $0x80, v2, vm0, $0xb8;
	[tilespmem:$0x1A000] =	vst v63  }
0x2cc: {  	s25 =	simm.s32 $0x7000  }
0x2cd: {  	[tilespmem:s25], [sflag:$0x3] =	stream.indirect_vreg.gather [hbm4b:s10+s3], $0x80, v2, vm0, $0xb8;
	[tilespmem:$0x1A000] =	vst v63  }
0x2ce: {  	s30 =	simm.s32 $0x7800  }
0x2cf: {  	[tilespmem:s30], [sflag:$0x3] =	stream.indirect_vreg.gather [hbm4b:s11+s3], $0x80, v2, vm0, $0xb8;
	[tilespmem:$0x1A000] =	vst v63  }
0x2d0: {  	v2 =	vld.msk [tilespmem:s8+$0x0], $0x3;
	_ =	sdelay $0x4  }
0x2d1: {  	v3 =	vshll.u32 v2, $0x5  }
0x2d2: {  	v2 =	vand.u32 $0x7, v2;
	v3 =	vand.u32 $0xFFFFFF00, v3  }
0x2d3: {  	v2 =	vor.u32 v2, v3  }
0x2d4: {  	v2 =	vperm.xlane v2, v0;
	_ =	sdelay $0x1  }
0x2d5: {  	v2 =	vadd.s32 v1, v2;
	_ =	sdelay $0x3  }
0x2d6: {  	s17 =	simm.s32 $0xE000  }
0x2d7: {  	[tilespmem:s17], [sflag:$0x7] =	stream.indirect_vreg.gather [hbm4b:s5+s3], $0x80, v2, vm0, $0xb8;
	[tilespmem:$0x1A000] =	vst v63  }
0x2d8: {  	s18 =	simm.s32 $0xE800;
	s0 =	sshll.u32 s0, $0xA  }
0x2d9: {  	[tilespmem:s18], [sflag:$0x7] =	stream.indirect_vreg.gather [hbm4b:s12+s3], $0x80, v2, vm0, $0xb8;
	[tilespmem:$0x1A000] =	vst v63  }
0x2da: {  	s19 =	simm.s32 $0xF000;
	s0 =	sadd.s32 s7, s0  }
0x2db: {  	[tilespmem:s19], [sflag:$0x7] =	stream.indirect_vreg.gather [hbm4b:s13+s3], $0x80, v2, vm0, $0xb8;
	[tilespmem:$0x1A000] =	vst v63  }
0x2dc: {  	s0 =	sand.u32 $0x3FF000, s0;
	s25 =	simm.s32 $0xF800;
	s30 =	rddreg [dreg:$0x6]  }
0x2dd: {  	[tilespmem:s25], [sflag:$0x7] =	stream.indirect_vreg.gather [hbm4b:s14+s3], $0x80, v2, vm0, $0xb8;
	[tilespmem:$0x1A000] =	vst v63  }
0x2de: {  	s0 =	sadd.s32 s0, s30;
	s17 =	simm.s32 $0x16000;
	s18 =	simm.s32 $0x1  }
0x2df: {  	[tilespmem:s17], [sflag:$0xB] =	stream.strided.gather [hbm4b:s0+s28], $0x2000, s29, s28, $0x38;
	[tilespmem:$0x1A000] =	vst v63  }
0x2e0: {  	_ =	swait.ge [sflag:s18], $0x2000  }
0x2e1: {  	[sflag:s18] =	ssyncset.done $0x0  }
0x2e2: {  	s19 =	simm.s32 $0x5;
	[sflag:s18] =	ssyncadd.s32 $0xFFFFE000  }
0x2e3: {  	_ =	swait.ge [sflag:s19], $0x2000  }
0x2e4: {  	[sflag:s19] =	ssyncset.done $0x0  }
0x2e5: {  	s25 =	simm.s32 $0x9;
	[sflag:s19] =	ssyncadd.s32 $0xFFFFE000  }
0x2e6: {  	_ =	swait.ge [sflag:s25], $0x2000  }
0x2e7: {  	[sflag:s25] =	ssyncset.done $0x0  }
0x2e8: {  	s30 =	simm.s32 $0xA040;
	[sflag:s25] =	ssyncadd.s32 $0xFFFFE000  }
0x2e9: {  	s18 =	simm.s32 $0x12040;
	v2 =	vld [tilespmem:s30+$0x30]  }
0x2ea: {  	v3 =	vld [tilespmem:s18+$0x30]  }
0x2eb: {  	s31 =	simm.s32 $0x2040;
	v4 =	vld [tilespmem:s30+$0xFFFFFFC0]  }
0x2ec: {  	v5 =	vld [tilespmem:s31+$0x30]  }
0x2ed: {  	v6 =	vld [tilespmem:s18+$0xFFFFFFC0]  }
0x2ee: {  	v7 =	vld [tilespmem:s30+$0xFFFFFFD0]  }
0x2ef: {  	v8 =	vld [tilespmem:s18+$0xFFFFFFD0]  }
0x2f0: {  	v11 =	vld [tilespmem:s30+$0xFFFFFFE0]  }
0x2f1: {  	v12 =	vld [tilespmem:s18+$0xFFFFFFE0]  }
0x2f2: {  	v13 =	vld [tilespmem:s30+$0xFFFFFFF0]  }
0x2f3: {  	v14 =	vld [tilespmem:s18+$0xFFFFFFF0]  }
0x2f4: {  	v15 =	vld [tilespmem:s30+$0x0]  }
0x2f5: {  	v16 =	vld [tilespmem:s18+$0x0]  }
0x2f6: {  	v17 =	vld [tilespmem:s30+$0x10]  }
0x2f7: {  	v18 =	vld [tilespmem:s18+$0x10]  }
0x2f8: {  	v19 =	vld [tilespmem:s30+$0x20]  }
0x2f9: {  	v20 =	vld [tilespmem:s18+$0x20]  }
0x2fa: {  	v21 =	vld [tilespmem:s31+$0xFFFFFFD0]  }
0x2fb: {  	v22 =	vld [tilespmem:s31+$0xFFFFFFE0]  }
0x2fc: {  	v10 =	vld [tilespmem:s31+$0xFFFFFFF0];
	v3 =	vmul.f32 v3, v2  }
0x2fd: {  	v9 =	vld [tilespmem:s31+$0x0];
	v23 =	vmul.f32 v8, v7  }
0x2fe: {  	v2 =	vmul.f32 v6, v4;
	v12 =	vmul.f32 v12, v11;
	v7 =	vld [tilespmem:s31+$0x10];
	v6 =	vadd.f32 v3, v5  }
0x2ff: {  	v4 =	vmul.f32 v14, v13;
	v8 =	vld [tilespmem:s31+$0x20];
	v5 =	vmul.f32 v16, v15;
	v13 =	vadd.f32 v23, v21  }
0x300: {  	s8 =	simm.s32 $0xA140;
	s0 =	simm.s32 $0x0;
	s19 =	simm.s32 $0x2040;
	v11 =	vld [tilespmem:s31+$0xFFFFFFC0];
	v3 =	vmul.f32 v18, v17;
	v12 =	vadd.f32 v12, v22;
	[tilespmem:s31+$0x30] =	vst v6;
	v6 =	vmul.f32 v20, v19  }
.LBB2_19:
0x301: {  	v14 =	vld [tilespmem:s8+$0x30];
	[tilespmem:s31+$0xFFFFFFD0] =	vst v13;
	v4 =	vadd.f32 v4, v10;
	s18 =	sadd.s32 $0x100, s18  }
0x302: {  	s0 =	sadd.s32 $0x80, s0;
	v10 =	vld [tilespmem:s18+$0x30];
	[tilespmem:s31+$0xFFFFFFE0] =	vst v12;
	v5 =	vadd.f32 v5, v9  }
0x303: {  	p0 =	slt.u32 s0, $0xF80;
	s31 =	sadd.s32 $0x100, s31;
	v9 =	vld [tilespmem:s8+$0xFFFFFFC0];
	[tilespmem:s19+$0xFFFFFFF0] =	vst v4;
	v3 =	vadd.f32 v3, v7  }
0x304: {  	v4 =	vld [tilespmem:s31+$0x30];
	[tilespmem:s19+$0x0] =	vst v5;
	v5 =	vadd.f32 v6, v8  }
0x305: {  	v6 =	vld [tilespmem:s18+$0xFFFFFFC0];
	v2 =	vadd.f32 v2, v11;
	[tilespmem:s19+$0x10] =	vst v3  }
0x306: {  	v3 =	vld [tilespmem:s8+$0xFFFFFFD0];
	[tilespmem:s19+$0x20] =	vst v5  }
0x307: {  	v5 =	vld [tilespmem:s18+$0xFFFFFFD0];
	v7 =	vmul.f32 v10, v14;
	[tilespmem:s19+$0xFFFFFFC0] =	vst v2;
	s19 =	smov.u32 s31  }
0x308: {  	v8 =	vld [tilespmem:s8+$0xFFFFFFE0]  }
0x309: {  	v10 =	vld [tilespmem:s18+$0xFFFFFFE0];
	v4 =	vadd.f32 v7, v4  }
0x30a: {  	v2 =	vmul.f32 v6, v9;
	v6 =	vld [tilespmem:s8+$0xFFFFFFF0]  }
0x30b: {  	s30 =	simm.s32 $0x120F0;
	s17 =	simm.s32 $0xA0F0;
	s25 =	simm.s32 $0x20F0;
	v7 =	vld [tilespmem:s18+$0xFFFFFFF0];
	[tilespmem:s31+$0x30] =	vst v4  }
0x30c: {  	v11 =	vmul.f32 v5, v3;
	v3 =	vld [tilespmem:s8+$0x0]  }
0x30d: {  	v5 =	vld [tilespmem:s18+$0x0]  }
0x30e: {  	v12 =	vmul.f32 v10, v8;
	v8 =	vld [tilespmem:s8+$0x10]  }
0x30f: {  	v9 =	vld [tilespmem:s18+$0x10]  }
0x310: {  	v4 =	vmul.f32 v7, v6;
	v6 =	vld [tilespmem:s8+$0x20]  }
0x311: {  	v13 =	vld [tilespmem:s18+$0x20]  }
0x312: {  	v14 =	vld [tilespmem:s31+$0xFFFFFFD0];
	v5 =	vmul.f32 v5, v3  }
0x313: {  	v15 =	vld [tilespmem:s31+$0xFFFFFFE0]  }
.Ltmp8:
0x314: {  	v10 =	vld [tilespmem:s31+$0xFFFFFFF0];
	v3 =	vmul.f32 v9, v8;
	(pc) =	sbr.rel @p0 .LBB2_19-.Ltmp8, $4  }
0x315: {  	v9 =	vld [tilespmem:s31+$0x0]  }
0x316: {  	v7 =	vld [tilespmem:s31+$0x10];
	v6 =	vmul.f32 v13, v6  }
0x317: {  	v13 =	vadd.f32 v11, v14;
	v8 =	vld [tilespmem:s31+$0x20]  }
0x318: {  	s8 =	sadd.s32 $0x100, s8;
	v11 =	vld [tilespmem:s31+$0xFFFFFFC0];
	v12 =	vadd.f32 v12, v15  }
0x319: {  	[tilespmem:s31+$0xFFFFFFD0] =	vst v13;
	v4 =	vadd.f32 v4, v10  }
0x31a: {  	[tilespmem:s31+$0xFFFFFFE0] =	vst v12;
	v5 =	vadd.f32 v5, v9  }
0x31b: {  	[tilespmem:s19+$0xFFFFFFF0] =	vst v4;
	v3 =	vadd.f32 v3, v7  }
0x31c: {  	[tilespmem:s19+$0x0] =	vst v5;
	v4 =	vadd.f32 v6, v8  }
0x31d: {  	v2 =	vadd.f32 v2, v11;
	[tilespmem:s19+$0x10] =	vst v3  }
0x31e: {  	[tilespmem:s19+$0x20] =	vst v4  }
0x31f: {  	[tilespmem:s19+$0xFFFFFFC0] =	vst v2  }
0x320: {  	v2 =	vld [tilespmem:s17+$0x0]  }
0x321: {  	v3 =	vld [tilespmem:s30+$0x0]  }
0x322: {  	v4 =	vld [tilespmem:s17+$0xFFFFFF90]  }
0x323: {  	v5 =	vld [tilespmem:s25+$0x0]  }
0x324: {  	v6 =	vld [tilespmem:s30+$0xFFFFFF90]  }
0x325: {  	v7 =	vld [tilespmem:s17+$0xFFFFFFA0]  }
0x326: {  	v8 =	vld [tilespmem:s30+$0xFFFFFFA0]  }
0x327: {  	v11 =	vld [tilespmem:s17+$0xFFFFFFB0]  }
0x328: {  	v12 =	vld [tilespmem:s30+$0xFFFFFFB0]  }
0x329: {  	v13 =	vld [tilespmem:s17+$0xFFFFFFC0]  }
0x32a: {  	v14 =	vld [tilespmem:s30+$0xFFFFFFC0]  }
0x32b: {  	v15 =	vld [tilespmem:s17+$0xFFFFFFD0]  }
0x32c: {  	v16 =	vld [tilespmem:s30+$0xFFFFFFD0]  }
0x32d: {  	v17 =	vld [tilespmem:s17+$0xFFFFFFE0]  }
0x32e: {  	v18 =	vld [tilespmem:s30+$0xFFFFFFE0]  }
0x32f: {  	v19 =	vld [tilespmem:s17+$0xFFFFFFF0]  }
0x330: {  	v20 =	vld [tilespmem:s30+$0xFFFFFFF0]  }
0x331: {  	v21 =	vld [tilespmem:s25+$0xFFFFFFA0]  }
0x332: {  	v22 =	vld [tilespmem:s25+$0xFFFFFFB0]  }
0x333: {  	v10 =	vld [tilespmem:s25+$0xFFFFFFC0];
	v3 =	vmul.f32 v3, v2  }
0x334: {  	v9 =	vld [tilespmem:s25+$0xFFFFFFD0];
	v23 =	vmul.f32 v8, v7  }
0x335: {  	v2 =	vmul.f32 v6, v4;
	v12 =	vmul.f32 v12, v11;
	v7 =	vld [tilespmem:s25+$0xFFFFFFE0];
	v6 =	vadd.f32 v3, v5  }
0x336: {  	v4 =	vmul.f32 v14, v13;
	v8 =	vld [tilespmem:s25+$0xFFFFFFF0];
	v5 =	vmul.f32 v16, v15;
	v13 =	vadd.f32 v23, v21  }
0x337: {  	s0 =	simm.s32 $0x0;
	s8 =	simm.s32 $0xA1F0;
	s18 =	simm.s32 $0x20F0;
	v11 =	vld [tilespmem:s25+$0xFFFFFF90];
	v3 =	vmul.f32 v18, v17;
	v12 =	vadd.f32 v12, v22;
	[tilespmem:s25+$0x0] =	vst v6;
	v6 =	vmul.f32 v20, v19  }
.LBB2_21:
0x338: {  	v14 =	vld [tilespmem:s8+$0x0];
	[tilespmem:s25+$0xFFFFFFA0] =	vst v13;
	v4 =	vadd.f32 v4, v10;
	s30 =	sadd.s32 $0x100, s30  }
0x339: {  	s0 =	sadd.s32 $0x80, s0;
	v10 =	vld [tilespmem:s30+$0x0];
	[tilespmem:s25+$0xFFFFFFB0] =	vst v12;
	v5 =	vadd.f32 v5, v9  }
0x33a: {  	p0 =	slt.u32 s0, $0xF80;
	s25 =	sadd.s32 $0x100, s25;
	v9 =	vld [tilespmem:s8+$0xFFFFFF90];
	[tilespmem:s18+$0xFFFFFFC0] =	vst v4;
	v3 =	vadd.f32 v3, v7  }
0x33b: {  	v4 =	vld [tilespmem:s25+$0x0];
	[tilespmem:s18+$0xFFFFFFD0] =	vst v5;
	v5 =	vadd.f32 v6, v8  }
0x33c: {  	v6 =	vld [tilespmem:s30+$0xFFFFFF90];
	v2 =	vadd.f32 v2, v11;
	[tilespmem:s18+$0xFFFFFFE0] =	vst v3  }
0x33d: {  	v3 =	vld [tilespmem:s8+$0xFFFFFFA0];
	[tilespmem:s18+$0xFFFFFFF0] =	vst v5  }
0x33e: {  	v5 =	vld [tilespmem:s30+$0xFFFFFFA0];
	v7 =	vmul.f32 v10, v14;
	[tilespmem:s18+$0xFFFFFF90] =	vst v2;
	s18 =	smov.u32 s25  }
0x33f: {  	v8 =	vld [tilespmem:s8+$0xFFFFFFB0]  }
0x340: {  	v10 =	vld [tilespmem:s30+$0xFFFFFFB0];
	v4 =	vadd.f32 v7, v4  }
0x341: {  	v2 =	vmul.f32 v6, v9;
	v6 =	vld [tilespmem:s8+$0xFFFFFFC0]  }
0x342: {  	v7 =	vld [tilespmem:s30+$0xFFFFFFC0];
	[tilespmem:s25+$0x0] =	vst v4  }
0x343: {  	v11 =	vmul.f32 v5, v3;
	v3 =	vld [tilespmem:s8+$0xFFFFFFD0]  }
0x344: {  	v5 =	vld [tilespmem:s30+$0xFFFFFFD0]  }
0x345: {  	v12 =	vmul.f32 v10, v8;
	v8 =	vld [tilespmem:s8+$0xFFFFFFE0]  }
0x346: {  	v9 =	vld [tilespmem:s30+$0xFFFFFFE0]  }
0x347: {  	v4 =	vmul.f32 v7, v6;
	v6 =	vld [tilespmem:s8+$0xFFFFFFF0]  }
0x348: {  	v13 =	vld [tilespmem:s30+$0xFFFFFFF0]  }
0x349: {  	v14 =	vld [tilespmem:s25+$0xFFFFFFA0];
	v5 =	vmul.f32 v5, v3  }
0x34a: {  	v15 =	vld [tilespmem:s25+$0xFFFFFFB0]  }
.Ltmp9:
0x34b: {  	v10 =	vld [tilespmem:s25+$0xFFFFFFC0];
	v3 =	vmul.f32 v9, v8;
	(pc) =	sbr.rel @p0 .LBB2_21-.Ltmp9, $4  }
0x34c: {  	v9 =	vld [tilespmem:s25+$0xFFFFFFD0]  }
0x34d: {  	v7 =	vld [tilespmem:s25+$0xFFFFFFE0];
	v6 =	vmul.f32 v13, v6  }
0x34e: {  	v13 =	vadd.f32 v11, v14;
	v8 =	vld [tilespmem:s25+$0xFFFFFFF0]  }
0x34f: {  	s8 =	sadd.s32 $0x100, s8;
	v11 =	vld [tilespmem:s25+$0xFFFFFF90];
	v12 =	vadd.f32 v12, v15  }
0x350: {  	[tilespmem:s25+$0xFFFFFFA0] =	vst v13;
	v4 =	vadd.f32 v4, v10  }
0x351: {  	[tilespmem:s25+$0xFFFFFFB0] =	vst v12;
	v5 =	vadd.f32 v5, v9  }
0x352: {  	[tilespmem:s18+$0xFFFFFFC0] =	vst v4;
	v3 =	vadd.f32 v3, v7  }
0x353: {  	[tilespmem:s18+$0xFFFFFFD0] =	vst v5;
	v63 =	vadd.f32 v6, v8  }
0x354: {  	v2 =	vadd.f32 v2, v11;
	[tilespmem:s18+$0xFFFFFFE0] =	vst v3  }
0x355: {  	[tilespmem:s18+$0xFFFFFFF0] =	vst v63  }
0x356: {  	[tilespmem:s18+$0xFFFFFF90] =	vst v2  }
0x357: {  	s0 =	rddreg [dreg:$0x3]  }
0x358: {  	s17 =	simm.s32 $0x2000;
	s0 =	sadd.s32 s0, s2  }
0x359: {  	[hbm4b:s0+s28] =	stream.strided.scatter [tilespmem:s17], [sflag:$0xD], $0x2000, s29, s28, $0x38;
	[tilespmem:$0x1A000] =	vst v63  }
0x35a: {  	s0 =	sadd.s32 $0x7, s26;
	_ =	swait.ge [sflag:s1], $0x2000  }
0x35b: {  	s25 =	sshll.u32 s0, $0x7;
	[sflag:s1] =	ssyncset.done $0x0  }
0x35c: {  	s2 =	sand.u32 $0x3FFFFF80, s25;
	[sflag:s1] =	ssyncadd.s32 $0xFFFFE000  }
0x35d: {  	v2 =	vld.msk [tilespmem:s2+$0x0], $0x3;
	_ =	sdelay $0x4  }
0x35e: {  	v3 =	vshll.u32 v2, $0x5  }
0x35f: {  	v2 =	vand.u32 $0x7, v2;
	v3 =	vand.u32 $0xFFFFFF00, v3  }
0x360: {  	v2 =	vor.u32 v2, v3  }
0x361: {  	v2 =	vperm.xlane v2, v0;
	_ =	sdelay $0x1  }
0x362: {  	v2 =	vadd.s32 v1, v2;
	_ =	sdelay $0x3  }
0x363: {  	s8 =	simm.s32 $0x8000  }
0x364: {  	[tilespmem:s8], [sflag:$0x4] =	stream.indirect_vreg.gather [hbm4b:s4+s3], $0x80, v2, vm0, $0xb8;
	[tilespmem:$0x1A000] =	vst v63  }
0x365: {  	s26 =	simm.s32 $0x8800  }
0x366: {  	[tilespmem:s26], [sflag:$0x4] =	stream.indirect_vreg.gather [hbm4b:s9+s3], $0x80, v2, vm0, $0xb8;
	[tilespmem:$0x1A000] =	vst v63  }
0x367: {  	s30 =	simm.s32 $0x9000  }
0x368: {  	[tilespmem:s30], [sflag:$0x4] =	stream.indirect_vreg.gather [hbm4b:s10+s3], $0x80, v2, vm0, $0xb8;
	[tilespmem:$0x1A000] =	vst v63  }
0x369: {  	s31 =	simm.s32 $0x9800  }
0x36a: {  	[tilespmem:s31], [sflag:$0x4] =	stream.indirect_vreg.gather [hbm4b:s11+s3], $0x80, v2, vm0, $0xb8;
	[tilespmem:$0x1A000] =	vst v63  }
0x36b: {  	v2 =	vld.msk [tilespmem:s2+$0x0], $0x3;
	_ =	sdelay $0x4  }
0x36c: {  	v3 =	vshll.u32 v2, $0x5  }
0x36d: {  	v2 =	vand.u32 $0x7, v2;
	v3 =	vand.u32 $0xFFFFFF00, v3  }
0x36e: {  	v2 =	vor.u32 v2, v3  }
0x36f: {  	v2 =	vperm.xlane v2, v0;
	_ =	sdelay $0x1  }
0x370: {  	v2 =	vadd.s32 v1, v2;
	_ =	sdelay $0x3  }
0x371: {  	s18 =	simm.s32 $0x10000  }
0x372: {  	[tilespmem:s18], [sflag:$0x8] =	stream.indirect_vreg.gather [hbm4b:s5+s3], $0x80, v2, vm0, $0xb8;
	[tilespmem:$0x1A000] =	vst v63  }
0x373: {  	s19 =	simm.s32 $0x10800;
	s20 =	sadd.s32 $0x1, s20  }
0x374: {  	[tilespmem:s19], [sflag:$0x8] =	stream.indirect_vreg.gather [hbm4b:s12+s3], $0x80, v2, vm0, $0xb8;
	[tilespmem:$0x1A000] =	vst v63  }
0x375: {  	p0 =	sne.s32 s20, $0xF;
	s0 =	sshll.u32 s0, $0xA;
	s25 =	simm.s32 $0x11000  }
0x376: {  	[tilespmem:s25], [sflag:$0x8] =	stream.indirect_vreg.gather [hbm4b:s13+s3], $0x80, v2, vm0, $0xb8;
	[tilespmem:$0x1A000] =	vst v63  }
.Ltmp10:
0x377: {  	s0 =	sadd.s32 s7, s0;
	(pc) =	sbr.rel @p0 .LBB2_6-.Ltmp10, $4  }
0x378: {  	s0 =	sand.u32 $0x3FF000, s0;
	s26 =	simm.s32 $0x11800;
	s30 =	rddreg [dreg:$0xb]  }
0x379: {  	[tilespmem:s26], [sflag:$0x8] =	stream.indirect_vreg.gather [hbm4b:s14+s3], $0x80, v2, vm0, $0xb8;
	[tilespmem:$0x1A000] =	vst v63  }
0x37a: {  	s0 =	sadd.s32 s0, s30;
	s31 =	simm.s32 $0x18000  }
0x37b: {  	[tilespmem:s31], [sflag:$0xC] =	stream.strided.gather [hbm4b:s0+s28], $0x2000, s29, s28, $0x38;
	[tilespmem:$0x1A000] =	vst v63  }
0x37c: {  	s0 =	simm.s32 $0x2  }
0x37d: {  	_ =	swait.ge [sflag:s0], $0x2000  }
0x37e: {  	[sflag:s0] =	ssyncset.done $0x0  }
0x37f: {  	s26 =	simm.s32 $0x6;
	[sflag:s0] =	ssyncadd.s32 $0xFFFFE000  }
0x380: {  	_ =	swait.ge [sflag:s26], $0x2000  }
0x381: {  	[sflag:s26] =	ssyncset.done $0x0  }
0x382: {  	s30 =	simm.s32 $0xA;
	[sflag:s26] =	ssyncadd.s32 $0xFFFFE000  }
0x383: {  	_ =	swait.ge [sflag:s30], $0x2000  }
0x384: {  	[sflag:s30] =	ssyncset.done $0x0  }
0x385: {  	s31 =	simm.s32 $0xC070;
	[sflag:s30] =	ssyncadd.s32 $0xFFFFE000  }
0x386: {  	s18 =	simm.s32 $0x14070;
	v2 =	vld [tilespmem:s31+$0x0]  }
0x387: {  	v3 =	vld [tilespmem:s18+$0x0]  }
0x388: {  	s25 =	simm.s32 $0x4070;
	v4 =	vld [tilespmem:s31+$0xFFFFFF90]  }
0x389: {  	v5 =	vld [tilespmem:s25+$0x0]  }
0x38a: {  	v6 =	vld [tilespmem:s18+$0xFFFFFF90]  }
0x38b: {  	v7 =	vld [tilespmem:s31+$0xFFFFFFA0]  }
0x38c: {  	v8 =	vld [tilespmem:s18+$0xFFFFFFA0]  }
0x38d: {  	v11 =	vld [tilespmem:s31+$0xFFFFFFB0]  }
0x38e: {  	v12 =	vld [tilespmem:s18+$0xFFFFFFB0]  }
0x38f: {  	v13 =	vld [tilespmem:s31+$0xFFFFFFC0]  }
0x390: {  	v14 =	vld [tilespmem:s18+$0xFFFFFFC0]  }
0x391: {  	v15 =	vld [tilespmem:s31+$0xFFFFFFD0]  }
0x392: {  	v16 =	vld [tilespmem:s18+$0xFFFFFFD0]  }
0x393: {  	v17 =	vld [tilespmem:s31+$0xFFFFFFE0]  }
0x394: {  	v18 =	vld [tilespmem:s18+$0xFFFFFFE0]  }
0x395: {  	v19 =	vld [tilespmem:s31+$0xFFFFFFF0]  }
0x396: {  	v20 =	vld [tilespmem:s18+$0xFFFFFFF0]  }
0x397: {  	v21 =	vld [tilespmem:s25+$0xFFFFFFA0]  }
0x398: {  	v22 =	vld [tilespmem:s25+$0xFFFFFFB0]  }
0x399: {  	v10 =	vld [tilespmem:s25+$0xFFFFFFC0];
	v3 =	vmul.f32 v3, v2  }
0x39a: {  	v9 =	vld [tilespmem:s25+$0xFFFFFFD0];
	v23 =	vmul.f32 v8, v7  }
0x39b: {  	v2 =	vmul.f32 v6, v4;
	v12 =	vmul.f32 v12, v11;
	v7 =	vld [tilespmem:s25+$0xFFFFFFE0];
	v6 =	vadd.f32 v3, v5  }
0x39c: {  	v4 =	vmul.f32 v14, v13;
	v8 =	vld [tilespmem:s25+$0xFFFFFFF0];
	v5 =	vmul.f32 v16, v15;
	v13 =	vadd.f32 v23, v21  }
0x39d: {  	s8 =	simm.s32 $0xC170;
	s19 =	simm.s32 $0x4070;
	s0 =	simm.s32 $0x0;
	v11 =	vld [tilespmem:s25+$0xFFFFFF90];
	v3 =	vmul.f32 v18, v17;
	v12 =	vadd.f32 v12, v22;
	[tilespmem:s25+$0x0] =	vst v6;
	v6 =	vmul.f32 v20, v19  }
.LBB2_24:
0x39e: {  	v14 =	vld [tilespmem:s8+$0x0];
	[tilespmem:s25+$0xFFFFFFA0] =	vst v13;
	v4 =	vadd.f32 v4, v10;
	s18 =	sadd.s32 $0x100, s18  }
0x39f: {  	s0 =	sadd.s32 $0x80, s0;
	v10 =	vld [tilespmem:s18+$0x0];
	[tilespmem:s25+$0xFFFFFFB0] =	vst v12;
	v5 =	vadd.f32 v5, v9  }
0x3a0: {  	p0 =	slt.u32 s0, $0xF80;
	s25 =	sadd.s32 $0x100, s25;
	v9 =	vld [tilespmem:s8+$0xFFFFFF90];
	[tilespmem:s19+$0xFFFFFFC0] =	vst v4;
	v3 =	vadd.f32 v3, v7  }
0x3a1: {  	v4 =	vld [tilespmem:s25+$0x0];
	[tilespmem:s19+$0xFFFFFFD0] =	vst v5;
	v5 =	vadd.f32 v6, v8  }
0x3a2: {  	v6 =	vld [tilespmem:s18+$0xFFFFFF90];
	v2 =	vadd.f32 v2, v11;
	[tilespmem:s19+$0xFFFFFFE0] =	vst v3  }
0x3a3: {  	v3 =	vld [tilespmem:s8+$0xFFFFFFA0];
	[tilespmem:s19+$0xFFFFFFF0] =	vst v5  }
0x3a4: {  	v5 =	vld [tilespmem:s18+$0xFFFFFFA0];
	v7 =	vmul.f32 v10, v14;
	[tilespmem:s19+$0xFFFFFF90] =	vst v2;
	s19 =	smov.u32 s25  }
0x3a5: {  	v8 =	vld [tilespmem:s8+$0xFFFFFFB0]  }
0x3a6: {  	v10 =	vld [tilespmem:s18+$0xFFFFFFB0];
	v4 =	vadd.f32 v7, v4  }
0x3a7: {  	v2 =	vmul.f32 v6, v9;
	v6 =	vld [tilespmem:s8+$0xFFFFFFC0]  }
0x3a8: {  	s2 =	simm.s32 $0x40F0;
	s17 =	simm.s32 $0xC0F0;
	s20 =	simm.s32 $0x140F0;
	v7 =	vld [tilespmem:s18+$0xFFFFFFC0];
	[tilespmem:s25+$0x0] =	vst v4  }
0x3a9: {  	v11 =	vmul.f32 v5, v3;
	v3 =	vld [tilespmem:s8+$0xFFFFFFD0]  }
0x3aa: {  	v5 =	vld [tilespmem:s18+$0xFFFFFFD0]  }
0x3ab: {  	v12 =	vmul.f32 v10, v8;
	v8 =	vld [tilespmem:s8+$0xFFFFFFE0]  }
0x3ac: {  	v9 =	vld [tilespmem:s18+$0xFFFFFFE0]  }
0x3ad: {  	v4 =	vmul.f32 v7, v6;
	v6 =	vld [tilespmem:s8+$0xFFFFFFF0]  }
0x3ae: {  	v13 =	vld [tilespmem:s18+$0xFFFFFFF0]  }
0x3af: {  	v14 =	vld [tilespmem:s25+$0xFFFFFFA0];
	v5 =	vmul.f32 v5, v3  }
0x3b0: {  	v15 =	vld [tilespmem:s25+$0xFFFFFFB0]  }
.Ltmp11:
0x3b1: {  	v10 =	vld [tilespmem:s25+$0xFFFFFFC0];
	v3 =	vmul.f32 v9, v8;
	(pc) =	sbr.rel @p0 .LBB2_24-.Ltmp11, $4  }
0x3b2: {  	v9 =	vld [tilespmem:s25+$0xFFFFFFD0]  }
0x3b3: {  	v7 =	vld [tilespmem:s25+$0xFFFFFFE0];
	v6 =	vmul.f32 v13, v6  }
0x3b4: {  	v13 =	vadd.f32 v11, v14;
	v8 =	vld [tilespmem:s25+$0xFFFFFFF0]  }
0x3b5: {  	s8 =	sadd.s32 $0x100, s8;
	v11 =	vld [tilespmem:s25+$0xFFFFFF90];
	v12 =	vadd.f32 v12, v15  }
0x3b6: {  	[tilespmem:s25+$0xFFFFFFA0] =	vst v13;
	v4 =	vadd.f32 v4, v10  }
0x3b7: {  	[tilespmem:s25+$0xFFFFFFB0] =	vst v12;
	v5 =	vadd.f32 v5, v9  }
0x3b8: {  	[tilespmem:s19+$0xFFFFFFC0] =	vst v4;
	v3 =	vadd.f32 v3, v7  }
0x3b9: {  	[tilespmem:s19+$0xFFFFFFD0] =	vst v5;
	v4 =	vadd.f32 v6, v8  }
0x3ba: {  	v2 =	vadd.f32 v2, v11;
	[tilespmem:s19+$0xFFFFFFE0] =	vst v3  }
0x3bb: {  	[tilespmem:s19+$0xFFFFFFF0] =	vst v4  }
0x3bc: {  	[tilespmem:s19+$0xFFFFFF90] =	vst v2  }
0x3bd: {  	v2 =	vld [tilespmem:s17+$0x0]  }
0x3be: {  	v3 =	vld [tilespmem:s20+$0x0]  }
0x3bf: {  	v4 =	vld [tilespmem:s17+$0xFFFFFF90]  }
0x3c0: {  	v5 =	vld [tilespmem:s2+$0x0]  }
0x3c1: {  	v6 =	vld [tilespmem:s20+$0xFFFFFF90]  }
0x3c2: {  	v7 =	vld [tilespmem:s17+$0xFFFFFFA0]  }
0x3c3: {  	v8 =	vld [tilespmem:s20+$0xFFFFFFA0]  }
0x3c4: {  	v11 =	vld [tilespmem:s17+$0xFFFFFFB0]  }
0x3c5: {  	v12 =	vld [tilespmem:s20+$0xFFFFFFB0]  }
0x3c6: {  	v13 =	vld [tilespmem:s17+$0xFFFFFFC0]  }
0x3c7: {  	v14 =	vld [tilespmem:s20+$0xFFFFFFC0]  }
0x3c8: {  	v15 =	vld [tilespmem:s17+$0xFFFFFFD0]  }
0x3c9: {  	v16 =	vld [tilespmem:s20+$0xFFFFFFD0]  }
0x3ca: {  	v17 =	vld [tilespmem:s17+$0xFFFFFFE0]  }
0x3cb: {  	v18 =	vld [tilespmem:s20+$0xFFFFFFE0]  }
0x3cc: {  	v19 =	vld [tilespmem:s17+$0xFFFFFFF0]  }
0x3cd: {  	v20 =	vld [tilespmem:s20+$0xFFFFFFF0]  }
0x3ce: {  	v21 =	vld [tilespmem:s2+$0xFFFFFFA0]  }
0x3cf: {  	v22 =	vld [tilespmem:s2+$0xFFFFFFB0]  }
0x3d0: {  	v10 =	vld [tilespmem:s2+$0xFFFFFFC0];
	v3 =	vmul.f32 v3, v2  }
0x3d1: {  	v9 =	vld [tilespmem:s2+$0xFFFFFFD0];
	v23 =	vmul.f32 v8, v7  }
0x3d2: {  	v2 =	vmul.f32 v6, v4;
	v12 =	vmul.f32 v12, v11;
	v7 =	vld [tilespmem:s2+$0xFFFFFFE0];
	v6 =	vadd.f32 v3, v5  }
0x3d3: {  	s0 =	simm.s32 $0x0;
	v4 =	vmul.f32 v14, v13;
	v8 =	vld [tilespmem:s2+$0xFFFFFFF0];
	v5 =	vmul.f32 v16, v15;
	v13 =	vadd.f32 v23, v21  }
0x3d4: {  	s8 =	simm.s32 $0xC1F0;
	s18 =	simm.s32 $0x40F0;
	s25 =	simm.s32 $0x6000;
	v11 =	vld [tilespmem:s2+$0xFFFFFF90];
	v3 =	vmul.f32 v18, v17;
	v12 =	vadd.f32 v12, v22;
	[tilespmem:s2+$0x0] =	vst v6;
	v6 =	vmul.f32 v20, v19  }
.LBB2_26:
0x3d5: {  	v14 =	vld [tilespmem:s8+$0x0];
	[tilespmem:s2+$0xFFFFFFA0] =	vst v13;
	v4 =	vadd.f32 v4, v10;
	s20 =	sadd.s32 $0x100, s20  }
0x3d6: {  	s0 =	sadd.s32 $0x80, s0;
	v10 =	vld [tilespmem:s20+$0x0];
	[tilespmem:s2+$0xFFFFFFB0] =	vst v12;
	v5 =	vadd.f32 v5, v9  }
0x3d7: {  	p0 =	slt.u32 s0, $0xF80;
	s2 =	sadd.s32 $0x100, s2;
	v9 =	vld [tilespmem:s8+$0xFFFFFF90];
	[tilespmem:s18+$0xFFFFFFC0] =	vst v4;
	v3 =	vadd.f32 v3, v7  }
0x3d8: {  	v4 =	vld [tilespmem:s2+$0x0];
	[tilespmem:s18+$0xFFFFFFD0] =	vst v5;
	v5 =	vadd.f32 v6, v8  }
0x3d9: {  	v6 =	vld [tilespmem:s20+$0xFFFFFF90];
	v2 =	vadd.f32 v2, v11;
	[tilespmem:s18+$0xFFFFFFE0] =	vst v3  }
0x3da: {  	v3 =	vld [tilespmem:s8+$0xFFFFFFA0];
	[tilespmem:s18+$0xFFFFFFF0] =	vst v5  }
0x3db: {  	v5 =	vld [tilespmem:s20+$0xFFFFFFA0];
	v7 =	vmul.f32 v10, v14;
	[tilespmem:s18+$0xFFFFFF90] =	vst v2;
	s18 =	smov.u32 s2  }
0x3dc: {  	v8 =	vld [tilespmem:s8+$0xFFFFFFB0]  }
0x3dd: {  	v10 =	vld [tilespmem:s20+$0xFFFFFFB0];
	v4 =	vadd.f32 v7, v4  }
0x3de: {  	v2 =	vmul.f32 v6, v9;
	v6 =	vld [tilespmem:s8+$0xFFFFFFC0]  }
0x3df: {  	v7 =	vld [tilespmem:s20+$0xFFFFFFC0];
	[tilespmem:s2+$0x0] =	vst v4  }
0x3e0: {  	v11 =	vmul.f32 v5, v3;
	v3 =	vld [tilespmem:s8+$0xFFFFFFD0]  }
0x3e1: {  	v5 =	vld [tilespmem:s20+$0xFFFFFFD0]  }
0x3e2: {  	v12 =	vmul.f32 v10, v8;
	v8 =	vld [tilespmem:s8+$0xFFFFFFE0]  }
0x3e3: {  	v9 =	vld [tilespmem:s20+$0xFFFFFFE0]  }
0x3e4: {  	v4 =	vmul.f32 v7, v6;
	v6 =	vld [tilespmem:s8+$0xFFFFFFF0]  }
0x3e5: {  	v13 =	vld [tilespmem:s20+$0xFFFFFFF0]  }
0x3e6: {  	v14 =	vld [tilespmem:s2+$0xFFFFFFA0];
	v5 =	vmul.f32 v5, v3  }
0x3e7: {  	v15 =	vld [tilespmem:s2+$0xFFFFFFB0]  }
.Ltmp12:
0x3e8: {  	v10 =	vld [tilespmem:s2+$0xFFFFFFC0];
	v3 =	vmul.f32 v9, v8;
	(pc) =	sbr.rel @p0 .LBB2_26-.Ltmp12, $4  }
0x3e9: {  	v9 =	vld [tilespmem:s2+$0xFFFFFFD0]  }
0x3ea: {  	v7 =	vld [tilespmem:s2+$0xFFFFFFE0];
	v6 =	vmul.f32 v13, v6  }
0x3eb: {  	v13 =	vadd.f32 v11, v14;
	v8 =	vld [tilespmem:s2+$0xFFFFFFF0]  }
0x3ec: {  	s8 =	sadd.s32 $0x100, s8;
	v11 =	vld [tilespmem:s2+$0xFFFFFF90];
	v12 =	vadd.f32 v12, v15  }
0x3ed: {  	[tilespmem:s2+$0xFFFFFFA0] =	vst v13;
	v4 =	vadd.f32 v4, v10  }
0x3ee: {  	[tilespmem:s2+$0xFFFFFFB0] =	vst v12;
	v5 =	vadd.f32 v5, v9  }
0x3ef: {  	[tilespmem:s18+$0xFFFFFFC0] =	vst v4;
	v3 =	vadd.f32 v3, v7  }
0x3f0: {  	[tilespmem:s18+$0xFFFFFFD0] =	vst v5;
	v4 =	vadd.f32 v6, v8  }
0x3f1: {  	v2 =	vadd.f32 v2, v11;
	[tilespmem:s18+$0xFFFFFFE0] =	vst v3  }
0x3f2: {  	[tilespmem:s18+$0xFFFFFFF0] =	vst v4  }
0x3f3: {  	[tilespmem:s18+$0xFFFFFF90] =	vst v2  }
0x3f4: {  	s19 =	simm.s32 $0x4000;
	s31 =	simm.s32 $0x3;
	s0 =	rddreg [dreg:$0x11]  }
0x3f5: {  	[hbm4b:s0+s28] =	stream.strided.scatter [tilespmem:s19], [sflag:$0xE], $0x2000, s29, s28, $0x38;
	[tilespmem:$0x1A000] =	vst v63  }
0x3f6: {  	_ =	swait.ge [sflag:s31], $0x2000  }
0x3f7: {  	[sflag:s31] =	ssyncset.done $0x0  }
0x3f8: {  	[sflag:s31] =	ssyncadd.s32 $0xFFFFE000  }
0x3f9: {  	_ =	swait.ge [sflag:s6], $0x2000  }
0x3fa: {  	[sflag:s6] =	ssyncset.done $0x0  }
0x3fb: {  	[sflag:s6] =	ssyncadd.s32 $0xFFFFE000  }
0x3fc: {  	_ =	swait.ge [sflag:s15], $0x2000  }
0x3fd: {  	[sflag:s15] =	ssyncset.done $0x0  }
0x3fe: {  	s2 =	simm.s32 $0x0;
	[sflag:s15] =	ssyncadd.s32 $0xFFFFE000  }
0x3ff: {  	v2 =	vld [tilespmem:s2+$0xE070]  }
0x400: {  	v3 =	vld [tilespmem:s2+$0x16070]  }
0x401: {  	v4 =	vld [tilespmem:s2+$0xE000]  }
0x402: {  	v5 =	vld [tilespmem:s2+$0x6070]  }
0x403: {  	v6 =	vld [tilespmem:s2+$0x16000]  }
0x404: {  	v7 =	vld [tilespmem:s2+$0xE010]  }
0x405: {  	v8 =	vld [tilespmem:s2+$0x16010]  }
0x406: {  	v10 =	vld [tilespmem:s2+$0xE020]  }
0x407: {  	v11 =	vld [tilespmem:s2+$0x16020]  }
0x408: {  	v13 =	vld [tilespmem:s2+$0xE030]  }
0x409: {  	v14 =	vld [tilespmem:s2+$0x16030]  }
0x40a: {  	v15 =	vld [tilespmem:s2+$0xE040]  }
0x40b: {  	v16 =	vld [tilespmem:s2+$0x16040]  }
0x40c: {  	v17 =	vld [tilespmem:s2+$0xE050]  }
0x40d: {  	v18 =	vld [tilespmem:s2+$0x16050]  }
0x40e: {  	v19 =	vld [tilespmem:s2+$0xE060]  }
0x40f: {  	v20 =	vld [tilespmem:s2+$0x16060]  }
0x410: {  	v21 =	vld [tilespmem:s2+$0x6000]  }
0x411: {  	v12 =	vld [tilespmem:s2+$0x6010];
	v2 =	vmul.f32 v3, v2  }
0x412: {  	v9 =	vld [tilespmem:s2+$0x6020];
	v22 =	vmul.f32 v6, v4  }
0x413: {  	v3 =	vmul.f32 v14, v13;
	v6 =	vadd.f32 v2, v5;
	v2 =	vmul.f32 v11, v10;
	v10 =	vld [tilespmem:s2+$0x6030]  }
0x414: {  	v4 =	vmul.f32 v16, v15;
	v5 =	vmul.f32 v8, v7;
	v8 =	vld [tilespmem:s2+$0x6040]  }
0x415: {  	s8 =	simm.s32 $0x400;
	s18 =	simm.s32 $0x0;
	s0 =	simm.s32 $0x0;
	v7 =	vmul.f32 v20, v19;
	v13 =	vadd.f32 v22, v21;
	v11 =	vld [tilespmem:s2+$0x6050];
	[tilespmem:s2+$0x6070] =	vst v6;
	v6 =	vmul.f32 v18, v17  }
.LBB2_28:
0x416: {  	s17 =	sshra.s32 s8, $0x2;
	v5 =	vadd.f32 v5, v12;
	v12 =	vld [tilespmem:s18+$0x6060]  }
0x417: {  	s0 =	sadd.s32 $0x80, s0;
	v14 =	vld [tilespmem:s17+$0xE070];
	[tilespmem:s18+$0x6000] =	vst v13;
	v2 =	vadd.f32 v2, v9  }
0x418: {  	p0 =	slt.u32 s0, $0xF80;
	v9 =	vld [tilespmem:s17+$0x16070];
	[tilespmem:s18+$0x6010] =	vst v5;
	v3 =	vadd.f32 v3, v10  }
0x419: {  	v5 =	vld [tilespmem:s17+$0xE000];
	[tilespmem:s18+$0x6020] =	vst v2;
	v2 =	vadd.f32 v4, v8  }
0x41a: {  	v4 =	vld [tilespmem:s17+$0x6070];
	[tilespmem:s18+$0x6030] =	vst v3;
	v3 =	vadd.f32 v6, v11  }
0x41b: {  	v6 =	vld [tilespmem:s17+$0x16000];
	[tilespmem:s18+$0x6040] =	vst v2;
	v2 =	vadd.f32 v7, v12  }
0x41c: {  	v7 =	vld [tilespmem:s17+$0xE010];
	[tilespmem:s18+$0x6050] =	vst v3  }
0x41d: {  	v3 =	vld [tilespmem:s17+$0x16010];
	v8 =	vmul.f32 v9, v14;
	[tilespmem:s18+$0x6060] =	vst v2;
	s18 =	smov.u32 s17  }
0x41e: {  	v2 =	vld [tilespmem:s18+$0xE020]  }
0x41f: {  	v9 =	vld [tilespmem:s18+$0x16020];
	v4 =	vadd.f32 v8, v4  }
0x420: {  	v11 =	vmul.f32 v6, v5;
	v6 =	vld [tilespmem:s18+$0xE030]  }
0x421: {  	v8 =	vld [tilespmem:s18+$0x16030];
	[tilespmem:s18+$0x6070] =	vst v4  }
0x422: {  	v5 =	vmul.f32 v3, v7;
	v4 =	vld [tilespmem:s18+$0xE040]  }
0x423: {  	v7 =	vld [tilespmem:s18+$0x16040]  }
0x424: {  	v2 =	vmul.f32 v9, v2;
	v10 =	vld [tilespmem:s18+$0xE050]  }
0x425: {  	v13 =	vld [tilespmem:s18+$0x16050]  }
0x426: {  	v3 =	vmul.f32 v8, v6;
	v14 =	vld [tilespmem:s18+$0xE060]  }
0x427: {  	v15 =	vld [tilespmem:s18+$0x16060]  }
0x428: {  	v16 =	vld [tilespmem:s18+$0x6000];
	v4 =	vmul.f32 v7, v4  }
.Ltmp13:
0x429: {  	v12 =	vld [tilespmem:s18+$0x6010];
	(pc) =	sbr.rel @p0 .LBB2_28-.Ltmp13, $4  }
0x42a: {  	v9 =	vld [tilespmem:s18+$0x6020];
	v6 =	vmul.f32 v13, v10  }
0x42b: {  	v10 =	vld [tilespmem:s18+$0x6030]  }
0x42c: {  	v8 =	vld [tilespmem:s18+$0x6040];
	v7 =	vmul.f32 v15, v14  }
0x42d: {  	s8 =	sadd.s32 $0x400, s8;
	v13 =	vadd.f32 v11, v16;
	v11 =	vld [tilespmem:s18+$0x6050]  }
0x42e: {  	v5 =	vadd.f32 v5, v12;
	v12 =	vld [tilespmem:s18+$0x6060]  }
0x42f: {  	[tilespmem:s18+$0x6000] =	vst v13;
	v2 =	vadd.f32 v2, v9  }
0x430: {  	[tilespmem:s18+$0x6010] =	vst v5;
	v3 =	vadd.f32 v3, v10  }
0x431: {  	[tilespmem:s18+$0x6020] =	vst v2;
	v2 =	vadd.f32 v4, v8  }
0x432: {  	[tilespmem:s18+$0x6030] =	vst v3;
	v3 =	vadd.f32 v6, v11  }
0x433: {  	[tilespmem:s18+$0x6040] =	vst v2;
	v2 =	vadd.f32 v7, v12  }
0x434: {  	[tilespmem:s18+$0x6050] =	vst v3  }
0x435: {  	[tilespmem:s18+$0x6060] =	vst v2  }
0x436: {  	v2 =	vld [tilespmem:s2+$0xE0F0]  }
0x437: {  	v3 =	vld [tilespmem:s2+$0x160F0]  }
0x438: {  	v4 =	vld [tilespmem:s2+$0xE080]  }
0x439: {  	v5 =	vld [tilespmem:s2+$0x60F0]  }
0x43a: {  	v6 =	vld [tilespmem:s2+$0x16080]  }
0x43b: {  	v7 =	vld [tilespmem:s2+$0xE090]  }
0x43c: {  	v8 =	vld [tilespmem:s2+$0x16090]  }
0x43d: {  	v10 =	vld [tilespmem:s2+$0xE0A0]  }
0x43e: {  	v11 =	vld [tilespmem:s2+$0x160A0]  }
0x43f: {  	v13 =	vld [tilespmem:s2+$0xE0B0]  }
0x440: {  	v14 =	vld [tilespmem:s2+$0x160B0]  }
0x441: {  	v15 =	vld [tilespmem:s2+$0xE0C0]  }
0x442: {  	v16 =	vld [tilespmem:s2+$0x160C0]  }
0x443: {  	v17 =	vld [tilespmem:s2+$0xE0D0]  }
0x444: {  	v18 =	vld [tilespmem:s2+$0x160D0]  }
0x445: {  	v19 =	vld [tilespmem:s2+$0xE0E0]  }
0x446: {  	v20 =	vld [tilespmem:s2+$0x160E0]  }
0x447: {  	v21 =	vld [tilespmem:s2+$0x6080]  }
0x448: {  	v12 =	vld [tilespmem:s2+$0x6090];
	v2 =	vmul.f32 v3, v2  }
0x449: {  	v9 =	vld [tilespmem:s2+$0x60A0];
	v22 =	vmul.f32 v6, v4  }
0x44a: {  	v3 =	vmul.f32 v14, v13;
	v6 =	vadd.f32 v2, v5;
	v2 =	vmul.f32 v11, v10;
	v10 =	vld [tilespmem:s2+$0x60B0]  }
0x44b: {  	v4 =	vmul.f32 v16, v15;
	v5 =	vmul.f32 v8, v7;
	v8 =	vld [tilespmem:s2+$0x60C0]  }
0x44c: {  	s0 =	simm.s32 $0x0;
	s8 =	simm.s32 $0x400;
	v7 =	vmul.f32 v20, v19;
	v13 =	vadd.f32 v22, v21;
	v11 =	vld [tilespmem:s2+$0x60D0];
	[tilespmem:s2+$0x60F0] =	vst v6;
	v6 =	vmul.f32 v18, v17  }
.LBB2_30:
0x44d: {  	s17 =	sshra.s32 s8, $0x2;
	v5 =	vadd.f32 v5, v12;
	v12 =	vld [tilespmem:s2+$0x60E0]  }
0x44e: {  	s0 =	sadd.s32 $0x80, s0;
	v14 =	vld [tilespmem:s17+$0xE0F0];
	[tilespmem:s2+$0x6080] =	vst v13;
	v2 =	vadd.f32 v2, v9  }
0x44f: {  	p0 =	slt.u32 s0, $0xF80;
	v9 =	vld [tilespmem:s17+$0x160F0];
	[tilespmem:s2+$0x6090] =	vst v5;
	v3 =	vadd.f32 v3, v10  }
0x450: {  	v5 =	vld [tilespmem:s17+$0xE080];
	[tilespmem:s2+$0x60A0] =	vst v2;
	v2 =	vadd.f32 v4, v8  }
0x451: {  	v4 =	vld [tilespmem:s17+$0x60F0];
	[tilespmem:s2+$0x60B0] =	vst v3;
	v3 =	vadd.f32 v6, v11  }
0x452: {  	v6 =	vld [tilespmem:s17+$0x16080];
	[tilespmem:s2+$0x60C0] =	vst v2;
	v2 =	vadd.f32 v7, v12  }
0x453: {  	v7 =	vld [tilespmem:s17+$0xE090];
	[tilespmem:s2+$0x60D0] =	vst v3  }
0x454: {  	v3 =	vld [tilespmem:s17+$0x16090];
	v8 =	vmul.f32 v9, v14;
	[tilespmem:s2+$0x60E0] =	vst v2;
	s2 =	smov.u32 s17  }
0x455: {  	v2 =	vld [tilespmem:s2+$0xE0A0]  }
0x456: {  	v9 =	vld [tilespmem:s2+$0x160A0];
	v4 =	vadd.f32 v8, v4  }
0x457: {  	v11 =	vmul.f32 v6, v5;
	v6 =	vld [tilespmem:s2+$0xE0B0]  }
0x458: {  	v8 =	vld [tilespmem:s2+$0x160B0];
	[tilespmem:s2+$0x60F0] =	vst v4  }
0x459: {  	v5 =	vmul.f32 v3, v7;
	v4 =	vld [tilespmem:s2+$0xE0C0]  }
0x45a: {  	v7 =	vld [tilespmem:s2+$0x160C0]  }
0x45b: {  	v2 =	vmul.f32 v9, v2;
	v10 =	vld [tilespmem:s2+$0xE0D0]  }
0x45c: {  	v13 =	vld [tilespmem:s2+$0x160D0]  }
0x45d: {  	v3 =	vmul.f32 v8, v6;
	v14 =	vld [tilespmem:s2+$0xE0E0]  }
0x45e: {  	v15 =	vld [tilespmem:s2+$0x160E0]  }
0x45f: {  	v16 =	vld [tilespmem:s2+$0x6080];
	v4 =	vmul.f32 v7, v4  }
.Ltmp14:
0x460: {  	v12 =	vld [tilespmem:s2+$0x6090];
	(pc) =	sbr.rel @p0 .LBB2_30-.Ltmp14, $4  }
0x461: {  	v9 =	vld [tilespmem:s2+$0x60A0];
	v6 =	vmul.f32 v13, v10  }
0x462: {  	v10 =	vld [tilespmem:s2+$0x60B0]  }
0x463: {  	v8 =	vld [tilespmem:s2+$0x60C0];
	v7 =	vmul.f32 v15, v14  }
0x464: {  	s8 =	sadd.s32 $0x400, s8;
	v13 =	vadd.f32 v11, v16;
	v11 =	vld [tilespmem:s2+$0x60D0]  }
0x465: {  	v5 =	vadd.f32 v5, v12;
	v12 =	vld [tilespmem:s2+$0x60E0]  }
0x466: {  	[tilespmem:s2+$0x6080] =	vst v13;
	v2 =	vadd.f32 v2, v9  }
0x467: {  	[tilespmem:s2+$0x6090] =	vst v5;
	v3 =	vadd.f32 v3, v10  }
0x468: {  	[tilespmem:s2+$0x60A0] =	vst v2;
	v2 =	vadd.f32 v4, v8  }
0x469: {  	[tilespmem:s2+$0x60B0] =	vst v3;
	v3 =	vadd.f32 v6, v11  }
0x46a: {  	[tilespmem:s2+$0x60C0] =	vst v2;
	v2 =	vadd.f32 v7, v12  }
0x46b: {  	[tilespmem:s2+$0x60D0] =	vst v3  }
0x46c: {  	[tilespmem:s2+$0x60E0] =	vst v2  }
0x46d: {  	s0 =	rddreg [dreg:$0x12]  }
0x46e: {  	[hbm4b:s0+s28] =	stream.strided.scatter [tilespmem:s25], [sflag:$0xF], $0x2000, s29, s28, $0x38;
	[tilespmem:$0x1A000] =	vst v63  }
0x46f: {  	_ =	swait.ge [sflag:s22], $0x2000  }
0x470: {  	[sflag:s22] =	ssyncset.done $0x0  }
0x471: {  	[sflag:s22] =	ssyncadd.s32 $0xFFFFE000  }
0x472: {  	_ =	swait.ge [sflag:s23], $0x2000  }
0x473: {  	[sflag:s23] =	ssyncset.done $0x0  }
0x474: {  	[sflag:s23] =	ssyncadd.s32 $0xFFFFE000  }
0x475: {  	_ =	swait.ge [sflag:s21], $0x2000  }
0x476: {  	[sflag:s21] =	ssyncset.done $0x0  }
0x477: {  	s2 =	simm.s32 $0x0;
	[sflag:s21] =	ssyncadd.s32 $0xFFFFE000  }
0x478: {  	v2 =	vld [tilespmem:s2+$0x10070]  }
0x479: {  	v3 =	vld [tilespmem:s2+$0x18070]  }
0x47a: {  	v4 =	vld [tilespmem:s2+$0x10000]  }
0x47b: {  	v5 =	vld [tilespmem:s2+$0x8070]  }
0x47c: {  	v6 =	vld [tilespmem:s2+$0x18000]  }
0x47d: {  	v7 =	vld [tilespmem:s2+$0x10010]  }
0x47e: {  	v8 =	vld [tilespmem:s2+$0x18010]  }
0x47f: {  	v10 =	vld [tilespmem:s2+$0x10020]  }
0x480: {  	v11 =	vld [tilespmem:s2+$0x18020]  }
0x481: {  	v13 =	vld [tilespmem:s2+$0x10030]  }
0x482: {  	v14 =	vld [tilespmem:s2+$0x18030]  }
0x483: {  	v15 =	vld [tilespmem:s2+$0x10040]  }
0x484: {  	v16 =	vld [tilespmem:s2+$0x18040]  }
0x485: {  	v17 =	vld [tilespmem:s2+$0x10050]  }
0x486: {  	v18 =	vld [tilespmem:s2+$0x18050]  }
0x487: {  	v19 =	vld [tilespmem:s2+$0x10060]  }
0x488: {  	v20 =	vld [tilespmem:s2+$0x18060]  }
0x489: {  	v21 =	vld [tilespmem:s2+$0x8000]  }
0x48a: {  	v12 =	vld [tilespmem:s2+$0x8010];
	v2 =	vmul.f32 v3, v2  }
0x48b: {  	v9 =	vld [tilespmem:s2+$0x8020];
	v22 =	vmul.f32 v6, v4  }
0x48c: {  	v3 =	vmul.f32 v14, v13;
	v6 =	vadd.f32 v2, v5;
	v2 =	vmul.f32 v11, v10;
	v10 =	vld [tilespmem:s2+$0x8030]  }
0x48d: {  	v4 =	vmul.f32 v16, v15;
	v5 =	vmul.f32 v8, v7;
	v8 =	vld [tilespmem:s2+$0x8040]  }
0x48e: {  	s8 =	simm.s32 $0x400;
	s18 =	simm.s32 $0x0;
	s0 =	simm.s32 $0x0;
	v7 =	vmul.f32 v20, v19;
	v13 =	vadd.f32 v22, v21;
	v11 =	vld [tilespmem:s2+$0x8050];
	[tilespmem:s2+$0x8070] =	vst v6;
	v6 =	vmul.f32 v18, v17  }
.LBB2_32:
0x48f: {  	s17 =	sshra.s32 s8, $0x2;
	v5 =	vadd.f32 v5, v12;
	v12 =	vld [tilespmem:s18+$0x8060]  }
0x490: {  	s0 =	sadd.s32 $0x80, s0;
	v14 =	vld [tilespmem:s17+$0x10070];
	[tilespmem:s18+$0x8000] =	vst v13;
	v2 =	vadd.f32 v2, v9  }
0x491: {  	p0 =	slt.u32 s0, $0xF80;
	v9 =	vld [tilespmem:s17+$0x18070];
	[tilespmem:s18+$0x8010] =	vst v5;
	v3 =	vadd.f32 v3, v10  }
0x492: {  	v5 =	vld [tilespmem:s17+$0x10000];
	[tilespmem:s18+$0x8020] =	vst v2;
	v2 =	vadd.f32 v4, v8  }
0x493: {  	v4 =	vld [tilespmem:s17+$0x8070];
	[tilespmem:s18+$0x8030] =	vst v3;
	v3 =	vadd.f32 v6, v11  }
0x494: {  	v6 =	vld [tilespmem:s17+$0x18000];
	[tilespmem:s18+$0x8040] =	vst v2;
	v2 =	vadd.f32 v7, v12  }
0x495: {  	v7 =	vld [tilespmem:s17+$0x10010];
	[tilespmem:s18+$0x8050] =	vst v3  }
0x496: {  	v3 =	vld [tilespmem:s17+$0x18010];
	v8 =	vmul.f32 v9, v14;
	[tilespmem:s18+$0x8060] =	vst v2;
	s18 =	smov.u32 s17  }
0x497: {  	v2 =	vld [tilespmem:s18+$0x10020]  }
0x498: {  	v9 =	vld [tilespmem:s18+$0x18020];
	v4 =	vadd.f32 v8, v4  }
0x499: {  	v11 =	vmul.f32 v6, v5;
	v6 =	vld [tilespmem:s18+$0x10030]  }
0x49a: {  	v8 =	vld [tilespmem:s18+$0x18030];
	[tilespmem:s18+$0x8070] =	vst v4  }
0x49b: {  	v5 =	vmul.f32 v3, v7;
	v4 =	vld [tilespmem:s18+$0x10040]  }
0x49c: {  	v7 =	vld [tilespmem:s18+$0x18040]  }
0x49d: {  	v2 =	vmul.f32 v9, v2;
	v10 =	vld [tilespmem:s18+$0x10050]  }
0x49e: {  	v13 =	vld [tilespmem:s18+$0x18050]  }
0x49f: {  	v3 =	vmul.f32 v8, v6;
	v14 =	vld [tilespmem:s18+$0x10060]  }
0x4a0: {  	v15 =	vld [tilespmem:s18+$0x18060]  }
0x4a1: {  	v16 =	vld [tilespmem:s18+$0x8000];
	v4 =	vmul.f32 v7, v4  }
.Ltmp15:
0x4a2: {  	v12 =	vld [tilespmem:s18+$0x8010];
	(pc) =	sbr.rel @p0 .LBB2_32-.Ltmp15, $4  }
0x4a3: {  	v9 =	vld [tilespmem:s18+$0x8020];
	v6 =	vmul.f32 v13, v10  }
0x4a4: {  	v10 =	vld [tilespmem:s18+$0x8030]  }
0x4a5: {  	v8 =	vld [tilespmem:s18+$0x8040];
	v7 =	vmul.f32 v15, v14  }
0x4a6: {  	s8 =	sadd.s32 $0x400, s8;
	v13 =	vadd.f32 v11, v16;
	v11 =	vld [tilespmem:s18+$0x8050]  }
0x4a7: {  	v5 =	vadd.f32 v5, v12;
	v12 =	vld [tilespmem:s18+$0x8060]  }
0x4a8: {  	[tilespmem:s18+$0x8000] =	vst v13;
	v2 =	vadd.f32 v2, v9  }
0x4a9: {  	[tilespmem:s18+$0x8010] =	vst v5;
	v3 =	vadd.f32 v3, v10  }
0x4aa: {  	[tilespmem:s18+$0x8020] =	vst v2;
	v2 =	vadd.f32 v4, v8  }
0x4ab: {  	[tilespmem:s18+$0x8030] =	vst v3;
	v3 =	vadd.f32 v6, v11  }
0x4ac: {  	[tilespmem:s18+$0x8040] =	vst v2;
	v2 =	vadd.f32 v7, v12  }
0x4ad: {  	[tilespmem:s18+$0x8050] =	vst v3  }
0x4ae: {  	[tilespmem:s18+$0x8060] =	vst v2  }
0x4af: {  	v2 =	vld [tilespmem:s2+$0x100F0]  }
0x4b0: {  	v3 =	vld [tilespmem:s2+$0x180F0]  }
0x4b1: {  	v4 =	vld [tilespmem:s2+$0x10080]  }
0x4b2: {  	v5 =	vld [tilespmem:s2+$0x80F0]  }
0x4b3: {  	v6 =	vld [tilespmem:s2+$0x18080]  }
0x4b4: {  	v7 =	vld [tilespmem:s2+$0x10090]  }
0x4b5: {  	v8 =	vld [tilespmem:s2+$0x18090]  }
0x4b6: {  	v10 =	vld [tilespmem:s2+$0x100A0]  }
0x4b7: {  	v11 =	vld [tilespmem:s2+$0x180A0]  }
0x4b8: {  	v13 =	vld [tilespmem:s2+$0x100B0]  }
0x4b9: {  	v14 =	vld [tilespmem:s2+$0x180B0]  }
0x4ba: {  	v15 =	vld [tilespmem:s2+$0x100C0]  }
0x4bb: {  	v16 =	vld [tilespmem:s2+$0x180C0]  }
0x4bc: {  	v17 =	vld [tilespmem:s2+$0x100D0]  }
0x4bd: {  	v18 =	vld [tilespmem:s2+$0x180D0]  }
0x4be: {  	v19 =	vld [tilespmem:s2+$0x100E0]  }
0x4bf: {  	v20 =	vld [tilespmem:s2+$0x180E0]  }
0x4c0: {  	v21 =	vld [tilespmem:s2+$0x8080]  }
0x4c1: {  	v12 =	vld [tilespmem:s2+$0x8090];
	v2 =	vmul.f32 v3, v2  }
0x4c2: {  	v9 =	vld [tilespmem:s2+$0x80A0];
	v22 =	vmul.f32 v6, v4  }
0x4c3: {  	v3 =	vmul.f32 v14, v13;
	v6 =	vadd.f32 v2, v5;
	v2 =	vmul.f32 v11, v10;
	v10 =	vld [tilespmem:s2+$0x80B0]  }
0x4c4: {  	v4 =	vmul.f32 v16, v15;
	v5 =	vmul.f32 v8, v7;
	v8 =	vld [tilespmem:s2+$0x80C0]  }
0x4c5: {  	s0 =	simm.s32 $0x0;
	s8 =	simm.s32 $0x400;
	v7 =	vmul.f32 v20, v19;
	v13 =	vadd.f32 v22, v21;
	v11 =	vld [tilespmem:s2+$0x80D0];
	[tilespmem:s2+$0x80F0] =	vst v6;
	v6 =	vmul.f32 v18, v17  }
.LBB2_34:
0x4c6: {  	s17 =	sshra.s32 s8, $0x2;
	v5 =	vadd.f32 v5, v12;
	v12 =	vld [tilespmem:s2+$0x80E0]  }
0x4c7: {  	s0 =	sadd.s32 $0x80, s0;
	v14 =	vld [tilespmem:s17+$0x100F0];
	[tilespmem:s2+$0x8080] =	vst v13;
	v2 =	vadd.f32 v2, v9  }
0x4c8: {  	p0 =	slt.u32 s0, $0xF80;
	v9 =	vld [tilespmem:s17+$0x180F0];
	[tilespmem:s2+$0x8090] =	vst v5;
	v3 =	vadd.f32 v3, v10  }
0x4c9: {  	v5 =	vld [tilespmem:s17+$0x10080];
	[tilespmem:s2+$0x80A0] =	vst v2;
	v2 =	vadd.f32 v4, v8  }
0x4ca: {  	v4 =	vld [tilespmem:s17+$0x80F0];
	[tilespmem:s2+$0x80B0] =	vst v3;
	v3 =	vadd.f32 v6, v11  }
0x4cb: {  	v6 =	vld [tilespmem:s17+$0x18080];
	[tilespmem:s2+$0x80C0] =	vst v2;
	v2 =	vadd.f32 v7, v12  }
0x4cc: {  	v7 =	vld [tilespmem:s17+$0x10090];
	[tilespmem:s2+$0x80D0] =	vst v3  }
0x4cd: {  	v3 =	vld [tilespmem:s17+$0x18090];
	v8 =	vmul.f32 v9, v14;
	[tilespmem:s2+$0x80E0] =	vst v2;
	s2 =	smov.u32 s17  }
0x4ce: {  	v2 =	vld [tilespmem:s2+$0x100A0]  }
0x4cf: {  	v9 =	vld [tilespmem:s2+$0x180A0];
	v4 =	vadd.f32 v8, v4  }
0x4d0: {  	v11 =	vmul.f32 v6, v5;
	v6 =	vld [tilespmem:s2+$0x100B0]  }
0x4d1: {  	v8 =	vld [tilespmem:s2+$0x180B0];
	[tilespmem:s2+$0x80F0] =	vst v4  }
0x4d2: {  	v5 =	vmul.f32 v3, v7;
	v4 =	vld [tilespmem:s2+$0x100C0]  }
0x4d3: {  	v7 =	vld [tilespmem:s2+$0x180C0]  }
0x4d4: {  	v2 =	vmul.f32 v9, v2;
	v10 =	vld [tilespmem:s2+$0x100D0]  }
0x4d5: {  	v13 =	vld [tilespmem:s2+$0x180D0]  }
0x4d6: {  	v3 =	vmul.f32 v8, v6;
	v14 =	vld [tilespmem:s2+$0x100E0]  }
0x4d7: {  	v15 =	vld [tilespmem:s2+$0x180E0]  }
0x4d8: {  	v16 =	vld [tilespmem:s2+$0x8080];
	v4 =	vmul.f32 v7, v4  }
.Ltmp16:
0x4d9: {  	v12 =	vld [tilespmem:s2+$0x8090];
	(pc) =	sbr.rel @p0 .LBB2_34-.Ltmp16, $4  }
0x4da: {  	v9 =	vld [tilespmem:s2+$0x80A0];
	v6 =	vmul.f32 v13, v10  }
0x4db: {  	v10 =	vld [tilespmem:s2+$0x80B0]  }
0x4dc: {  	v8 =	vld [tilespmem:s2+$0x80C0];
	v7 =	vmul.f32 v15, v14  }
0x4dd: {  	s8 =	sadd.s32 $0x400, s8;
	v13 =	vadd.f32 v11, v16;
	v11 =	vld [tilespmem:s2+$0x80D0]  }
0x4de: {  	v5 =	vadd.f32 v5, v12;
	v63 =	vld [tilespmem:s2+$0x80E0]  }
0x4df: {  	[tilespmem:s2+$0x8080] =	vst v13;
	v2 =	vadd.f32 v2, v9  }
0x4e0: {  	[tilespmem:s2+$0x8090] =	vst v5;
	v3 =	vadd.f32 v3, v10  }
0x4e1: {  	[tilespmem:s2+$0x80A0] =	vst v2;
	v2 =	vadd.f32 v4, v8  }
0x4e2: {  	[tilespmem:s2+$0x80B0] =	vst v3;
	v3 =	vadd.f32 v6, v11  }
0x4e3: {  	[tilespmem:s2+$0x80C0] =	vst v2;
	v2 =	vadd.f32 v7, v63  }
0x4e4: {  	[tilespmem:s2+$0x80D0] =	vst v3  }
0x4e5: {  	[tilespmem:s2+$0x80E0] =	vst v2  }
0x4e6: {  	s20 =	simm.s32 $0x8000;
	s26 =	simm.s32 $0xD;
	s0 =	rddreg [dreg:$0x13]  }
0x4e7: {  	[hbm4b:s0+s28] =	stream.strided.scatter [tilespmem:s20], [sflag:$0x10], $0x2000, s29, s28, $0x38;
	[tilespmem:$0x1A000] =	vst v63  }
0x4e8: {  	_ =	swait.ge [sflag:s26], $0x2000  }
0x4e9: {  	[sflag:s26] =	ssyncset.done $0x0  }
0x4ea: {  	[sflag:s26] =	ssyncadd.s32 $0xFFFFE000  }
0x4eb: {  	_ =	swait.ge [sflag:s16], $0x2000  }
0x4ec: {  	[sflag:s16] =	ssyncset.done $0x0  }
0x4ed: {  	[sflag:s16] =	ssyncadd.s32 $0xFFFFE000  }
0x4ee: {  	_ =	swait.ge [sflag:s24], $0x2000  }
0x4ef: {  	[sflag:s24] =	ssyncset.done $0x0  }
0x4f0: {  	[sflag:s24] =	ssyncadd.s32 $0xFFFFE000  }
0x4f1: {  	_ =	swait.ge [sflag:s1], $0x2000  }
0x4f2: {  	s30 =	rddreg [dreg:$0x14]  }
0x4f3: {  	s31 =	rddreg [dreg:$0xf];
	s2 =	sadd.s32 $0x1, s30  }
0x4f4: {  	p0 =	sne.s32 s2, s31  }
.Ltmp17:
0x4f5: {  	_ = 	snop;
	(pc) =	sbr.rel @p0 .LBB2_1-.Ltmp17, $3  }
0x4f6: {  	_ =	sdelay $0x1  }
0x4f7: {  	[sflag:s1] =	ssyncset.done $0x0  }
0x4f8: {  	s17 =	simm.s32 $0x2000;
	[sflag:s1] =	ssyncadd.s32 $0xFFFFE000  }
0x4f9: {  	_ =	sfence.sel $0x180000  }
0x4fa: {  	[bflag:$0x0] =	sbarrier.arrive $0xFFFF  }
0x4fb: {  	_ =	strace $0x90000047  }
0x4fc: {  	s0 =	stileid.u32;
	[bflag:$0x2] =	sbarrier.arrive $0xFFFF  }
0x4fd: {  	p0 =	sne.s32 s0, $0x0;
	s0 =	rddreg [dreg:$0x2]  }
0x4fe: {  	s0 =	sadd.s32 @!p0 $0x100000, s0  }
0x4ff: {  	[sflag:s0] =	ssyncadd.tile.s32 @!p0 $0x1;
	_ =	shalt  }
.Lfunc_end2:
_tile_overlayer_lowered:
.L_overlay_start_2:
0x500: {  	(tag) =	ssettag $0x2  }
0x501: {  	s0 =	rddreg [dreg:$0x0];
	s2 =	stileid.u32  }
0x502: {  	s1 =	rddreg [dreg:$0x1];
	p0 =	sne.s32 s2, $0x0  }
0x503: {  	s3 =	rddreg [dreg:$0x2];
	[bflag:$0x3] =	sbarrier.arrive $0xFFFF;
	s2 =	simm.s32 @!p0 $0x1C11  }
0x504: {  	[timem:s3], [sflag:s2] =	dma.local @!p0 [hbm:s0], s1  }
0x505: {  	s0 =	simm.s32 @!p0 $0x11  }
0x506: {  	_ =	swait.ge @!p0 [sflag:s0], s1  }
0x507: {  	s1 =	ssub.s32 @!p0 $0x0, s1;
	[sflag:s0] =	ssyncset.done @!p0 $0x0  }
0x508: {  	[sflag:s0] =	ssyncadd.s32 @!p0 s1  }
0x509: {  	[bflag:$0x3] =	sbarrier.arrive $0xFFFF  }
0x50a: {  	_ =	shalt  }

</sc_bundles>
